<compile_context>
chip_gen: v7x
topology: tpu7x:2x2x1
jax: 0.10.2.dev20260603
libtpu: 0.0.44.dev20260713+nightly
codegen_flags: <defaults>
</compile_context>

<pallas_src>
import functools

import jax
import jax.numpy as jnp
import numpy as np
from jax import lax
from jax.experimental import pallas as pl
from jax.experimental.pallas import tpu as pltpu
from jax.experimental.pallas import tpu_sc as plsc

_NUM_POINTS = 512
_L = 16


def _np_linspace0(stop, num):
    div = num - 1
    step = np.arange(div, dtype=np.float32) / np.float32(div)
    body = np.float32(stop) * step
    return np.concatenate([body, np.array([stop], np.float32)])


def _int_tables(H, W, mh, mw):
    ys = _np_linspace0(float(mh - 1), H)
    xs = _np_linspace0(float(mw - 1), W)
    y0 = np.clip(np.floor(ys).astype(np.int32), 0, mh - 1)
    x0 = np.clip(np.floor(xs).astype(np.int32), 0, mw - 1)
    y1 = np.clip(y0 + 1, 0, mh - 1)
    x1 = np.clip(x0 + 1, 0, mw - 1)
    return y0, x0, y1, x1


def _sc_sample(featT, maskf, cls_flat, y0n, x0n, y1n, x1n, wy, wx,
               *, B, M, H, W, C, mh, mw):
    K = _NUM_POINTS // M
    P = H * W
    mask_sz = mh * mw
    n_pairs = B * M
    HALF = P // 2
    ROWS = H // 2
    CPR = W // _L
    KH = K // 2
    NSUB = 16

    nrow0 = int(y1n[ROWS - 1]) + 1
    lo1 = int(y0n[ROWS])
    nrows = max(nrow0, mh - lo1)
    lo_by_half = (0, min(lo1, mh - nrows))

    mesh = plsc.VectorSubcoreMesh(core_axis_name="c", subcore_axis_name="s",
                                  num_cores=2, num_subcores=NSUB)

    @functools.partial(
        pl.kernel,
        out_type=(
            jax.ShapeDtypeStruct((B * _NUM_POINTS, C), jnp.float32),
            jax.ShapeDtypeStruct((3 * B * _NUM_POINTS,), jnp.int32),
        ),
        mesh=mesh,
        compiler_params=pltpu.CompilerParams(needs_layout_passes=False),
        scratch_types=[
            pltpu.VMEM((nrows, mw), jnp.float32),
            pltpu.VMEM((H,), jnp.int32),
            pltpu.VMEM((H,), jnp.int32),
            pltpu.VMEM((W,), jnp.int32),
            pltpu.VMEM((W,), jnp.int32),
            pltpu.VMEM((H,), jnp.float32),
            pltpu.VMEM((W,), jnp.float32),
            pltpu.VMEM((K,), jnp.int32),
            pltpu.VMEM((K,), jnp.int32),
            pltpu.VMEM((_L,), jnp.int32),
            pltpu.VMEM((K,), jnp.int32),
            pltpu.VMEM((K,), jnp.int32),
            pltpu.VMEM((K,), jnp.int32),
            pltpu.VMEM((_L,), jnp.int32),
            pltpu.VMEM((_L,), jnp.int32),
            pltpu.VMEM((KH,), jnp.int32),
            pltpu.VMEM((KH,), jnp.int32),
            pltpu.VMEM((KH, C), jnp.float32),
            pltpu.VMEM((1, C), jnp.float32),
            pltpu.VMEM((KH,), jnp.int32),
            pltpu.VMEM((KH,), jnp.int32),
            pltpu.VMEM((KH,), jnp.int32),
            pltpu.VMEM_SHARED((NSUB * K,), jnp.int32),
            pltpu.VMEM_SHARED((NSUB * K,), jnp.int32),
            pltpu.VMEM_SHARED((NSUB * _L,), jnp.int32),
            pltpu.SemaphoreType.DMA,
        ],
    )
    def body(featT_h, maskf_h, cls_h, y0_h, y1_h, x0_h, x1_h, wy_h, wx_h,
             points_h, indices_h, mask_v, y0_v, y1_v, x0_v, x1_v,
             wy_v, wx_v, tloc_v, floc_v, cnt_v, t0_v, t1_v, f0_v, c0_v,
             c1_v, oidx_v, gidx_v, rows_v, cls_v, hh_v, ww_v, bb_v,
             sh_t, sh_f, sh_c, sem):
        s = lax.axis_index("s")
        core = lax.axis_index("c")
        pair = core * (n_pairs // 2) + (s // 2)
        half = s % 2
        b = pair // M
        j = pair % M

        rowlo = jnp.where(half == 0, lo_by_half[0], lo_by_half[1])

        ins = [
            pltpu.async_copy(
                maskf_h.at[b, j, pl.ds(rowlo, nrows), :], mask_v, sem),
            pltpu.async_copy(y0_h, y0_v, sem),
            pltpu.async_copy(y1_h, y1_v, sem),
            pltpu.async_copy(x0_h, x0_v, sem),
            pltpu.async_copy(x1_h, x1_v, sem),
            pltpu.async_copy(wy_h, wy_v, sem),
            pltpu.async_copy(wx_h, wx_v, sem),
            pltpu.async_copy(cls_h.at[pl.ds(0, 1), :], cls_v, sem),
        ]
        for h in ins:
            h.wait()

        iota = lax.broadcasted_iota(jnp.int32, (_L,), 0)
        zero = jnp.zeros((_L,), jnp.int32)
        x0c = [x0_v[pl.ds(q * _L, _L)] for q in range(CPR)]
        x1c = [x1_v[pl.ds(q * _L, _L)] for q in range(CPR)]
        wxc = [wx_v[pl.ds(q * _L, _L)] for q in range(CPR)]
        axc = [1.0 - w for w in wxc]

        def row_body(r, ct):
            y = half * ROWS + r
            zy = zero + y
            y0s = plsc.load_gather(y0_v, [zy])
            y1s = plsc.load_gather(y1_v, [zy])
            wys = plsc.load_gather(wy_v, [zy])
            y0r = y0s - rowlo
            y1r = y1s - rowlo
            ay = 1.0 - wys
            for q in range(CPR):
                v00 = plsc.load_gather(mask_v, [y0r, x0c[q]])
                v01 = plsc.load_gather(mask_v, [y0r, x1c[q]])
                v10 = plsc.load_gather(mask_v, [y1r, x0c[q]])
                v11 = plsc.load_gather(mask_v, [y1r, x1c[q]])
                t1 = (v00 * ay) * axc[q]
                t2 = (v01 * ay) * wxc[q]
                t3 = (v10 * wys) * axc[q]
                t4 = (v11 * wys) * wxc[q]
                val = ((t1 + t2) + t3) + t4
                m = val > 0.5
                mi = m.astype(jnp.int32)
                lpos = (r * W + q * _L) + iota
                rt = jnp.cumsum(mi) + ct
                rf = (lpos + 1) - rt
                st = jnp.clip(rt - 1, 0, K - 1)
                sf = jnp.clip(rf - 1, 0, K - 1)
                gpos = lpos + half * HALF
                plsc.store_scatter(tloc_v, [st], gpos, mask=m & (rt <= K))
                plsc.store_scatter(floc_v, [sf], gpos,
                                   mask=(~m) & (rf <= K))
                ct = ct + plsc.all_reduce_population_count(m)
            return ct

        Tv = lax.fori_loop(0, ROWS, row_body,
                           jnp.zeros((_L,), jnp.int32), unroll=4)

        cnt_v[...] = Tv
        pltpu.sync_copy(tloc_v, sh_t.at[pl.ds(s * K, K)])
        pltpu.sync_copy(floc_v, sh_f.at[pl.ds(s * K, K)])
        pltpu.sync_copy(cnt_v, sh_c.at[pl.ds(s * _L, _L)])
        plsc.subcore_barrier()
        lo = (s // 2) * 2
        hi = lo + 1
        reads = [
            pltpu.async_copy(sh_t.at[pl.ds(lo * K, K)], t0_v, sem),
            pltpu.async_copy(sh_t.at[pl.ds(hi * K, K)], t1_v, sem),
            pltpu.async_copy(sh_f.at[pl.ds(lo * K, K)], f0_v, sem),
            pltpu.async_copy(sh_c.at[pl.ds(lo * _L, _L)], c0_v, sem),
            pltpu.async_copy(sh_c.at[pl.ds(hi * _L, _L)], c1_v, sem),
        ]
        for h in reads:
            h.wait()

        T0 = c0_v[...]
        T1 = c1_v[...]
        b1 = T0 + T1
        log2w = W.bit_length() - 1
        for q in range(KH // _L):
            sv = (half * KH + q * _L) + iota
            in0 = sv < T0
            in1 = (~in0) & (sv < b1)
            in2 = sv >= b1
            g0 = plsc.load_gather(t0_v, [jnp.clip(sv, 0, K - 1)], mask=in0)
            g1 = plsc.load_gather(t1_v, [jnp.clip(sv - T0, 0, K - 1)],
                                  mask=in1)
            g2 = plsc.load_gather(f0_v, [jnp.clip(sv - b1, 0, K - 1)],
                                  mask=in2)
            iv = jnp.where(in0, g0, jnp.where(in1, g1, g2))
            sl = pl.ds(q * _L, _L)
            oidx_v[sl] = iv
            gidx_v[sl] = iv + b * P
            hh_v[sl] = lax.shift_right_logical(iv, log2w)
            ww_v[sl] = iv & (W - 1)
            bb_v[sl] = zero + b

        pltpu.async_copy(featT_h.at[gidx_v], rows_v, sem).wait()

        cls_chunks = [cls_v[0, pl.ds(t * _L, _L)] for t in range(C // _L)]

        def addrow(r, carry):
            for t in range(C // _L):
                rows_v[r, pl.ds(t * _L, _L)] += cls_chunks[t]
            return carry

        lax.fori_loop(0, KH, addrow, jnp.int32(0))

        col = pair * K + half * KH
        npts = B * _NUM_POINTS
        outs = [
            pltpu.async_copy(rows_v, points_h.at[pl.ds(col, KH)], sem),
            pltpu.async_copy(bb_v, indices_h.at[pl.ds(col, KH)], sem),
            pltpu.async_copy(hh_v, indices_h.at[pl.ds(npts + col, KH)],
                             sem),
            pltpu.async_copy(ww_v,
                             indices_h.at[pl.ds(2 * npts + col, KH)], sem),
        ]
        for h in outs:
            h.wait()

    return body(featT, maskf, cls_flat, y0n, y1n, x0n, x1n, wy, wx)


def kernel(feat, ior_masks, cls_table):
    B, C, H, W = feat.shape
    M = ior_masks.shape[1]
    mh, mw = ior_masks.shape[2], ior_masks.shape[3]

    featT = feat.transpose(0, 2, 3, 1).reshape(B * H * W, C)

    y0n, x0n, y1n, x1n = _int_tables(H, W, mh, mw)

    ys = jnp.linspace(0.0, float(mh - 1), H)
    xs = jnp.linspace(0.0, float(mw - 1), W)
    wy = ys - jnp.asarray(y0n).astype(jnp.float32)
    wx = xs - jnp.asarray(x0n).astype(jnp.float32)

    points_flat, indices_flat = _sc_sample(
        featT, ior_masks, cls_table, y0n, x0n, y1n, x1n, wy, wx,
        B=B, M=M, H=H, W=W, C=C, mh=mh, mw=mw)
    return (points_flat.reshape(B, _NUM_POINTS, C),
            indices_flat.reshape(3, B * _NUM_POINTS))

# --- scband reference (transcript-rebuilt; emitter-appended) ---
"""Pipeline reference for scband-iorsample-75505525064490 (READ-ONLY COPY).

The authoritative reference and input builder live on the scoring server;
editing this copy changes nothing except your own understanding.
"""

import jax, jax.numpy as jnp
import numpy as np

NUM_POINTS = 512
EMBED_DIM = 256


def bilinear_align_corners(m, out_h, out_w):
    # m: [h, w] float; torch F.interpolate(mode='bilinear', align_corners=True)
    h, w = m.shape
    ys = jnp.linspace(0.0, float(h - 1), out_h)
    xs = jnp.linspace(0.0, float(w - 1), out_w)
    y0 = jnp.clip(jnp.floor(ys).astype(jnp.int32), 0, h - 1)
    x0 = jnp.clip(jnp.floor(xs).astype(jnp.int32), 0, w - 1)
    y1 = jnp.clip(y0 + 1, 0, h - 1)
    x1 = jnp.clip(x0 + 1, 0, w - 1)
    wy = (ys - y0.astype(jnp.float32))[:, None]
    wx = (xs - x0.astype(jnp.float32))[None, :]
    v00 = m[y0][:, x0]
    v01 = m[y0][:, x1]
    v10 = m[y1][:, x0]
    v11 = m[y1][:, x1]
    return v00 * (1 - wy) * (1 - wx) + v01 * (1 - wy) * wx + v10 * wy * (1 - wx) + v11 * wy * wx


def sample_points_2d(x, num, mask_bool):
    # x: [C, H, W]; deterministic PointSampler.samplePoints2D: pick `num`
    # positions inside the boolean mask (top-k over mask indicator, stable ties)
    C, H, W = x.shape
    flat = mask_bool.astype(jnp.float32).reshape(-1)
    _, idx = jax.lax.top_k(flat, num)
    hh = idx // W
    ww = idx % W
    pts = x[:, hh, ww].T  # [num, C]
    return pts, hh, ww


def setup_inputs(seed: int = 0) -> dict:
    key = jax.random.key(seed)
    k1, k2, k3 = jax.random.split(key, 3)
    feat = jax.random.normal(k1, (4, 256, 64, 64), dtype=jnp.float32)
    ior_masks = jax.random.uniform(k2, (4, 4, 128, 128), dtype=jnp.float32)
    cls_table = jax.random.normal(k3, (2, EMBED_DIM), dtype=jnp.float32)  # nn.Embedding(2, embed_dim)
    return {"feat": feat, "ior_masks": ior_masks, "cls_table": cls_table}


def reference(feat, ior_masks, cls_table):
    B, C, H, W = feat.shape
    M = ior_masks.shape[1]
    n = NUM_POINTS // M
    r = NUM_POINTS % M
    all_points = []
    all_indices = []
    for i in range(B):
        pts_i = []
        idx_i = []
        for j in range(M):
            num = n + 1 if j < r else n
            m = bilinear_align_corners(ior_masks[i, j], H, W)
            mask_bool = m > 0.5
            p, hh, ww = sample_points_2d(feat[i], num, mask_bool)
            pts_i.append(p)
            idx_i.append(jnp.stack([jnp.zeros_like(hh), hh, ww], axis=0))
        pts = jnp.concatenate(pts_i, axis=0)[None, :, :]  # [1, NUM_POINTS, C]
        idx = jnp.concatenate(idx_i, axis=1)  # [3, NUM_POINTS]
        # points + cls_embedding(zeros) -> add row 0 of embedding table
        pts = pts + cls_table[jnp.zeros((1, NUM_POINTS), dtype=jnp.int32)]
        idx = idx.at[0, :].add(i)  # batch index offset
        all_points.append(pts)
        all_indices.append(idx)
    points = jnp.concatenate(all_points, axis=0)      # [B, NUM_POINTS, C]
    indices = jnp.concatenate(all_indices, axis=1)    # [3, B*NUM_POINTS]
    return points, indices

if __name__ == "__main__":
    import jax
    _d = setup_inputs()
    print(jax.jit(kernel)(*tuple(_d.values())))

</pallas_src>

<mosaic_0001>
#map = affine_map<(d0, d1) -> (0, 0)>
#map1 = affine_map<(d0, d1) -> (0, 0, 0, 0)>
#map2 = affine_map<(d0, d1) -> (0)>
module attributes {stable_mosaic.version = 14 : i64} {
  func.func @body(%arg0: i32, %arg1: i32, %arg2: memref<16384x256xf32, #tpu.memory_space<hbm>>, %arg3: memref<4x4x128x128xf32, #tpu.memory_space<hbm>>, %arg4: memref<2x256xf32, #tpu.memory_space<hbm>>, %arg5: memref<64xi32, #tpu.memory_space<hbm>>, %arg6: memref<64xi32, #tpu.memory_space<hbm>>, %arg7: memref<64xi32, #tpu.memory_space<hbm>>, %arg8: memref<64xi32, #tpu.memory_space<hbm>>, %arg9: memref<64xf32, #tpu.memory_space<hbm>>, %arg10: memref<64xf32, #tpu.memory_space<hbm>>, %arg11: memref<2048x256xf32, #tpu.memory_space<hbm>>, %arg12: memref<6144xi32, #tpu.memory_space<hbm>>, %arg13: memref<64x128xf32, #tpu.memory_space<vmem>>, %arg14: memref<64xi32, #tpu.memory_space<vmem>>, %arg15: memref<64xi32, #tpu.memory_space<vmem>>, %arg16: memref<64xi32, #tpu.memory_space<vmem>>, %arg17: memref<64xi32, #tpu.memory_space<vmem>>, %arg18: memref<64xf32, #tpu.memory_space<vmem>>, %arg19: memref<64xf32, #tpu.memory_space<vmem>>, %arg20: memref<128xi32, #tpu.memory_space<vmem>>, %arg21: memref<128xi32, #tpu.memory_space<vmem>>, %arg22: memref<16xi32, #tpu.memory_space<vmem>>, %arg23: memref<128xi32, #tpu.memory_space<vmem>>, %arg24: memref<128xi32, #tpu.memory_space<vmem>>, %arg25: memref<128xi32, #tpu.memory_space<vmem>>, %arg26: memref<16xi32, #tpu.memory_space<vmem>>, %arg27: memref<16xi32, #tpu.memory_space<vmem>>, %arg28: memref<64xi32, #tpu.memory_space<vmem>>, %arg29: memref<64xi32, #tpu.memory_space<vmem>>, %arg30: memref<64x256xf32, #tpu.memory_space<vmem>>, %arg31: memref<1x256xf32, #tpu.memory_space<vmem>>, %arg32: memref<64xi32, #tpu.memory_space<vmem>>, %arg33: memref<64xi32, #tpu.memory_space<vmem>>, %arg34: memref<64xi32, #tpu.memory_space<vmem>>, %arg35: memref<2048xi32, #tpu.memory_space<vmem_shared>>, %arg36: memref<2048xi32, #tpu.memory_space<vmem_shared>>, %arg37: memref<256xi32, #tpu.memory_space<vmem_shared>>, %arg38: memref<!tpu.dma_semaphore, #tpu.memory_space<semaphore_mem>>) attributes {dimension_semantics = [#tpu.dimension_semantics<core_parallel>, #tpu.dimension_semantics<subcore_parallel>], iteration_bounds = array<i64: 2, 16>, scalar_prefetch = 0 : i64, scratch_operands = 26 : i64, tpu.core_type = #tpu.core_type<sc_vector_subcore>, window_params = [{transform_indices = #map}, {transform_indices = #map1}, {transform_indices = #map}, {transform_indices = #map2}, {transform_indices = #map2}, {transform_indices = #map2}, {transform_indices = #map2}, {transform_indices = #map2}, {transform_indices = #map2}, {transform_indices = #map}, {transform_indices = #map2}]} {
    %mul3A = arith.constant 8 : i32
    %mul3A_0 = arith.muli %arg0, %mul3A : i32
    %jit3A = arith.constant 2 : i32
    %div3A = arith.divsi %arg1, %jit3A : i32
    %sign3A = arith.constant 0 : i32
    %sign3A_1 = arith.cmpi sgt, %arg1, %sign3A : i32
    %sign3A_2 = arith.extui %sign3A_1 : i1 to i32
    %sign3A_3 = arith.constant 0 : i32
    %sign3A_4 = arith.cmpi slt, %arg1, %sign3A_3 : i32
    %sign3A_5 = arith.extui %sign3A_4 : i1 to i32
    %sign3A_6 = arith.subi %sign3A_2, %sign3A_5 : i32
    %sign3A_7 = arith.constant 0 : i32
    %sign3A_8 = arith.cmpi sgt, %jit3A, %sign3A_7 : i32
    %sign3A_9 = arith.extui %sign3A_8 : i1 to i32
    %sign3A_10 = arith.constant 0 : i32
    %sign3A_11 = arith.cmpi slt, %jit3A, %sign3A_10 : i32
    %sign3A_12 = arith.extui %sign3A_11 : i1 to i32
    %sign3A_13 = arith.subi %sign3A_9, %sign3A_12 : i32
    %ne3A = arith.cmpi ne, %sign3A_6, %sign3A_13 : i32
    %rem3A = arith.remsi %arg1, %jit3A : i32
    %ne3A_14 = arith.constant 0 : i32
    %ne3A_15 = arith.cmpi ne, %rem3A, %ne3A_14 : i32
    %and3A = arith.andi %ne3A, %ne3A_15 : i1
    %sub3A = arith.constant 1 : i32
    %sub3A_16 = arith.subi %div3A, %sub3A : i32
    %select_n3A = arith.select %and3A, %sub3A_16, %div3A : i32
    %add3A = arith.addi %mul3A_0, %select_n3A : i32
    %jit3A_17 = arith.constant 2 : i32
    %eq3A = arith.constant 0 : i32
    %eq3A_18 = arith.cmpi eq, %jit3A_17, %eq3A : i32
    %jit3A_19 = arith.constant 1 : i32
    %select_n3A_20 = arith.select %eq3A_18, %jit3A_19, %jit3A_17 : i32
    %rem3A_21 = arith.remsi %arg1, %select_n3A_20 : i32
    %ne3A_22 = arith.constant 0 : i32
    %ne3A_23 = arith.cmpi ne, %rem3A_21, %ne3A_22 : i32
    %lt3A = arith.constant 0 : i32
    %lt3A_24 = arith.cmpi slt, %rem3A_21, %lt3A : i32
    %lt3A_25 = arith.constant 0 : i32
    %lt3A_26 = arith.cmpi slt, %select_n3A_20, %lt3A_25 : i32
    %ne3A_27 = arith.xori %lt3A_24, %lt3A_26 : i1
    %and3A_28 = arith.andi %ne3A_27, %ne3A_23 : i1
    %add3A_29 = arith.addi %rem3A_21, %select_n3A_20 : i32
    %select_n3A_30 = arith.select %and3A_28, %add3A_29, %rem3A_21 : i32
    %jit3A_31 = arith.constant 4 : i32
    %div3A_32 = arith.divsi %add3A, %jit3A_31 : i32
    %sign3A_33 = arith.constant 0 : i32
    %sign3A_34 = arith.cmpi sgt, %add3A, %sign3A_33 : i32
    %sign3A_35 = arith.extui %sign3A_34 : i1 to i32
    %sign3A_36 = arith.constant 0 : i32
    %sign3A_37 = arith.cmpi slt, %add3A, %sign3A_36 : i32
    %sign3A_38 = arith.extui %sign3A_37 : i1 to i32
    %sign3A_39 = arith.subi %sign3A_35, %sign3A_38 : i32
    %sign3A_40 = arith.constant 0 : i32
    %sign3A_41 = arith.cmpi sgt, %jit3A_31, %sign3A_40 : i32
    %sign3A_42 = arith.extui %sign3A_41 : i1 to i32
    %sign3A_43 = arith.constant 0 : i32
    %sign3A_44 = arith.cmpi slt, %jit3A_31, %sign3A_43 : i32
    %sign3A_45 = arith.extui %sign3A_44 : i1 to i32
    %sign3A_46 = arith.subi %sign3A_42, %sign3A_45 : i32
    %ne3A_47 = arith.cmpi ne, %sign3A_39, %sign3A_46 : i32
    %rem3A_48 = arith.remsi %add3A, %jit3A_31 : i32
    %ne3A_49 = arith.constant 0 : i32
    %ne3A_50 = arith.cmpi ne, %rem3A_48, %ne3A_49 : i32
    %and3A_51 = arith.andi %ne3A_47, %ne3A_50 : i1
    %sub3A_52 = arith.constant 1 : i32
    %sub3A_53 = arith.subi %div3A_32, %sub3A_52 : i32
    %select_n3A_54 = arith.select %and3A_51, %sub3A_53, %div3A_32 : i32
    %jit3A_55 = arith.constant 4 : i32
    %eq3A_56 = arith.constant 0 : i32
    %eq3A_57 = arith.cmpi eq, %jit3A_55, %eq3A_56 : i32
    %jit3A_58 = arith.constant 1 : i32
    %select_n3A_59 = arith.select %eq3A_57, %jit3A_58, %jit3A_55 : i32
    %rem3A_60 = arith.remsi %add3A, %select_n3A_59 : i32
    %ne3A_61 = arith.constant 0 : i32
    %ne3A_62 = arith.cmpi ne, %rem3A_60, %ne3A_61 : i32
    %lt3A_63 = arith.constant 0 : i32
    %lt3A_64 = arith.cmpi slt, %rem3A_60, %lt3A_63 : i32
    %lt3A_65 = arith.constant 0 : i32
    %lt3A_66 = arith.cmpi slt, %select_n3A_59, %lt3A_65 : i32
    %ne3A_67 = arith.xori %lt3A_64, %lt3A_66 : i1
    %and3A_68 = arith.andi %ne3A_67, %ne3A_62 : i1
    %add3A_69 = arith.addi %rem3A_60, %select_n3A_59 : i32
    %select_n3A_70 = arith.select %and3A_68, %add3A_69, %rem3A_60 : i32
    %eq3A_71 = arith.constant 0 : i32
    %eq3A_72 = arith.cmpi eq, %select_n3A_30, %eq3A_71 : i32
    %jit3A_73 = arith.constant 0 : i32
    %jit3A_74 = arith.constant 64 : i32
    %select_n3A_75 = arith.select %eq3A_72, %jit3A_73, %jit3A_74 : i32
    %dma_start3A = arith.constant 0 : i32
    %dma_start3A_76 = tpu.memref_slice %arg3[%select_n3A_54, %select_n3A_70, %select_n3A_75, %dma_start3A] : memref<4x4x128x128xf32, #tpu.memory_space<hbm>> -> memref<1x1x64x128xf32, #tpu.memory_space<hbm>>
    %dma_start3A_77 = tpu.memref_squeeze %dma_start3A_76 : memref<1x1x64x128xf32, #tpu.memory_space<hbm>> -> memref<64x128xf32, #tpu.memory_space<hbm>>
    %dma_start3A_78 = arith.constant 0 : i32
    %dma_start3A_79 = tpu.memref_slice %arg3[%select_n3A_54, %select_n3A_70, %select_n3A_75, %dma_start3A_78] : memref<4x4x128x128xf32, #tpu.memory_space<hbm>> -> memref<1x1x64x128xf32, #tpu.memory_space<hbm>>
    %dma_start3A_80 = tpu.memref_squeeze %dma_start3A_79 : memref<1x1x64x128xf32, #tpu.memory_space<hbm>> -> memref<64x128xf32, #tpu.memory_space<hbm>>
    tpu.enqueue_dma source(%dma_start3A_80 : memref<64x128xf32, #tpu.memory_space<hbm>>) target(%arg13 : memref<64x128xf32, #tpu.memory_space<vmem>>) target_semaphore(%arg38 : memref<!tpu.dma_semaphore, #tpu.memory_space<semaphore_mem>>)
    tpu.enqueue_dma source(%arg5 : memref<64xi32, #tpu.memory_space<hbm>>) target(%arg14 : memref<64xi32, #tpu.memory_space<vmem>>) target_semaphore(%arg38 : memref<!tpu.dma_semaphore, #tpu.memory_space<semaphore_mem>>)
    tpu.enqueue_dma source(%arg6 : memref<64xi32, #tpu.memory_space<hbm>>) target(%arg15 : memref<64xi32, #tpu.memory_space<vmem>>) target_semaphore(%arg38 : memref<!tpu.dma_semaphore, #tpu.memory_space<semaphore_mem>>)
    tpu.enqueue_dma source(%arg7 : memref<64xi32, #tpu.memory_space<hbm>>) target(%arg16 : memref<64xi32, #tpu.memory_space<vmem>>) target_semaphore(%arg38 : memref<!tpu.dma_semaphore, #tpu.memory_space<semaphore_mem>>)
    tpu.enqueue_dma source(%arg8 : memref<64xi32, #tpu.memory_space<hbm>>) target(%arg17 : memref<64xi32, #tpu.memory_space<vmem>>) target_semaphore(%arg38 : memref<!tpu.dma_semaphore, #tpu.memory_space<semaphore_mem>>)
    tpu.enqueue_dma source(%arg9 : memref<64xf32, #tpu.memory_space<hbm>>) target(%arg18 : memref<64xf32, #tpu.memory_space<vmem>>) target_semaphore(%arg38 : memref<!tpu.dma_semaphore, #tpu.memory_space<semaphore_mem>>)
    tpu.enqueue_dma source(%arg10 : memref<64xf32, #tpu.memory_space<hbm>>) target(%arg19 : memref<64xf32, #tpu.memory_space<vmem>>) target_semaphore(%arg38 : memref<!tpu.dma_semaphore, #tpu.memory_space<semaphore_mem>>)
    %dma_start3A_81 = arith.constant 0 : i32
    %dma_start3A_82 = arith.constant 0 : i32
    %dma_start3A_83 = tpu.memref_slice %arg4[%dma_start3A_81, %dma_start3A_82] : memref<2x256xf32, #tpu.memory_space<hbm>> -> memref<1x256xf32, #tpu.memory_space<hbm>>
    %dma_start3A_84 = arith.constant 0 : i32
    %dma_start3A_85 = arith.constant 0 : i32
    %dma_start3A_86 = tpu.memref_slice %arg4[%dma_start3A_84, %dma_start3A_85] : memref<2x256xf32, #tpu.memory_space<hbm>> -> memref<1x256xf32, #tpu.memory_space<hbm>>
    tpu.enqueue_dma source(%dma_start3A_86 : memref<1x256xf32, #tpu.memory_space<hbm>>) target(%arg31 : memref<1x256xf32, #tpu.memory_space<vmem>>) target_semaphore(%arg38 : memref<!tpu.dma_semaphore, #tpu.memory_space<semaphore_mem>>)
    %dma_wait3A = arith.constant 0 : i32
    %dma_wait3A_87 = tpu.memref_slice %arg3[%select_n3A_54, %select_n3A_70, %select_n3A_75, %dma_wait3A] : memref<4x4x128x128xf32, #tpu.memory_space<hbm>> -> memref<1x1x64x128xf32, #tpu.memory_space<hbm>>
    %dma_wait3A_88 = tpu.memref_squeeze %dma_wait3A_87 : memref<1x1x64x128xf32, #tpu.memory_space<hbm>> -> memref<64x128xf32, #tpu.memory_space<hbm>>
    %dma_wait3A_89 = arith.constant 0 : i32
    %dma_wait3A_90 = tpu.memref_slice %arg3[%select_n3A_54, %select_n3A_70, %select_n3A_75, %dma_wait3A_89] : memref<4x4x128x128xf32, #tpu.memory_space<hbm>> -> memref<1x1x64x128xf32, #tpu.memory_space<hbm>>
    %dma_wait3A_91 = tpu.memref_squeeze %dma_wait3A_90 : memref<1x1x64x128xf32, #tpu.memory_space<hbm>> -> memref<64x128xf32, #tpu.memory_space<hbm>>
    tpu.wait_dma2 semaphore(%arg38 : memref<!tpu.dma_semaphore, #tpu.memory_space<semaphore_mem>>) src(%dma_wait3A_91 : memref<64x128xf32, #tpu.memory_space<hbm>>) dst(%arg13 : memref<64x128xf32, #tpu.memory_space<vmem>>)
    tpu.wait_dma2 semaphore(%arg38 : memref<!tpu.dma_semaphore, #tpu.memory_space<semaphore_mem>>) src(%arg5 : memref<64xi32, #tpu.memory_space<hbm>>) dst(%arg14 : memref<64xi32, #tpu.memory_space<vmem>>)
    tpu.wait_dma2 semaphore(%arg38 : memref<!tpu.dma_semaphore, #tpu.memory_space<semaphore_mem>>) src(%arg6 : memref<64xi32, #tpu.memory_space<hbm>>) dst(%arg15 : memref<64xi32, #tpu.memory_space<vmem>>)
    tpu.wait_dma2 semaphore(%arg38 : memref<!tpu.dma_semaphore, #tpu.memory_space<semaphore_mem>>) src(%arg7 : memref<64xi32, #tpu.memory_space<hbm>>) dst(%arg16 : memref<64xi32, #tpu.memory_space<vmem>>)
    tpu.wait_dma2 semaphore(%arg38 : memref<!tpu.dma_semaphore, #tpu.memory_space<semaphore_mem>>) src(%arg8 : memref<64xi32, #tpu.memory_space<hbm>>) dst(%arg17 : memref<64xi32, #tpu.memory_space<vmem>>)
    tpu.wait_dma2 semaphore(%arg38 : memref<!tpu.dma_semaphore, #tpu.memory_space<semaphore_mem>>) src(%arg9 : memref<64xf32, #tpu.memory_space<hbm>>) dst(%arg18 : memref<64xf32, #tpu.memory_space<vmem>>)
    tpu.wait_dma2 semaphore(%arg38 : memref<!tpu.dma_semaphore, #tpu.memory_space<semaphore_mem>>) src(%arg10 : memref<64xf32, #tpu.memory_space<hbm>>) dst(%arg19 : memref<64xf32, #tpu.memory_space<vmem>>)
    %dma_wait3A_92 = arith.constant 0 : i32
    %dma_wait3A_93 = arith.constant 0 : i32
    %dma_wait3A_94 = tpu.memref_slice %arg4[%dma_wait3A_92, %dma_wait3A_93] : memref<2x256xf32, #tpu.memory_space<hbm>> -> memref<1x256xf32, #tpu.memory_space<hbm>>
    %dma_wait3A_95 = arith.constant 0 : i32
    %dma_wait3A_96 = arith.constant 0 : i32
    %dma_wait3A_97 = tpu.memref_slice %arg4[%dma_wait3A_95, %dma_wait3A_96] : memref<2x256xf32, #tpu.memory_space<hbm>> -> memref<1x256xf32, #tpu.memory_space<hbm>>
    tpu.wait_dma2 semaphore(%arg38 : memref<!tpu.dma_semaphore, #tpu.memory_space<semaphore_mem>>) src(%dma_wait3A_97 : memref<1x256xf32, #tpu.memory_space<hbm>>) dst(%arg31 : memref<1x256xf32, #tpu.memory_space<vmem>>)
    %iota3A = tpu.iota {dimensions = array<i32: 0>} : vector<16xi32>
    %broadcast_in_dim3A = arith.constant 0 : i32
    %broadcast_in_dim3A_98 = vector.broadcast %broadcast_in_dim3A : i32 to vector<16xi32>
    %get3A = arith.constant 0 : index
    %get3A_99 = tpu.vector_load %arg16[%get3A] {strides = array<i32>} : memref<64xi32, #tpu.memory_space<vmem>>, vector<16xi32>,
    %get3A_100 = arith.constant 16 : index
    %get3A_101 = tpu.vector_load %arg16[%get3A_100] {strides = array<i32>} : memref<64xi32, #tpu.memory_space<vmem>>, vector<16xi32>,
    %get3A_102 = arith.constant 32 : index
    %get3A_103 = tpu.vector_load %arg16[%get3A_102] {strides = array<i32>} : memref<64xi32, #tpu.memory_space<vmem>>, vector<16xi32>,
    %get3A_104 = arith.constant 48 : index
    %get3A_105 = tpu.vector_load %arg16[%get3A_104] {strides = array<i32>} : memref<64xi32, #tpu.memory_space<vmem>>, vector<16xi32>,
    %get3A_106 = arith.constant 0 : index
    %get3A_107 = tpu.vector_load %arg17[%get3A_106] {strides = array<i32>} : memref<64xi32, #tpu.memory_space<vmem>>, vector<16xi32>,
    %get3A_108 = arith.constant 16 : index
    %get3A_109 = tpu.vector_load %arg17[%get3A_108] {strides = array<i32>} : memref<64xi32, #tpu.memory_space<vmem>>, vector<16xi32>,
    %get3A_110 = arith.constant 32 : index
    %get3A_111 = tpu.vector_load %arg17[%get3A_110] {strides = array<i32>} : memref<64xi32, #tpu.memory_space<vmem>>, vector<16xi32>,
    %get3A_112 = arith.constant 48 : index
    %get3A_113 = tpu.vector_load %arg17[%get3A_112] {strides = array<i32>} : memref<64xi32, #tpu.memory_space<vmem>>, vector<16xi32>,
    %get3A_114 = arith.constant 0 : index
    %get3A_115 = tpu.vector_load %arg19[%get3A_114] {strides = array<i32>} : memref<64xf32, #tpu.memory_space<vmem>>, vector<16xf32>,
    %get3A_116 = arith.constant 16 : index
    %get3A_117 = tpu.vector_load %arg19[%get3A_116] {strides = array<i32>} : memref<64xf32, #tpu.memory_space<vmem>>, vector<16xf32>,
    %get3A_118 = arith.constant 32 : index
    %get3A_119 = tpu.vector_load %arg19[%get3A_118] {strides = array<i32>} : memref<64xf32, #tpu.memory_space<vmem>>, vector<16xf32>,
    %get3A_120 = arith.constant 48 : index
    %get3A_121 = tpu.vector_load %arg19[%get3A_120] {strides = array<i32>} : memref<64xf32, #tpu.memory_space<vmem>>, vector<16xf32>,
    %sub3A_122 = arith.constant 1.000000e+00 : f32
    %sub3A_123 = vector.broadcast %sub3A_122 : f32 to vector<16xf32>
    %sub3A_124 = arith.subf %sub3A_123, %get3A_115 : vector<16xf32>
    %sub3A_125 = arith.constant 1.000000e+00 : f32
    %sub3A_126 = vector.broadcast %sub3A_125 : f32 to vector<16xf32>
    %sub3A_127 = arith.subf %sub3A_126, %get3A_117 : vector<16xf32>
    %sub3A_128 = arith.constant 1.000000e+00 : f32
    %sub3A_129 = vector.broadcast %sub3A_128 : f32 to vector<16xf32>
    %sub3A_130 = arith.subf %sub3A_129, %get3A_119 : vector<16xf32>
    %sub3A_131 = arith.constant 1.000000e+00 : f32
    %sub3A_132 = vector.broadcast %sub3A_131 : f32 to vector<16xf32>
    %sub3A_133 = arith.subf %sub3A_132, %get3A_121 : vector<16xf32>
    %broadcast_in_dim3A_134 = arith.constant 0 : i32
    %broadcast_in_dim3A_135 = vector.broadcast %broadcast_in_dim3A_134 : i32 to vector<16xi32>
    %scan3A = arith.constant 0 : i32
    %scan3A_136 = arith.constant 32 : i32
    %scan3A_137 = arith.addi %scan3A, %scan3A_136 : i32
    %scan3A_138 = arith.constant 4 : i32
    %scan3A_139 = scf.for %scan3A_546 = %scan3A to %scan3A_137 step %scan3A_138 iter_args(%scan3A_547 = %broadcast_in_dim3A_135) -> (vector<16xi32>)  : i32 {
      %mul3A_548 = arith.constant 32 : i32
      %mul3A_549 = arith.muli %select_n3A_30, %mul3A_548 : i32
      %add3A_550 = arith.addi %mul3A_549, %scan3A_546 : i32
      %add3A_551 = vector.broadcast %add3A_550 : i32 to vector<16xi32>
      %add3A_552 = arith.addi %broadcast_in_dim3A_98, %add3A_551 : vector<16xi32>
      %gather3A_553 = tpu.vector_load_idx %arg14[%add3A_552] : memref<64xi32, #tpu.memory_space<vmem>>[vector<16xi32>], vector<16xi32>,
      %gather3A_554 = tpu.vector_load_idx %arg15[%add3A_552] : memref<64xi32, #tpu.memory_space<vmem>>[vector<16xi32>], vector<16xi32>,
      %gather3A_555 = tpu.vector_load_idx %arg18[%add3A_552] : memref<64xf32, #tpu.memory_space<vmem>>[vector<16xi32>], vector<16xf32>,
      %sub3A_556 = vector.broadcast %select_n3A_75 : i32 to vector<16xi32>
      %sub3A_557 = arith.subi %gather3A_553, %sub3A_556 : vector<16xi32>
      %sub3A_558 = vector.broadcast %select_n3A_75 : i32 to vector<16xi32>
      %sub3A_559 = arith.subi %gather3A_554, %sub3A_558 : vector<16xi32>
      %sub3A_560 = arith.constant 1.000000e+00 : f32
      %sub3A_561 = vector.broadcast %sub3A_560 : f32 to vector<16xf32>
      %sub3A_562 = arith.subf %sub3A_561, %gather3A_555 : vector<16xf32>
      %gather3A_563 = tpu.vector_load_idx %arg13[%sub3A_557, %get3A_99] : memref<64x128xf32, #tpu.memory_space<vmem>>[vector<16xi32>, vector<16xi32>], vector<16xf32>,
      %gather3A_564 = tpu.vector_load_idx %arg13[%sub3A_557, %get3A_107] : memref<64x128xf32, #tpu.memory_space<vmem>>[vector<16xi32>, vector<16xi32>], vector<16xf32>,
      %gather3A_565 = tpu.vector_load_idx %arg13[%sub3A_559, %get3A_99] : memref<64x128xf32, #tpu.memory_space<vmem>>[vector<16xi32>, vector<16xi32>], vector<16xf32>,
      %gather3A_566 = tpu.vector_load_idx %arg13[%sub3A_559, %get3A_107] : memref<64x128xf32, #tpu.memory_space<vmem>>[vector<16xi32>, vector<16xi32>], vector<16xf32>,
      %mul3A_567 = arith.mulf %gather3A_563, %sub3A_562 : vector<16xf32>
      %mul3A_568 = arith.mulf %mul3A_567, %sub3A_124 : vector<16xf32>
      %mul3A_569 = arith.mulf %gather3A_564, %sub3A_562 : vector<16xf32>
      %mul3A_570 = arith.mulf %mul3A_569, %get3A_115 : vector<16xf32>
      %mul3A_571 = arith.mulf %gather3A_565, %gather3A_555 : vector<16xf32>
      %mul3A_572 = arith.mulf %mul3A_571, %sub3A_124 : vector<16xf32>
      %mul3A_573 = arith.mulf %gather3A_566, %gather3A_555 : vector<16xf32>
      %mul3A_574 = arith.mulf %mul3A_573, %get3A_115 : vector<16xf32>
      %add3A_575 = arith.addf %mul3A_568, %mul3A_570 : vector<16xf32>
      %add3A_576 = arith.addf %add3A_575, %mul3A_572 : vector<16xf32>
      %add3A_577 = arith.addf %add3A_576, %mul3A_574 : vector<16xf32>
      %gt3A = arith.constant 5.000000e-01 : f32
      %gt3A_578 = vector.broadcast %gt3A : f32 to vector<16xf32>
      %gt3A_579 = arith.cmpf ogt, %add3A_577, %gt3A_578 : vector<16xf32>
      %convert_element_type3A = arith.extui %gt3A_579 : vector<16xi1> to vector<16xi32>
      %mul3A_580 = arith.constant 64 : i32
      %mul3A_581 = arith.muli %scan3A_546, %mul3A_580 : i32
      %add3A_582 = arith.constant 0 : i32
      %add3A_583 = arith.addi %mul3A_581, %add3A_582 : i32
      %add3A_584 = vector.broadcast %add3A_583 : i32 to vector<16xi32>
      %add3A_585 = arith.addi %add3A_584, %iota3A : vector<16xi32>
      %cumsum3A = arith.constant true
      %cumsum3A_586 = vector.broadcast %cumsum3A : i1 to vector<16xi1>
      %cumsum3A_587 = tpu.scan <sum>, %convert_element_type3A masked %cumsum3A_586 : vector<16xi32>, vector<16xi1> -> vector<16xi32>
      %add3A_588 = arith.addi %cumsum3A_587, %scan3A_547 : vector<16xi32>
      %add3A_589 = arith.constant 1 : i32
      %add3A_590 = vector.broadcast %add3A_589 : i32 to vector<16xi32>
      %add3A_591 = arith.addi %add3A_585, %add3A_590 : vector<16xi32>
      %sub3A_592 = arith.subi %add3A_591, %add3A_588 : vector<16xi32>
      %sub3A_593 = arith.constant 1 : i32
      %sub3A_594 = vector.broadcast %sub3A_593 : i32 to vector<16xi32>
      %sub3A_595 = arith.subi %add3A_588, %sub3A_594 : vector<16xi32>
      %jit3A_596 = arith.constant 0 : i32
      %jit3A_597 = arith.constant 127 : i32
      %max3A_598 = vector.broadcast %jit3A_596 : i32 to vector<16xi32>
      %max3A_599 = arith.maxsi %max3A_598, %sub3A_595 : vector<16xi32>
      %min3A_600 = vector.broadcast %jit3A_597 : i32 to vector<16xi32>
      %min3A_601 = arith.minsi %min3A_600, %max3A_599 : vector<16xi32>
      %sub3A_602 = arith.constant 1 : i32
      %sub3A_603 = vector.broadcast %sub3A_602 : i32 to vector<16xi32>
      %sub3A_604 = arith.subi %sub3A_592, %sub3A_603 : vector<16xi32>
      %jit3A_605 = arith.constant 0 : i32
      %jit3A_606 = arith.constant 127 : i32
      %max3A_607 = vector.broadcast %jit3A_605 : i32 to vector<16xi32>
      %max3A_608 = arith.maxsi %max3A_607, %sub3A_604 : vector<16xi32>
      %min3A_609 = vector.broadcast %jit3A_606 : i32 to vector<16xi32>
      %min3A_610 = arith.minsi %min3A_609, %max3A_608 : vector<16xi32>
      %mul3A_611 = arith.constant 2048 : i32
      %mul3A_612 = arith.muli %select_n3A_30, %mul3A_611 : i32
      %add3A_613 = vector.broadcast %mul3A_612 : i32 to vector<16xi32>
      %add3A_614 = arith.addi %add3A_585, %add3A_613 : vector<16xi32>
      %le3A = arith.constant 128 : i32
      %le3A_615 = vector.broadcast %le3A : i32 to vector<16xi32>
      %le3A_616 = arith.cmpi sle, %add3A_588, %le3A_615 : vector<16xi32>
      %and3A_617 = arith.andi %gt3A_579, %le3A_616 : vector<16xi1>
      tpu.vector_store_idx %arg20[%min3A_601], %add3A_614 masked %and3A_617 : memref<128xi32, #tpu.memory_space<vmem>>[vector<16xi32>], vector<16xi32>, vector<16xi1>
      %not3A_618 = arith.constant dense<true> : vector<16xi1>
      %not3A_619 = arith.xori %gt3A_579, %not3A_618 : vector<16xi1>
      %le3A_620 = arith.constant 128 : i32
      %le3A_621 = vector.broadcast %le3A_620 : i32 to vector<16xi32>
      %le3A_622 = arith.cmpi sle, %sub3A_592, %le3A_621 : vector<16xi32>
      %and3A_623 = arith.andi %not3A_619, %le3A_622 : vector<16xi1>
      tpu.vector_store_idx %arg21[%min3A_610], %add3A_614 masked %and3A_623 : memref<128xi32, #tpu.memory_space<vmem>>[vector<16xi32>], vector<16xi32>, vector<16xi1>
      %all_reduce_population_count3A = tpu.all_reduce %gt3A_579 {dim = 0 : i64, kind = #tpu.reduction_kind<sum>} : vector<16xi1> -> vector<16xi32>
      %add3A_624 = arith.addi %scan3A_547, %all_reduce_population_count3A : vector<16xi32>
      %gather3A_625 = tpu.vector_load_idx %arg13[%sub3A_557, %get3A_101] : memref<64x128xf32, #tpu.memory_space<vmem>>[vector<16xi32>, vector<16xi32>], vector<16xf32>,
      %gather3A_626 = tpu.vector_load_idx %arg13[%sub3A_557, %get3A_109] : memref<64x128xf32, #tpu.memory_space<vmem>>[vector<16xi32>, vector<16xi32>], vector<16xf32>,
      %gather3A_627 = tpu.vector_load_idx %arg13[%sub3A_559, %get3A_101] : memref<64x128xf32, #tpu.memory_space<vmem>>[vector<16xi32>, vector<16xi32>], vector<16xf32>,
      %gather3A_628 = tpu.vector_load_idx %arg13[%sub3A_559, %get3A_109] : memref<64x128xf32, #tpu.memory_space<vmem>>[vector<16xi32>, vector<16xi32>], vector<16xf32>,
      %mul3A_629 = arith.mulf %gather3A_625, %sub3A_562 : vector<16xf32>
      %mul3A_630 = arith.mulf %mul3A_629, %sub3A_127 : vector<16xf32>
      %mul3A_631 = arith.mulf %gather3A_626, %sub3A_562 : vector<16xf32>
      %mul3A_632 = arith.mulf %mul3A_631, %get3A_117 : vector<16xf32>
      %mul3A_633 = arith.mulf %gather3A_627, %gather3A_555 : vector<16xf32>
      %mul3A_634 = arith.mulf %mul3A_633, %sub3A_127 : vector<16xf32>
      %mul3A_635 = arith.mulf %gather3A_628, %gather3A_555 : vector<16xf32>
      %mul3A_636 = arith.mulf %mul3A_635, %get3A_117 : vector<16xf32>
      %add3A_637 = arith.addf %mul3A_630, %mul3A_632 : vector<16xf32>
      %add3A_638 = arith.addf %add3A_637, %mul3A_634 : vector<16xf32>
      %add3A_639 = arith.addf %add3A_638, %mul3A_636 : vector<16xf32>
      %gt3A_640 = arith.constant 5.000000e-01 : f32
      %gt3A_641 = vector.broadcast %gt3A_640 : f32 to vector<16xf32>
      %gt3A_642 = arith.cmpf ogt, %add3A_639, %gt3A_641 : vector<16xf32>
      %convert_element_type3A_643 = arith.extui %gt3A_642 : vector<16xi1> to vector<16xi32>
      %mul3A_644 = arith.constant 64 : i32
      %mul3A_645 = arith.muli %scan3A_546, %mul3A_644 : i32
      %add3A_646 = arith.constant 16 : i32
      %add3A_647 = arith.addi %mul3A_645, %add3A_646 : i32
      %add3A_648 = vector.broadcast %add3A_647 : i32 to vector<16xi32>
      %add3A_649 = arith.addi %add3A_648, %iota3A : vector<16xi32>
      %cumsum3A_650 = arith.constant true
      %cumsum3A_651 = vector.broadcast %cumsum3A_650 : i1 to vector<16xi1>
      %cumsum3A_652 = tpu.scan <sum>, %convert_element_type3A_643 masked %cumsum3A_651 : vector<16xi32>, vector<16xi1> -> vector<16xi32>
      %add3A_653 = arith.addi %cumsum3A_652, %add3A_624 : vector<16xi32>
      %add3A_654 = arith.constant 1 : i32
      %add3A_655 = vector.broadcast %add3A_654 : i32 to vector<16xi32>
      %add3A_656 = arith.addi %add3A_649, %add3A_655 : vector<16xi32>
      %sub3A_657 = arith.subi %add3A_656, %add3A_653 : vector<16xi32>
      %sub3A_658 = arith.constant 1 : i32
      %sub3A_659 = vector.broadcast %sub3A_658 : i32 to vector<16xi32>
      %sub3A_660 = arith.subi %add3A_653, %sub3A_659 : vector<16xi32>
      %jit3A_661 = arith.constant 0 : i32
      %jit3A_662 = arith.constant 127 : i32
      %max3A_663 = vector.broadcast %jit3A_661 : i32 to vector<16xi32>
      %max3A_664 = arith.maxsi %max3A_663, %sub3A_660 : vector<16xi32>
      %min3A_665 = vector.broadcast %jit3A_662 : i32 to vector<16xi32>
      %min3A_666 = arith.minsi %min3A_665, %max3A_664 : vector<16xi32>
      %sub3A_667 = arith.constant 1 : i32
      %sub3A_668 = vector.broadcast %sub3A_667 : i32 to vector<16xi32>
      %sub3A_669 = arith.subi %sub3A_657, %sub3A_668 : vector<16xi32>
      %jit3A_670 = arith.constant 0 : i32
      %jit3A_671 = arith.constant 127 : i32
      %max3A_672 = vector.broadcast %jit3A_670 : i32 to vector<16xi32>
      %max3A_673 = arith.maxsi %max3A_672, %sub3A_669 : vector<16xi32>
      %min3A_674 = vector.broadcast %jit3A_671 : i32 to vector<16xi32>
      %min3A_675 = arith.minsi %min3A_674, %max3A_673 : vector<16xi32>
      %mul3A_676 = arith.constant 2048 : i32
      %mul3A_677 = arith.muli %select_n3A_30, %mul3A_676 : i32
      %add3A_678 = vector.broadcast %mul3A_677 : i32 to vector<16xi32>
      %add3A_679 = arith.addi %add3A_649, %add3A_678 : vector<16xi32>
      %le3A_680 = arith.constant 128 : i32
      %le3A_681 = vector.broadcast %le3A_680 : i32 to vector<16xi32>
      %le3A_682 = arith.cmpi sle, %add3A_653, %le3A_681 : vector<16xi32>
      %and3A_683 = arith.andi %gt3A_642, %le3A_682 : vector<16xi1>
      tpu.vector_store_idx %arg20[%min3A_666], %add3A_679 masked %and3A_683 : memref<128xi32, #tpu.memory_space<vmem>>[vector<16xi32>], vector<16xi32>, vector<16xi1>
      %not3A_684 = arith.constant dense<true> : vector<16xi1>
      %not3A_685 = arith.xori %gt3A_642, %not3A_684 : vector<16xi1>
      %le3A_686 = arith.constant 128 : i32
      %le3A_687 = vector.broadcast %le3A_686 : i32 to vector<16xi32>
      %le3A_688 = arith.cmpi sle, %sub3A_657, %le3A_687 : vector<16xi32>
      %and3A_689 = arith.andi %not3A_685, %le3A_688 : vector<16xi1>
      tpu.vector_store_idx %arg21[%min3A_675], %add3A_679 masked %and3A_689 : memref<128xi32, #tpu.memory_space<vmem>>[vector<16xi32>], vector<16xi32>, vector<16xi1>
      %all_reduce_population_count3A_690 = tpu.all_reduce %gt3A_642 {dim = 0 : i64, kind = #tpu.reduction_kind<sum>} : vector<16xi1> -> vector<16xi32>
      %add3A_691 = arith.addi %add3A_624, %all_reduce_population_count3A_690 : vector<16xi32>
      %gather3A_692 = tpu.vector_load_idx %arg13[%sub3A_557, %get3A_103] : memref<64x128xf32, #tpu.memory_space<vmem>>[vector<16xi32>, vector<16xi32>], vector<16xf32>,
      %gather3A_693 = tpu.vector_load_idx %arg13[%sub3A_557, %get3A_111] : memref<64x128xf32, #tpu.memory_space<vmem>>[vector<16xi32>, vector<16xi32>], vector<16xf32>,
      %gather3A_694 = tpu.vector_load_idx %arg13[%sub3A_559, %get3A_103] : memref<64x128xf32, #tpu.memory_space<vmem>>[vector<16xi32>, vector<16xi32>], vector<16xf32>,
      %gather3A_695 = tpu.vector_load_idx %arg13[%sub3A_559, %get3A_111] : memref<64x128xf32, #tpu.memory_space<vmem>>[vector<16xi32>, vector<16xi32>], vector<16xf32>,
      %mul3A_696 = arith.mulf %gather3A_692, %sub3A_562 : vector<16xf32>
      %mul3A_697 = arith.mulf %mul3A_696, %sub3A_130 : vector<16xf32>
      %mul3A_698 = arith.mulf %gather3A_693, %sub3A_562 : vector<16xf32>
      %mul3A_699 = arith.mulf %mul3A_698, %get3A_119 : vector<16xf32>
      %mul3A_700 = arith.mulf %gather3A_694, %gather3A_555 : vector<16xf32>
      %mul3A_701 = arith.mulf %mul3A_700, %sub3A_130 : vector<16xf32>
      %mul3A_702 = arith.mulf %gather3A_695, %gather3A_555 : vector<16xf32>
      %mul3A_703 = arith.mulf %mul3A_702, %get3A_119 : vector<16xf32>
      %add3A_704 = arith.addf %mul3A_697, %mul3A_699 : vector<16xf32>
      %add3A_705 = arith.addf %add3A_704, %mul3A_701 : vector<16xf32>
      %add3A_706 = arith.addf %add3A_705, %mul3A_703 : vector<16xf32>
      %gt3A_707 = arith.constant 5.000000e-01 : f32
      %gt3A_708 = vector.broadcast %gt3A_707 : f32 to vector<16xf32>
      %gt3A_709 = arith.cmpf ogt, %add3A_706, %gt3A_708 : vector<16xf32>
      %convert_element_type3A_710 = arith.extui %gt3A_709 : vector<16xi1> to vector<16xi32>
      %mul3A_711 = arith.constant 64 : i32
      %mul3A_712 = arith.muli %scan3A_546, %mul3A_711 : i32
      %add3A_713 = arith.constant 32 : i32
      %add3A_714 = arith.addi %mul3A_712, %add3A_713 : i32
      %add3A_715 = vector.broadcast %add3A_714 : i32 to vector<16xi32>
      %add3A_716 = arith.addi %add3A_715, %iota3A : vector<16xi32>
      %cumsum3A_717 = arith.constant true
      %cumsum3A_718 = vector.broadcast %cumsum3A_717 : i1 to vector<16xi1>
      %cumsum3A_719 = tpu.scan <sum>, %convert_element_type3A_710 masked %cumsum3A_718 : vector<16xi32>, vector<16xi1> -> vector<16xi32>
      %add3A_720 = arith.addi %cumsum3A_719, %add3A_691 : vector<16xi32>
      %add3A_721 = arith.constant 1 : i32
      %add3A_722 = vector.broadcast %add3A_721 : i32 to vector<16xi32>
      %add3A_723 = arith.addi %add3A_716, %add3A_722 : vector<16xi32>
      %sub3A_724 = arith.subi %add3A_723, %add3A_720 : vector<16xi32>
      %sub3A_725 = arith.constant 1 : i32
      %sub3A_726 = vector.broadcast %sub3A_725 : i32 to vector<16xi32>
      %sub3A_727 = arith.subi %add3A_720, %sub3A_726 : vector<16xi32>
      %jit3A_728 = arith.constant 0 : i32
      %jit3A_729 = arith.constant 127 : i32
      %max3A_730 = vector.broadcast %jit3A_728 : i32 to vector<16xi32>
      %max3A_731 = arith.maxsi %max3A_730, %sub3A_727 : vector<16xi32>
      %min3A_732 = vector.broadcast %jit3A_729 : i32 to vector<16xi32>
      %min3A_733 = arith.minsi %min3A_732, %max3A_731 : vector<16xi32>
      %sub3A_734 = arith.constant 1 : i32
      %sub3A_735 = vector.broadcast %sub3A_734 : i32 to vector<16xi32>
      %sub3A_736 = arith.subi %sub3A_724, %sub3A_735 : vector<16xi32>
      %jit3A_737 = arith.constant 0 : i32
      %jit3A_738 = arith.constant 127 : i32
      %max3A_739 = vector.broadcast %jit3A_737 : i32 to vector<16xi32>
      %max3A_740 = arith.maxsi %max3A_739, %sub3A_736 : vector<16xi32>
      %min3A_741 = vector.broadcast %jit3A_738 : i32 to vector<16xi32>
      %min3A_742 = arith.minsi %min3A_741, %max3A_740 : vector<16xi32>
      %mul3A_743 = arith.constant 2048 : i32
      %mul3A_744 = arith.muli %select_n3A_30, %mul3A_743 : i32
      %add3A_745 = vector.broadcast %mul3A_744 : i32 to vector<16xi32>
      %add3A_746 = arith.addi %add3A_716, %add3A_745 : vector<16xi32>
      %le3A_747 = arith.constant 128 : i32
      %le3A_748 = vector.broadcast %le3A_747 : i32 to vector<16xi32>
      %le3A_749 = arith.cmpi sle, %add3A_720, %le3A_748 : vector<16xi32>
      %and3A_750 = arith.andi %gt3A_709, %le3A_749 : vector<16xi1>
      tpu.vector_store_idx %arg20[%min3A_733], %add3A_746 masked %and3A_750 : memref<128xi32, #tpu.memory_space<vmem>>[vector<16xi32>], vector<16xi32>, vector<16xi1>
      %not3A_751 = arith.constant dense<true> : vector<16xi1>
      %not3A_752 = arith.xori %gt3A_709, %not3A_751 : vector<16xi1>
      %le3A_753 = arith.constant 128 : i32
      %le3A_754 = vector.broadcast %le3A_753 : i32 to vector<16xi32>
      %le3A_755 = arith.cmpi sle, %sub3A_724, %le3A_754 : vector<16xi32>
      %and3A_756 = arith.andi %not3A_752, %le3A_755 : vector<16xi1>
      tpu.vector_store_idx %arg21[%min3A_742], %add3A_746 masked %and3A_756 : memref<128xi32, #tpu.memory_space<vmem>>[vector<16xi32>], vector<16xi32>, vector<16xi1>
      %all_reduce_population_count3A_757 = tpu.all_reduce %gt3A_709 {dim = 0 : i64, kind = #tpu.reduction_kind<sum>} : vector<16xi1> -> vector<16xi32>
      %add3A_758 = arith.addi %add3A_691, %all_reduce_population_count3A_757 : vector<16xi32>
      %gather3A_759 = tpu.vector_load_idx %arg13[%sub3A_557, %get3A_105] : memref<64x128xf32, #tpu.memory_space<vmem>>[vector<16xi32>, vector<16xi32>], vector<16xf32>,
      %gather3A_760 = tpu.vector_load_idx %arg13[%sub3A_557, %get3A_113] : memref<64x128xf32, #tpu.memory_space<vmem>>[vector<16xi32>, vector<16xi32>], vector<16xf32>,
      %gather3A_761 = tpu.vector_load_idx %arg13[%sub3A_559, %get3A_105] : memref<64x128xf32, #tpu.memory_space<vmem>>[vector<16xi32>, vector<16xi32>], vector<16xf32>,
      %gather3A_762 = tpu.vector_load_idx %arg13[%sub3A_559, %get3A_113] : memref<64x128xf32, #tpu.memory_space<vmem>>[vector<16xi32>, vector<16xi32>], vector<16xf32>,
      %mul3A_763 = arith.mulf %gather3A_759, %sub3A_562 : vector<16xf32>
      %mul3A_764 = arith.mulf %mul3A_763, %sub3A_133 : vector<16xf32>
      %mul3A_765 = arith.mulf %gather3A_760, %sub3A_562 : vector<16xf32>
      %mul3A_766 = arith.mulf %mul3A_765, %get3A_121 : vector<16xf32>
      %mul3A_767 = arith.mulf %gather3A_761, %gather3A_555 : vector<16xf32>
      %mul3A_768 = arith.mulf %mul3A_767, %sub3A_133 : vector<16xf32>
      %mul3A_769 = arith.mulf %gather3A_762, %gather3A_555 : vector<16xf32>
      %mul3A_770 = arith.mulf %mul3A_769, %get3A_121 : vector<16xf32>
      %add3A_771 = arith.addf %mul3A_764, %mul3A_766 : vector<16xf32>
      %add3A_772 = arith.addf %add3A_771, %mul3A_768 : vector<16xf32>
      %add3A_773 = arith.addf %add3A_772, %mul3A_770 : vector<16xf32>
      %gt3A_774 = arith.constant 5.000000e-01 : f32
      %gt3A_775 = vector.broadcast %gt3A_774 : f32 to vector<16xf32>
      %gt3A_776 = arith.cmpf ogt, %add3A_773, %gt3A_775 : vector<16xf32>
      %convert_element_type3A_777 = arith.extui %gt3A_776 : vector<16xi1> to vector<16xi32>
      %mul3A_778 = arith.constant 64 : i32
      %mul3A_779 = arith.muli %scan3A_546, %mul3A_778 : i32
      %add3A_780 = arith.constant 48 : i32
      %add3A_781 = arith.addi %mul3A_779, %add3A_780 : i32
      %add3A_782 = vector.broadcast %add3A_781 : i32 to vector<16xi32>
      %add3A_783 = arith.addi %add3A_782, %iota3A : vector<16xi32>
      %cumsum3A_784 = arith.constant true
      %cumsum3A_785 = vector.broadcast %cumsum3A_784 : i1 to vector<16xi1>
      %cumsum3A_786 = tpu.scan <sum>, %convert_element_type3A_777 masked %cumsum3A_785 : vector<16xi32>, vector<16xi1> -> vector<16xi32>
      %add3A_787 = arith.addi %cumsum3A_786, %add3A_758 : vector<16xi32>
      %add3A_788 = arith.constant 1 : i32
      %add3A_789 = vector.broadcast %add3A_788 : i32 to vector<16xi32>
      %add3A_790 = arith.addi %add3A_783, %add3A_789 : vector<16xi32>
      %sub3A_791 = arith.subi %add3A_790, %add3A_787 : vector<16xi32>
      %sub3A_792 = arith.constant 1 : i32
      %sub3A_793 = vector.broadcast %sub3A_792 : i32 to vector<16xi32>
      %sub3A_794 = arith.subi %add3A_787, %sub3A_793 : vector<16xi32>
      %jit3A_795 = arith.constant 0 : i32
      %jit3A_796 = arith.constant 127 : i32
      %max3A_797 = vector.broadcast %jit3A_795 : i32 to vector<16xi32>
      %max3A_798 = arith.maxsi %max3A_797, %sub3A_794 : vector<16xi32>
      %min3A_799 = vector.broadcast %jit3A_796 : i32 to vector<16xi32>
      %min3A_800 = arith.minsi %min3A_799, %max3A_798 : vector<16xi32>
      %sub3A_801 = arith.constant 1 : i32
      %sub3A_802 = vector.broadcast %sub3A_801 : i32 to vector<16xi32>
      %sub3A_803 = arith.subi %sub3A_791, %sub3A_802 : vector<16xi32>
      %jit3A_804 = arith.constant 0 : i32
      %jit3A_805 = arith.constant 127 : i32
      %max3A_806 = vector.broadcast %jit3A_804 : i32 to vector<16xi32>
      %max3A_807 = arith.maxsi %max3A_806, %sub3A_803 : vector<16xi32>
      %min3A_808 = vector.broadcast %jit3A_805 : i32 to vector<16xi32>
      %min3A_809 = arith.minsi %min3A_808, %max3A_807 : vector<16xi32>
      %mul3A_810 = arith.constant 2048 : i32
      %mul3A_811 = arith.muli %select_n3A_30, %mul3A_810 : i32
      %add3A_812 = vector.broadcast %mul3A_811 : i32 to vector<16xi32>
      %add3A_813 = arith.addi %add3A_783, %add3A_812 : vector<16xi32>
      %le3A_814 = arith.constant 128 : i32
      %le3A_815 = vector.broadcast %le3A_814 : i32 to vector<16xi32>
      %le3A_816 = arith.cmpi sle, %add3A_787, %le3A_815 : vector<16xi32>
      %and3A_817 = arith.andi %gt3A_776, %le3A_816 : vector<16xi1>
      tpu.vector_store_idx %arg20[%min3A_800], %add3A_813 masked %and3A_817 : memref<128xi32, #tpu.memory_space<vmem>>[vector<16xi32>], vector<16xi32>, vector<16xi1>
      %not3A_818 = arith.constant dense<true> : vector<16xi1>
      %not3A_819 = arith.xori %gt3A_776, %not3A_818 : vector<16xi1>
      %le3A_820 = arith.constant 128 : i32
      %le3A_821 = vector.broadcast %le3A_820 : i32 to vector<16xi32>
      %le3A_822 = arith.cmpi sle, %sub3A_791, %le3A_821 : vector<16xi32>
      %and3A_823 = arith.andi %not3A_819, %le3A_822 : vector<16xi1>
      tpu.vector_store_idx %arg21[%min3A_809], %add3A_813 masked %and3A_823 : memref<128xi32, #tpu.memory_space<vmem>>[vector<16xi32>], vector<16xi32>, vector<16xi1>
      %all_reduce_population_count3A_824 = tpu.all_reduce %gt3A_776 {dim = 0 : i64, kind = #tpu.reduction_kind<sum>} : vector<16xi1> -> vector<16xi32>
      %add3A_825 = arith.addi %add3A_758, %all_reduce_population_count3A_824 : vector<16xi32>
      %scan3A_826 = arith.constant 1 : i32
      %scan3A_827 = arith.addi %scan3A_546, %scan3A_826 : i32
      %mul3A_828 = arith.constant 32 : i32
      %mul3A_829 = arith.muli %select_n3A_30, %mul3A_828 : i32
      %add3A_830 = arith.addi %mul3A_829, %scan3A_827 : i32
      %add3A_831 = vector.broadcast %add3A_830 : i32 to vector<16xi32>
      %add3A_832 = arith.addi %broadcast_in_dim3A_98, %add3A_831 : vector<16xi32>
      %gather3A_833 = tpu.vector_load_idx %arg14[%add3A_832] : memref<64xi32, #tpu.memory_space<vmem>>[vector<16xi32>], vector<16xi32>,
      %gather3A_834 = tpu.vector_load_idx %arg15[%add3A_832] : memref<64xi32, #tpu.memory_space<vmem>>[vector<16xi32>], vector<16xi32>,
      %gather3A_835 = tpu.vector_load_idx %arg18[%add3A_832] : memref<64xf32, #tpu.memory_space<vmem>>[vector<16xi32>], vector<16xf32>,
      %sub3A_836 = vector.broadcast %select_n3A_75 : i32 to vector<16xi32>
      %sub3A_837 = arith.subi %gather3A_833, %sub3A_836 : vector<16xi32>
      %sub3A_838 = vector.broadcast %select_n3A_75 : i32 to vector<16xi32>
      %sub3A_839 = arith.subi %gather3A_834, %sub3A_838 : vector<16xi32>
      %sub3A_840 = arith.constant 1.000000e+00 : f32
      %sub3A_841 = vector.broadcast %sub3A_840 : f32 to vector<16xf32>
      %sub3A_842 = arith.subf %sub3A_841, %gather3A_835 : vector<16xf32>
      %gather3A_843 = tpu.vector_load_idx %arg13[%sub3A_837, %get3A_99] : memref<64x128xf32, #tpu.memory_space<vmem>>[vector<16xi32>, vector<16xi32>], vector<16xf32>,
      %gather3A_844 = tpu.vector_load_idx %arg13[%sub3A_837, %get3A_107] : memref<64x128xf32, #tpu.memory_space<vmem>>[vector<16xi32>, vector<16xi32>], vector<16xf32>,
      %gather3A_845 = tpu.vector_load_idx %arg13[%sub3A_839, %get3A_99] : memref<64x128xf32, #tpu.memory_space<vmem>>[vector<16xi32>, vector<16xi32>], vector<16xf32>,
      %gather3A_846 = tpu.vector_load_idx %arg13[%sub3A_839, %get3A_107] : memref<64x128xf32, #tpu.memory_space<vmem>>[vector<16xi32>, vector<16xi32>], vector<16xf32>,
      %mul3A_847 = arith.mulf %gather3A_843, %sub3A_842 : vector<16xf32>
      %mul3A_848 = arith.mulf %mul3A_847, %sub3A_124 : vector<16xf32>
      %mul3A_849 = arith.mulf %gather3A_844, %sub3A_842 : vector<16xf32>
      %mul3A_850 = arith.mulf %mul3A_849, %get3A_115 : vector<16xf32>
      %mul3A_851 = arith.mulf %gather3A_845, %gather3A_835 : vector<16xf32>
      %mul3A_852 = arith.mulf %mul3A_851, %sub3A_124 : vector<16xf32>
      %mul3A_853 = arith.mulf %gather3A_846, %gather3A_835 : vector<16xf32>
      %mul3A_854 = arith.mulf %mul3A_853, %get3A_115 : vector<16xf32>
      %add3A_855 = arith.addf %mul3A_848, %mul3A_850 : vector<16xf32>
      %add3A_856 = arith.addf %add3A_855, %mul3A_852 : vector<16xf32>
      %add3A_857 = arith.addf %add3A_856, %mul3A_854 : vector<16xf32>
      %gt3A_858 = arith.constant 5.000000e-01 : f32
      %gt3A_859 = vector.broadcast %gt3A_858 : f32 to vector<16xf32>
      %gt3A_860 = arith.cmpf ogt, %add3A_857, %gt3A_859 : vector<16xf32>
      %convert_element_type3A_861 = arith.extui %gt3A_860 : vector<16xi1> to vector<16xi32>
      %mul3A_862 = arith.constant 64 : i32
      %mul3A_863 = arith.muli %scan3A_827, %mul3A_862 : i32
      %add3A_864 = arith.constant 0 : i32
      %add3A_865 = arith.addi %mul3A_863, %add3A_864 : i32
      %add3A_866 = vector.broadcast %add3A_865 : i32 to vector<16xi32>
      %add3A_867 = arith.addi %add3A_866, %iota3A : vector<16xi32>
      %cumsum3A_868 = arith.constant true
      %cumsum3A_869 = vector.broadcast %cumsum3A_868 : i1 to vector<16xi1>
      %cumsum3A_870 = tpu.scan <sum>, %convert_element_type3A_861 masked %cumsum3A_869 : vector<16xi32>, vector<16xi1> -> vector<16xi32>
      %add3A_871 = arith.addi %cumsum3A_870, %add3A_825 : vector<16xi32>
      %add3A_872 = arith.constant 1 : i32
      %add3A_873 = vector.broadcast %add3A_872 : i32 to vector<16xi32>
      %add3A_874 = arith.addi %add3A_867, %add3A_873 : vector<16xi32>
      %sub3A_875 = arith.subi %add3A_874, %add3A_871 : vector<16xi32>
      %sub3A_876 = arith.constant 1 : i32
      %sub3A_877 = vector.broadcast %sub3A_876 : i32 to vector<16xi32>
      %sub3A_878 = arith.subi %add3A_871, %sub3A_877 : vector<16xi32>
      %jit3A_879 = arith.constant 0 : i32
      %jit3A_880 = arith.constant 127 : i32
      %max3A_881 = vector.broadcast %jit3A_879 : i32 to vector<16xi32>
      %max3A_882 = arith.maxsi %max3A_881, %sub3A_878 : vector<16xi32>
      %min3A_883 = vector.broadcast %jit3A_880 : i32 to vector<16xi32>
      %min3A_884 = arith.minsi %min3A_883, %max3A_882 : vector<16xi32>
      %sub3A_885 = arith.constant 1 : i32
      %sub3A_886 = vector.broadcast %sub3A_885 : i32 to vector<16xi32>
      %sub3A_887 = arith.subi %sub3A_875, %sub3A_886 : vector<16xi32>
      %jit3A_888 = arith.constant 0 : i32
      %jit3A_889 = arith.constant 127 : i32
      %max3A_890 = vector.broadcast %jit3A_888 : i32 to vector<16xi32>
      %max3A_891 = arith.maxsi %max3A_890, %sub3A_887 : vector<16xi32>
      %min3A_892 = vector.broadcast %jit3A_889 : i32 to vector<16xi32>
      %min3A_893 = arith.minsi %min3A_892, %max3A_891 : vector<16xi32>
      %mul3A_894 = arith.constant 2048 : i32
      %mul3A_895 = arith.muli %select_n3A_30, %mul3A_894 : i32
      %add3A_896 = vector.broadcast %mul3A_895 : i32 to vector<16xi32>
      %add3A_897 = arith.addi %add3A_867, %add3A_896 : vector<16xi32>
      %le3A_898 = arith.constant 128 : i32
      %le3A_899 = vector.broadcast %le3A_898 : i32 to vector<16xi32>
      %le3A_900 = arith.cmpi sle, %add3A_871, %le3A_899 : vector<16xi32>
      %and3A_901 = arith.andi %gt3A_860, %le3A_900 : vector<16xi1>
      tpu.vector_store_idx %arg20[%min3A_884], %add3A_897 masked %and3A_901 : memref<128xi32, #tpu.memory_space<vmem>>[vector<16xi32>], vector<16xi32>, vector<16xi1>
      %not3A_902 = arith.constant dense<true> : vector<16xi1>
      %not3A_903 = arith.xori %gt3A_860, %not3A_902 : vector<16xi1>
      %le3A_904 = arith.constant 128 : i32
      %le3A_905 = vector.broadcast %le3A_904 : i32 to vector<16xi32>
      %le3A_906 = arith.cmpi sle, %sub3A_875, %le3A_905 : vector<16xi32>
      %and3A_907 = arith.andi %not3A_903, %le3A_906 : vector<16xi1>
      tpu.vector_store_idx %arg21[%min3A_893], %add3A_897 masked %and3A_907 : memref<128xi32, #tpu.memory_space<vmem>>[vector<16xi32>], vector<16xi32>, vector<16xi1>
      %all_reduce_population_count3A_908 = tpu.all_reduce %gt3A_860 {dim = 0 : i64, kind = #tpu.reduction_kind<sum>} : vector<16xi1> -> vector<16xi32>
      %add3A_909 = arith.addi %add3A_825, %all_reduce_population_count3A_908 : vector<16xi32>
      %gather3A_910 = tpu.vector_load_idx %arg13[%sub3A_837, %get3A_101] : memref<64x128xf32, #tpu.memory_space<vmem>>[vector<16xi32>, vector<16xi32>], vector<16xf32>,
      %gather3A_911 = tpu.vector_load_idx %arg13[%sub3A_837, %get3A_109] : memref<64x128xf32, #tpu.memory_space<vmem>>[vector<16xi32>, vector<16xi32>], vector<16xf32>,
      %gather3A_912 = tpu.vector_load_idx %arg13[%sub3A_839, %get3A_101] : memref<64x128xf32, #tpu.memory_space<vmem>>[vector<16xi32>, vector<16xi32>], vector<16xf32>,
      %gather3A_913 = tpu.vector_load_idx %arg13[%sub3A_839, %get3A_109] : memref<64x128xf32, #tpu.memory_space<vmem>>[vector<16xi32>, vector<16xi32>], vector<16xf32>,
      %mul3A_914 = arith.mulf %gather3A_910, %sub3A_842 : vector<16xf32>
      %mul3A_915 = arith.mulf %mul3A_914, %sub3A_127 : vector<16xf32>
      %mul3A_916 = arith.mulf %gather3A_911, %sub3A_842 : vector<16xf32>
      %mul3A_917 = arith.mulf %mul3A_916, %get3A_117 : vector<16xf32>
      %mul3A_918 = arith.mulf %gather3A_912, %gather3A_835 : vector<16xf32>
      %mul3A_919 = arith.mulf %mul3A_918, %sub3A_127 : vector<16xf32>
      %mul3A_920 = arith.mulf %gather3A_913, %gather3A_835 : vector<16xf32>
      %mul3A_921 = arith.mulf %mul3A_920, %get3A_117 : vector<16xf32>
      %add3A_922 = arith.addf %mul3A_915, %mul3A_917 : vector<16xf32>
      %add3A_923 = arith.addf %add3A_922, %mul3A_919 : vector<16xf32>
      %add3A_924 = arith.addf %add3A_923, %mul3A_921 : vector<16xf32>
      %gt3A_925 = arith.constant 5.000000e-01 : f32
      %gt3A_926 = vector.broadcast %gt3A_925 : f32 to vector<16xf32>
      %gt3A_927 = arith.cmpf ogt, %add3A_924, %gt3A_926 : vector<16xf32>
      %convert_element_type3A_928 = arith.extui %gt3A_927 : vector<16xi1> to vector<16xi32>
      %mul3A_929 = arith.constant 64 : i32
      %mul3A_930 = arith.muli %scan3A_827, %mul3A_929 : i32
      %add3A_931 = arith.constant 16 : i32
      %add3A_932 = arith.addi %mul3A_930, %add3A_931 : i32
      %add3A_933 = vector.broadcast %add3A_932 : i32 to vector<16xi32>
      %add3A_934 = arith.addi %add3A_933, %iota3A : vector<16xi32>
      %cumsum3A_935 = arith.constant true
      %cumsum3A_936 = vector.broadcast %cumsum3A_935 : i1 to vector<16xi1>
      %cumsum3A_937 = tpu.scan <sum>, %convert_element_type3A_928 masked %cumsum3A_936 : vector<16xi32>, vector<16xi1> -> vector<16xi32>
      %add3A_938 = arith.addi %cumsum3A_937, %add3A_909 : vector<16xi32>
      %add3A_939 = arith.constant 1 : i32
      %add3A_940 = vector.broadcast %add3A_939 : i32 to vector<16xi32>
      %add3A_941 = arith.addi %add3A_934, %add3A_940 : vector<16xi32>
      %sub3A_942 = arith.subi %add3A_941, %add3A_938 : vector<16xi32>
      %sub3A_943 = arith.constant 1 : i32
      %sub3A_944 = vector.broadcast %sub3A_943 : i32 to vector<16xi32>
      %sub3A_945 = arith.subi %add3A_938, %sub3A_944 : vector<16xi32>
      %jit3A_946 = arith.constant 0 : i32
      %jit3A_947 = arith.constant 127 : i32
      %max3A_948 = vector.broadcast %jit3A_946 : i32 to vector<16xi32>
      %max3A_949 = arith.maxsi %max3A_948, %sub3A_945 : vector<16xi32>
      %min3A_950 = vector.broadcast %jit3A_947 : i32 to vector<16xi32>
      %min3A_951 = arith.minsi %min3A_950, %max3A_949 : vector<16xi32>
      %sub3A_952 = arith.constant 1 : i32
      %sub3A_953 = vector.broadcast %sub3A_952 : i32 to vector<16xi32>
      %sub3A_954 = arith.subi %sub3A_942, %sub3A_953 : vector<16xi32>
      %jit3A_955 = arith.constant 0 : i32
      %jit3A_956 = arith.constant 127 : i32
      %max3A_957 = vector.broadcast %jit3A_955 : i32 to vector<16xi32>
      %max3A_958 = arith.maxsi %max3A_957, %sub3A_954 : vector<16xi32>
      %min3A_959 = vector.broadcast %jit3A_956 : i32 to vector<16xi32>
      %min3A_960 = arith.minsi %min3A_959, %max3A_958 : vector<16xi32>
      %mul3A_961 = arith.constant 2048 : i32
      %mul3A_962 = arith.muli %select_n3A_30, %mul3A_961 : i32
      %add3A_963 = vector.broadcast %mul3A_962 : i32 to vector<16xi32>
      %add3A_964 = arith.addi %add3A_934, %add3A_963 : vector<16xi32>
      %le3A_965 = arith.constant 128 : i32
      %le3A_966 = vector.broadcast %le3A_965 : i32 to vector<16xi32>
      %le3A_967 = arith.cmpi sle, %add3A_938, %le3A_966 : vector<16xi32>
      %and3A_968 = arith.andi %gt3A_927, %le3A_967 : vector<16xi1>
      tpu.vector_store_idx %arg20[%min3A_951], %add3A_964 masked %and3A_968 : memref<128xi32, #tpu.memory_space<vmem>>[vector<16xi32>], vector<16xi32>, vector<16xi1>
      %not3A_969 = arith.constant dense<true> : vector<16xi1>
      %not3A_970 = arith.xori %gt3A_927, %not3A_969 : vector<16xi1>
      %le3A_971 = arith.constant 128 : i32
      %le3A_972 = vector.broadcast %le3A_971 : i32 to vector<16xi32>
      %le3A_973 = arith.cmpi sle, %sub3A_942, %le3A_972 : vector<16xi32>
      %and3A_974 = arith.andi %not3A_970, %le3A_973 : vector<16xi1>
      tpu.vector_store_idx %arg21[%min3A_960], %add3A_964 masked %and3A_974 : memref<128xi32, #tpu.memory_space<vmem>>[vector<16xi32>], vector<16xi32>, vector<16xi1>
      %all_reduce_population_count3A_975 = tpu.all_reduce %gt3A_927 {dim = 0 : i64, kind = #tpu.reduction_kind<sum>} : vector<16xi1> -> vector<16xi32>
      %add3A_976 = arith.addi %add3A_909, %all_reduce_population_count3A_975 : vector<16xi32>
      %gather3A_977 = tpu.vector_load_idx %arg13[%sub3A_837, %get3A_103] : memref<64x128xf32, #tpu.memory_space<vmem>>[vector<16xi32>, vector<16xi32>], vector<16xf32>,
      %gather3A_978 = tpu.vector_load_idx %arg13[%sub3A_837, %get3A_111] : memref<64x128xf32, #tpu.memory_space<vmem>>[vector<16xi32>, vector<16xi32>], vector<16xf32>,
      %gather3A_979 = tpu.vector_load_idx %arg13[%sub3A_839, %get3A_103] : memref<64x128xf32, #tpu.memory_space<vmem>>[vector<16xi32>, vector<16xi32>], vector<16xf32>,
      %gather3A_980 = tpu.vector_load_idx %arg13[%sub3A_839, %get3A_111] : memref<64x128xf32, #tpu.memory_space<vmem>>[vector<16xi32>, vector<16xi32>], vector<16xf32>,
      %mul3A_981 = arith.mulf %gather3A_977, %sub3A_842 : vector<16xf32>
      %mul3A_982 = arith.mulf %mul3A_981, %sub3A_130 : vector<16xf32>
      %mul3A_983 = arith.mulf %gather3A_978, %sub3A_842 : vector<16xf32>
      %mul3A_984 = arith.mulf %mul3A_983, %get3A_119 : vector<16xf32>
      %mul3A_985 = arith.mulf %gather3A_979, %gather3A_835 : vector<16xf32>
      %mul3A_986 = arith.mulf %mul3A_985, %sub3A_130 : vector<16xf32>
      %mul3A_987 = arith.mulf %gather3A_980, %gather3A_835 : vector<16xf32>
      %mul3A_988 = arith.mulf %mul3A_987, %get3A_119 : vector<16xf32>
      %add3A_989 = arith.addf %mul3A_982, %mul3A_984 : vector<16xf32>
      %add3A_990 = arith.addf %add3A_989, %mul3A_986 : vector<16xf32>
      %add3A_991 = arith.addf %add3A_990, %mul3A_988 : vector<16xf32>
      %gt3A_992 = arith.constant 5.000000e-01 : f32
      %gt3A_993 = vector.broadcast %gt3A_992 : f32 to vector<16xf32>
      %gt3A_994 = arith.cmpf ogt, %add3A_991, %gt3A_993 : vector<16xf32>
      %convert_element_type3A_995 = arith.extui %gt3A_994 : vector<16xi1> to vector<16xi32>
      %mul3A_996 = arith.constant 64 : i32
      %mul3A_997 = arith.muli %scan3A_827, %mul3A_996 : i32
      %add3A_998 = arith.constant 32 : i32
      %add3A_999 = arith.addi %mul3A_997, %add3A_998 : i32
      %add3A_1000 = vector.broadcast %add3A_999 : i32 to vector<16xi32>
      %add3A_1001 = arith.addi %add3A_1000, %iota3A : vector<16xi32>
      %cumsum3A_1002 = arith.constant true
      %cumsum3A_1003 = vector.broadcast %cumsum3A_1002 : i1 to vector<16xi1>
      %cumsum3A_1004 = tpu.scan <sum>, %convert_element_type3A_995 masked %cumsum3A_1003 : vector<16xi32>, vector<16xi1> -> vector<16xi32>
      %add3A_1005 = arith.addi %cumsum3A_1004, %add3A_976 : vector<16xi32>
      %add3A_1006 = arith.constant 1 : i32
      %add3A_1007 = vector.broadcast %add3A_1006 : i32 to vector<16xi32>
      %add3A_1008 = arith.addi %add3A_1001, %add3A_1007 : vector<16xi32>
      %sub3A_1009 = arith.subi %add3A_1008, %add3A_1005 : vector<16xi32>
      %sub3A_1010 = arith.constant 1 : i32
      %sub3A_1011 = vector.broadcast %sub3A_1010 : i32 to vector<16xi32>
      %sub3A_1012 = arith.subi %add3A_1005, %sub3A_1011 : vector<16xi32>
      %jit3A_1013 = arith.constant 0 : i32
      %jit3A_1014 = arith.constant 127 : i32
      %max3A_1015 = vector.broadcast %jit3A_1013 : i32 to vector<16xi32>
      %max3A_1016 = arith.maxsi %max3A_1015, %sub3A_1012 : vector<16xi32>
      %min3A_1017 = vector.broadcast %jit3A_1014 : i32 to vector<16xi32>
      %min3A_1018 = arith.minsi %min3A_1017, %max3A_1016 : vector<16xi32>
      %sub3A_1019 = arith.constant 1 : i32
      %sub3A_1020 = vector.broadcast %sub3A_1019 : i32 to vector<16xi32>
      %sub3A_1021 = arith.subi %sub3A_1009, %sub3A_1020 : vector<16xi32>
      %jit3A_1022 = arith.constant 0 : i32
      %jit3A_1023 = arith.constant 127 : i32
      %max3A_1024 = vector.broadcast %jit3A_1022 : i32 to vector<16xi32>
      %max3A_1025 = arith.maxsi %max3A_1024, %sub3A_1021 : vector<16xi32>
      %min3A_1026 = vector.broadcast %jit3A_1023 : i32 to vector<16xi32>
      %min3A_1027 = arith.minsi %min3A_1026, %max3A_1025 : vector<16xi32>
      %mul3A_1028 = arith.constant 2048 : i32
      %mul3A_1029 = arith.muli %select_n3A_30, %mul3A_1028 : i32
      %add3A_1030 = vector.broadcast %mul3A_1029 : i32 to vector<16xi32>
      %add3A_1031 = arith.addi %add3A_1001, %add3A_1030 : vector<16xi32>
      %le3A_1032 = arith.constant 128 : i32
      %le3A_1033 = vector.broadcast %le3A_1032 : i32 to vector<16xi32>
      %le3A_1034 = arith.cmpi sle, %add3A_1005, %le3A_1033 : vector<16xi32>
      %and3A_1035 = arith.andi %gt3A_994, %le3A_1034 : vector<16xi1>
      tpu.vector_store_idx %arg20[%min3A_1018], %add3A_1031 masked %and3A_1035 : memref<128xi32, #tpu.memory_space<vmem>>[vector<16xi32>], vector<16xi32>, vector<16xi1>
      %not3A_1036 = arith.constant dense<true> : vector<16xi1>
      %not3A_1037 = arith.xori %gt3A_994, %not3A_1036 : vector<16xi1>
      %le3A_1038 = arith.constant 128 : i32
      %le3A_1039 = vector.broadcast %le3A_1038 : i32 to vector<16xi32>
      %le3A_1040 = arith.cmpi sle, %sub3A_1009, %le3A_1039 : vector<16xi32>
      %and3A_1041 = arith.andi %not3A_1037, %le3A_1040 : vector<16xi1>
      tpu.vector_store_idx %arg21[%min3A_1027], %add3A_1031 masked %and3A_1041 : memref<128xi32, #tpu.memory_space<vmem>>[vector<16xi32>], vector<16xi32>, vector<16xi1>
      %all_reduce_population_count3A_1042 = tpu.all_reduce %gt3A_994 {dim = 0 : i64, kind = #tpu.reduction_kind<sum>} : vector<16xi1> -> vector<16xi32>
      %add3A_1043 = arith.addi %add3A_976, %all_reduce_population_count3A_1042 : vector<16xi32>
      %gather3A_1044 = tpu.vector_load_idx %arg13[%sub3A_837, %get3A_105] : memref<64x128xf32, #tpu.memory_space<vmem>>[vector<16xi32>, vector<16xi32>], vector<16xf32>,
      %gather3A_1045 = tpu.vector_load_idx %arg13[%sub3A_837, %get3A_113] : memref<64x128xf32, #tpu.memory_space<vmem>>[vector<16xi32>, vector<16xi32>], vector<16xf32>,
      %gather3A_1046 = tpu.vector_load_idx %arg13[%sub3A_839, %get3A_105] : memref<64x128xf32, #tpu.memory_space<vmem>>[vector<16xi32>, vector<16xi32>], vector<16xf32>,
      %gather3A_1047 = tpu.vector_load_idx %arg13[%sub3A_839, %get3A_113] : memref<64x128xf32, #tpu.memory_space<vmem>>[vector<16xi32>, vector<16xi32>], vector<16xf32>,
      %mul3A_1048 = arith.mulf %gather3A_1044, %sub3A_842 : vector<16xf32>
      %mul3A_1049 = arith.mulf %mul3A_1048, %sub3A_133 : vector<16xf32>
      %mul3A_1050 = arith.mulf %gather3A_1045, %sub3A_842 : vector<16xf32>
      %mul3A_1051 = arith.mulf %mul3A_1050, %get3A_121 : vector<16xf32>
      %mul3A_1052 = arith.mulf %gather3A_1046, %gather3A_835 : vector<16xf32>
      %mul3A_1053 = arith.mulf %mul3A_1052, %sub3A_133 : vector<16xf32>
      %mul3A_1054 = arith.mulf %gather3A_1047, %gather3A_835 : vector<16xf32>
      %mul3A_1055 = arith.mulf %mul3A_1054, %get3A_121 : vector<16xf32>
      %add3A_1056 = arith.addf %mul3A_1049, %mul3A_1051 : vector<16xf32>
      %add3A_1057 = arith.addf %add3A_1056, %mul3A_1053 : vector<16xf32>
      %add3A_1058 = arith.addf %add3A_1057, %mul3A_1055 : vector<16xf32>
      %gt3A_1059 = arith.constant 5.000000e-01 : f32
      %gt3A_1060 = vector.broadcast %gt3A_1059 : f32 to vector<16xf32>
      %gt3A_1061 = arith.cmpf ogt, %add3A_1058, %gt3A_1060 : vector<16xf32>
      %convert_element_type3A_1062 = arith.extui %gt3A_1061 : vector<16xi1> to vector<16xi32>
      %mul3A_1063 = arith.constant 64 : i32
      %mul3A_1064 = arith.muli %scan3A_827, %mul3A_1063 : i32
      %add3A_1065 = arith.constant 48 : i32
      %add3A_1066 = arith.addi %mul3A_1064, %add3A_1065 : i32
      %add3A_1067 = vector.broadcast %add3A_1066 : i32 to vector<16xi32>
      %add3A_1068 = arith.addi %add3A_1067, %iota3A : vector<16xi32>
      %cumsum3A_1069 = arith.constant true
      %cumsum3A_1070 = vector.broadcast %cumsum3A_1069 : i1 to vector<16xi1>
      %cumsum3A_1071 = tpu.scan <sum>, %convert_element_type3A_1062 masked %cumsum3A_1070 : vector<16xi32>, vector<16xi1> -> vector<16xi32>
      %add3A_1072 = arith.addi %cumsum3A_1071, %add3A_1043 : vector<16xi32>
      %add3A_1073 = arith.constant 1 : i32
      %add3A_1074 = vector.broadcast %add3A_1073 : i32 to vector<16xi32>
      %add3A_1075 = arith.addi %add3A_1068, %add3A_1074 : vector<16xi32>
      %sub3A_1076 = arith.subi %add3A_1075, %add3A_1072 : vector<16xi32>
      %sub3A_1077 = arith.constant 1 : i32
      %sub3A_1078 = vector.broadcast %sub3A_1077 : i32 to vector<16xi32>
      %sub3A_1079 = arith.subi %add3A_1072, %sub3A_1078 : vector<16xi32>
      %jit3A_1080 = arith.constant 0 : i32
      %jit3A_1081 = arith.constant 127 : i32
      %max3A_1082 = vector.broadcast %jit3A_1080 : i32 to vector<16xi32>
      %max3A_1083 = arith.maxsi %max3A_1082, %sub3A_1079 : vector<16xi32>
      %min3A_1084 = vector.broadcast %jit3A_1081 : i32 to vector<16xi32>
      %min3A_1085 = arith.minsi %min3A_1084, %max3A_1083 : vector<16xi32>
      %sub3A_1086 = arith.constant 1 : i32
      %sub3A_1087 = vector.broadcast %sub3A_1086 : i32 to vector<16xi32>
      %sub3A_1088 = arith.subi %sub3A_1076, %sub3A_1087 : vector<16xi32>
      %jit3A_1089 = arith.constant 0 : i32
      %jit3A_1090 = arith.constant 127 : i32
      %max3A_1091 = vector.broadcast %jit3A_1089 : i32 to vector<16xi32>
      %max3A_1092 = arith.maxsi %max3A_1091, %sub3A_1088 : vector<16xi32>
      %min3A_1093 = vector.broadcast %jit3A_1090 : i32 to vector<16xi32>
      %min3A_1094 = arith.minsi %min3A_1093, %max3A_1092 : vector<16xi32>
      %mul3A_1095 = arith.constant 2048 : i32
      %mul3A_1096 = arith.muli %select_n3A_30, %mul3A_1095 : i32
      %add3A_1097 = vector.broadcast %mul3A_1096 : i32 to vector<16xi32>
      %add3A_1098 = arith.addi %add3A_1068, %add3A_1097 : vector<16xi32>
      %le3A_1099 = arith.constant 128 : i32
      %le3A_1100 = vector.broadcast %le3A_1099 : i32 to vector<16xi32>
      %le3A_1101 = arith.cmpi sle, %add3A_1072, %le3A_1100 : vector<16xi32>
      %and3A_1102 = arith.andi %gt3A_1061, %le3A_1101 : vector<16xi1>
      tpu.vector_store_idx %arg20[%min3A_1085], %add3A_1098 masked %and3A_1102 : memref<128xi32, #tpu.memory_space<vmem>>[vector<16xi32>], vector<16xi32>, vector<16xi1>
      %not3A_1103 = arith.constant dense<true> : vector<16xi1>
      %not3A_1104 = arith.xori %gt3A_1061, %not3A_1103 : vector<16xi1>
      %le3A_1105 = arith.constant 128 : i32
      %le3A_1106 = vector.broadcast %le3A_1105 : i32 to vector<16xi32>
      %le3A_1107 = arith.cmpi sle, %sub3A_1076, %le3A_1106 : vector<16xi32>
      %and3A_1108 = arith.andi %not3A_1104, %le3A_1107 : vector<16xi1>
      tpu.vector_store_idx %arg21[%min3A_1094], %add3A_1098 masked %and3A_1108 : memref<128xi32, #tpu.memory_space<vmem>>[vector<16xi32>], vector<16xi32>, vector<16xi1>
      %all_reduce_population_count3A_1109 = tpu.all_reduce %gt3A_1061 {dim = 0 : i64, kind = #tpu.reduction_kind<sum>} : vector<16xi1> -> vector<16xi32>
      %add3A_1110 = arith.addi %add3A_1043, %all_reduce_population_count3A_1109 : vector<16xi32>
      %scan3A_1111 = arith.constant 2 : i32
      %scan3A_1112 = arith.addi %scan3A_546, %scan3A_1111 : i32
      %mul3A_1113 = arith.constant 32 : i32
      %mul3A_1114 = arith.muli %select_n3A_30, %mul3A_1113 : i32
      %add3A_1115 = arith.addi %mul3A_1114, %scan3A_1112 : i32
      %add3A_1116 = vector.broadcast %add3A_1115 : i32 to vector<16xi32>
      %add3A_1117 = arith.addi %broadcast_in_dim3A_98, %add3A_1116 : vector<16xi32>
      %gather3A_1118 = tpu.vector_load_idx %arg14[%add3A_1117] : memref<64xi32, #tpu.memory_space<vmem>>[vector<16xi32>], vector<16xi32>,
      %gather3A_1119 = tpu.vector_load_idx %arg15[%add3A_1117] : memref<64xi32, #tpu.memory_space<vmem>>[vector<16xi32>], vector<16xi32>,
      %gather3A_1120 = tpu.vector_load_idx %arg18[%add3A_1117] : memref<64xf32, #tpu.memory_space<vmem>>[vector<16xi32>], vector<16xf32>,
      %sub3A_1121 = vector.broadcast %select_n3A_75 : i32 to vector<16xi32>
      %sub3A_1122 = arith.subi %gather3A_1118, %sub3A_1121 : vector<16xi32>
      %sub3A_1123 = vector.broadcast %select_n3A_75 : i32 to vector<16xi32>
      %sub3A_1124 = arith.subi %gather3A_1119, %sub3A_1123 : vector<16xi32>
      %sub3A_1125 = arith.constant 1.000000e+00 : f32
      %sub3A_1126 = vector.broadcast %sub3A_1125 : f32 to vector<16xf32>
      %sub3A_1127 = arith.subf %sub3A_1126, %gather3A_1120 : vector<16xf32>
      %gather3A_1128 = tpu.vector_load_idx %arg13[%sub3A_1122, %get3A_99] : memref<64x128xf32, #tpu.memory_space<vmem>>[vector<16xi32>, vector<16xi32>], vector<16xf32>,
      %gather3A_1129 = tpu.vector_load_idx %arg13[%sub3A_1122, %get3A_107] : memref<64x128xf32, #tpu.memory_space<vmem>>[vector<16xi32>, vector<16xi32>], vector<16xf32>,
      %gather3A_1130 = tpu.vector_load_idx %arg13[%sub3A_1124, %get3A_99] : memref<64x128xf32, #tpu.memory_space<vmem>>[vector<16xi32>, vector<16xi32>], vector<16xf32>,
      %gather3A_1131 = tpu.vector_load_idx %arg13[%sub3A_1124, %get3A_107] : memref<64x128xf32, #tpu.memory_space<vmem>>[vector<16xi32>, vector<16xi32>], vector<16xf32>,
      %mul3A_1132 = arith.mulf %gather3A_1128, %sub3A_1127 : vector<16xf32>
      %mul3A_1133 = arith.mulf %mul3A_1132, %sub3A_124 : vector<16xf32>
      %mul3A_1134 = arith.mulf %gather3A_1129, %sub3A_1127 : vector<16xf32>
      %mul3A_1135 = arith.mulf %mul3A_1134, %get3A_115 : vector<16xf32>
      %mul3A_1136 = arith.mulf %gather3A_1130, %gather3A_1120 : vector<16xf32>
      %mul3A_1137 = arith.mulf %mul3A_1136, %sub3A_124 : vector<16xf32>
      %mul3A_1138 = arith.mulf %gather3A_1131, %gather3A_1120 : vector<16xf32>
      %mul3A_1139 = arith.mulf %mul3A_1138, %get3A_115 : vector<16xf32>
      %add3A_1140 = arith.addf %mul3A_1133, %mul3A_1135 : vector<16xf32>
      %add3A_1141 = arith.addf %add3A_1140, %mul3A_1137 : vector<16xf32>
      %add3A_1142 = arith.addf %add3A_1141, %mul3A_1139 : vector<16xf32>
      %gt3A_1143 = arith.constant 5.000000e-01 : f32
      %gt3A_1144 = vector.broadcast %gt3A_1143 : f32 to vector<16xf32>
      %gt3A_1145 = arith.cmpf ogt, %add3A_1142, %gt3A_1144 : vector<16xf32>
      %convert_element_type3A_1146 = arith.extui %gt3A_1145 : vector<16xi1> to vector<16xi32>
      %mul3A_1147 = arith.constant 64 : i32
      %mul3A_1148 = arith.muli %scan3A_1112, %mul3A_1147 : i32
      %add3A_1149 = arith.constant 0 : i32
      %add3A_1150 = arith.addi %mul3A_1148, %add3A_1149 : i32
      %add3A_1151 = vector.broadcast %add3A_1150 : i32 to vector<16xi32>
      %add3A_1152 = arith.addi %add3A_1151, %iota3A : vector<16xi32>
      %cumsum3A_1153 = arith.constant true
      %cumsum3A_1154 = vector.broadcast %cumsum3A_1153 : i1 to vector<16xi1>
      %cumsum3A_1155 = tpu.scan <sum>, %convert_element_type3A_1146 masked %cumsum3A_1154 : vector<16xi32>, vector<16xi1> -> vector<16xi32>
      %add3A_1156 = arith.addi %cumsum3A_1155, %add3A_1110 : vector<16xi32>
      %add3A_1157 = arith.constant 1 : i32
      %add3A_1158 = vector.broadcast %add3A_1157 : i32 to vector<16xi32>
      %add3A_1159 = arith.addi %add3A_1152, %add3A_1158 : vector<16xi32>
      %sub3A_1160 = arith.subi %add3A_1159, %add3A_1156 : vector<16xi32>
      %sub3A_1161 = arith.constant 1 : i32
      %sub3A_1162 = vector.broadcast %sub3A_1161 : i32 to vector<16xi32>
      %sub3A_1163 = arith.subi %add3A_1156, %sub3A_1162 : vector<16xi32>
      %jit3A_1164 = arith.constant 0 : i32
      %jit3A_1165 = arith.constant 127 : i32
      %max3A_1166 = vector.broadcast %jit3A_1164 : i32 to vector<16xi32>
      %max3A_1167 = arith.maxsi %max3A_1166, %sub3A_1163 : vector<16xi32>
      %min3A_1168 = vector.broadcast %jit3A_1165 : i32 to vector<16xi32>
      %min3A_1169 = arith.minsi %min3A_1168, %max3A_1167 : vector<16xi32>
      %sub3A_1170 = arith.constant 1 : i32
      %sub3A_1171 = vector.broadcast %sub3A_1170 : i32 to vector<16xi32>
      %sub3A_1172 = arith.subi %sub3A_1160, %sub3A_1171 : vector<16xi32>
      %jit3A_1173 = arith.constant 0 : i32
      %jit3A_1174 = arith.constant 127 : i32
      %max3A_1175 = vector.broadcast %jit3A_1173 : i32 to vector<16xi32>
      %max3A_1176 = arith.maxsi %max3A_1175, %sub3A_1172 : vector<16xi32>
      %min3A_1177 = vector.broadcast %jit3A_1174 : i32 to vector<16xi32>
      %min3A_1178 = arith.minsi %min3A_1177, %max3A_1176 : vector<16xi32>
      %mul3A_1179 = arith.constant 2048 : i32
      %mul3A_1180 = arith.muli %select_n3A_30, %mul3A_1179 : i32
      %add3A_1181 = vector.broadcast %mul3A_1180 : i32 to vector<16xi32>
      %add3A_1182 = arith.addi %add3A_1152, %add3A_1181 : vector<16xi32>
      %le3A_1183 = arith.constant 128 : i32
      %le3A_1184 = vector.broadcast %le3A_1183 : i32 to vector<16xi32>
      %le3A_1185 = arith.cmpi sle, %add3A_1156, %le3A_1184 : vector<16xi32>
      %and3A_1186 = arith.andi %gt3A_1145, %le3A_1185 : vector<16xi1>
      tpu.vector_store_idx %arg20[%min3A_1169], %add3A_1182 masked %and3A_1186 : memref<128xi32, #tpu.memory_space<vmem>>[vector<16xi32>], vector<16xi32>, vector<16xi1>
      %not3A_1187 = arith.constant dense<true> : vector<16xi1>
      %not3A_1188 = arith.xori %gt3A_1145, %not3A_1187 : vector<16xi1>
      %le3A_1189 = arith.constant 128 : i32
      %le3A_1190 = vector.broadcast %le3A_1189 : i32 to vector<16xi32>
      %le3A_1191 = arith.cmpi sle, %sub3A_1160, %le3A_1190 : vector<16xi32>
      %and3A_1192 = arith.andi %not3A_1188, %le3A_1191 : vector<16xi1>
      tpu.vector_store_idx %arg21[%min3A_1178], %add3A_1182 masked %and3A_1192 : memref<128xi32, #tpu.memory_space<vmem>>[vector<16xi32>], vector<16xi32>, vector<16xi1>
      %all_reduce_population_count3A_1193 = tpu.all_reduce %gt3A_1145 {dim = 0 : i64, kind = #tpu.reduction_kind<sum>} : vector<16xi1> -> vector<16xi32>
      %add3A_1194 = arith.addi %add3A_1110, %all_reduce_population_count3A_1193 : vector<16xi32>
      %gather3A_1195 = tpu.vector_load_idx %arg13[%sub3A_1122, %get3A_101] : memref<64x128xf32, #tpu.memory_space<vmem>>[vector<16xi32>, vector<16xi32>], vector<16xf32>,
      %gather3A_1196 = tpu.vector_load_idx %arg13[%sub3A_1122, %get3A_109] : memref<64x128xf32, #tpu.memory_space<vmem>>[vector<16xi32>, vector<16xi32>], vector<16xf32>,
      %gather3A_1197 = tpu.vector_load_idx %arg13[%sub3A_1124, %get3A_101] : memref<64x128xf32, #tpu.memory_space<vmem>>[vector<16xi32>, vector<16xi32>], vector<16xf32>,
      %gather3A_1198 = tpu.vector_load_idx %arg13[%sub3A_1124, %get3A_109] : memref<64x128xf32, #tpu.memory_space<vmem>>[vector<16xi32>, vector<16xi32>], vector<16xf32>,
      %mul3A_1199 = arith.mulf %gather3A_1195, %sub3A_1127 : vector<16xf32>
      %mul3A_1200 = arith.mulf %mul3A_1199, %sub3A_127 : vector<16xf32>
      %mul3A_1201 = arith.mulf %gather3A_1196, %sub3A_1127 : vector<16xf32>
      %mul3A_1202 = arith.mulf %mul3A_1201, %get3A_117 : vector<16xf32>
      %mul3A_1203 = arith.mulf %gather3A_1197, %gather3A_1120 : vector<16xf32>
      %mul3A_1204 = arith.mulf %mul3A_1203, %sub3A_127 : vector<16xf32>
      %mul3A_1205 = arith.mulf %gather3A_1198, %gather3A_1120 : vector<16xf32>
      %mul3A_1206 = arith.mulf %mul3A_1205, %get3A_117 : vector<16xf32>
      %add3A_1207 = arith.addf %mul3A_1200, %mul3A_1202 : vector<16xf32>
      %add3A_1208 = arith.addf %add3A_1207, %mul3A_1204 : vector<16xf32>
      %add3A_1209 = arith.addf %add3A_1208, %mul3A_1206 : vector<16xf32>
      %gt3A_1210 = arith.constant 5.000000e-01 : f32
      %gt3A_1211 = vector.broadcast %gt3A_1210 : f32 to vector<16xf32>
      %gt3A_1212 = arith.cmpf ogt, %add3A_1209, %gt3A_1211 : vector<16xf32>
      %convert_element_type3A_1213 = arith.extui %gt3A_1212 : vector<16xi1> to vector<16xi32>
      %mul3A_1214 = arith.constant 64 : i32
      %mul3A_1215 = arith.muli %scan3A_1112, %mul3A_1214 : i32
      %add3A_1216 = arith.constant 16 : i32
      %add3A_1217 = arith.addi %mul3A_1215, %add3A_1216 : i32
      %add3A_1218 = vector.broadcast %add3A_1217 : i32 to vector<16xi32>
      %add3A_1219 = arith.addi %add3A_1218, %iota3A : vector<16xi32>
      %cumsum3A_1220 = arith.constant true
      %cumsum3A_1221 = vector.broadcast %cumsum3A_1220 : i1 to vector<16xi1>
      %cumsum3A_1222 = tpu.scan <sum>, %convert_element_type3A_1213 masked %cumsum3A_1221 : vector<16xi32>, vector<16xi1> -> vector<16xi32>
      %add3A_1223 = arith.addi %cumsum3A_1222, %add3A_1194 : vector<16xi32>
      %add3A_1224 = arith.constant 1 : i32
      %add3A_1225 = vector.broadcast %add3A_1224 : i32 to vector<16xi32>
      %add3A_1226 = arith.addi %add3A_1219, %add3A_1225 : vector<16xi32>
      %sub3A_1227 = arith.subi %add3A_1226, %add3A_1223 : vector<16xi32>
      %sub3A_1228 = arith.constant 1 : i32
      %sub3A_1229 = vector.broadcast %sub3A_1228 : i32 to vector<16xi32>
      %sub3A_1230 = arith.subi %add3A_1223, %sub3A_1229 : vector<16xi32>
      %jit3A_1231 = arith.constant 0 : i32
      %jit3A_1232 = arith.constant 127 : i32
      %max3A_1233 = vector.broadcast %jit3A_1231 : i32 to vector<16xi32>
      %max3A_1234 = arith.maxsi %max3A_1233, %sub3A_1230 : vector<16xi32>
      %min3A_1235 = vector.broadcast %jit3A_1232 : i32 to vector<16xi32>
      %min3A_1236 = arith.minsi %min3A_1235, %max3A_1234 : vector<16xi32>
      %sub3A_1237 = arith.constant 1 : i32
      %sub3A_1238 = vector.broadcast %sub3A_1237 : i32 to vector<16xi32>
      %sub3A_1239 = arith.subi %sub3A_1227, %sub3A_1238 : vector<16xi32>
      %jit3A_1240 = arith.constant 0 : i32
      %jit3A_1241 = arith.constant 127 : i32
      %max3A_1242 = vector.broadcast %jit3A_1240 : i32 to vector<16xi32>
      %max3A_1243 = arith.maxsi %max3A_1242, %sub3A_1239 : vector<16xi32>
      %min3A_1244 = vector.broadcast %jit3A_1241 : i32 to vector<16xi32>
      %min3A_1245 = arith.minsi %min3A_1244, %max3A_1243 : vector<16xi32>
      %mul3A_1246 = arith.constant 2048 : i32
      %mul3A_1247 = arith.muli %select_n3A_30, %mul3A_1246 : i32
      %add3A_1248 = vector.broadcast %mul3A_1247 : i32 to vector<16xi32>
      %add3A_1249 = arith.addi %add3A_1219, %add3A_1248 : vector<16xi32>
      %le3A_1250 = arith.constant 128 : i32
      %le3A_1251 = vector.broadcast %le3A_1250 : i32 to vector<16xi32>
      %le3A_1252 = arith.cmpi sle, %add3A_1223, %le3A_1251 : vector<16xi32>
      %and3A_1253 = arith.andi %gt3A_1212, %le3A_1252 : vector<16xi1>
      tpu.vector_store_idx %arg20[%min3A_1236], %add3A_1249 masked %and3A_1253 : memref<128xi32, #tpu.memory_space<vmem>>[vector<16xi32>], vector<16xi32>, vector<16xi1>
      %not3A_1254 = arith.constant dense<true> : vector<16xi1>
      %not3A_1255 = arith.xori %gt3A_1212, %not3A_1254 : vector<16xi1>
      %le3A_1256 = arith.constant 128 : i32
      %le3A_1257 = vector.broadcast %le3A_1256 : i32 to vector<16xi32>
      %le3A_1258 = arith.cmpi sle, %sub3A_1227, %le3A_1257 : vector<16xi32>
      %and3A_1259 = arith.andi %not3A_1255, %le3A_1258 : vector<16xi1>
      tpu.vector_store_idx %arg21[%min3A_1245], %add3A_1249 masked %and3A_1259 : memref<128xi32, #tpu.memory_space<vmem>>[vector<16xi32>], vector<16xi32>, vector<16xi1>
      %all_reduce_population_count3A_1260 = tpu.all_reduce %gt3A_1212 {dim = 0 : i64, kind = #tpu.reduction_kind<sum>} : vector<16xi1> -> vector<16xi32>
      %add3A_1261 = arith.addi %add3A_1194, %all_reduce_population_count3A_1260 : vector<16xi32>
      %gather3A_1262 = tpu.vector_load_idx %arg13[%sub3A_1122, %get3A_103] : memref<64x128xf32, #tpu.memory_space<vmem>>[vector<16xi32>, vector<16xi32>], vector<16xf32>,
      %gather3A_1263 = tpu.vector_load_idx %arg13[%sub3A_1122, %get3A_111] : memref<64x128xf32, #tpu.memory_space<vmem>>[vector<16xi32>, vector<16xi32>], vector<16xf32>,
      %gather3A_1264 = tpu.vector_load_idx %arg13[%sub3A_1124, %get3A_103] : memref<64x128xf32, #tpu.memory_space<vmem>>[vector<16xi32>, vector<16xi32>], vector<16xf32>,
      %gather3A_1265 = tpu.vector_load_idx %arg13[%sub3A_1124, %get3A_111] : memref<64x128xf32, #tpu.memory_space<vmem>>[vector<16xi32>, vector<16xi32>], vector<16xf32>,
      %mul3A_1266 = arith.mulf %gather3A_1262, %sub3A_1127 : vector<16xf32>
      %mul3A_1267 = arith.mulf %mul3A_1266, %sub3A_130 : vector<16xf32>
      %mul3A_1268 = arith.mulf %gather3A_1263, %sub3A_1127 : vector<16xf32>
      %mul3A_1269 = arith.mulf %mul3A_1268, %get3A_119 : vector<16xf32>
      %mul3A_1270 = arith.mulf %gather3A_1264, %gather3A_1120 : vector<16xf32>
      %mul3A_1271 = arith.mulf %mul3A_1270, %sub3A_130 : vector<16xf32>
      %mul3A_1272 = arith.mulf %gather3A_1265, %gather3A_1120 : vector<16xf32>
      %mul3A_1273 = arith.mulf %mul3A_1272, %get3A_119 : vector<16xf32>
      %add3A_1274 = arith.addf %mul3A_1267, %mul3A_1269 : vector<16xf32>
      %add3A_1275 = arith.addf %add3A_1274, %mul3A_1271 : vector<16xf32>
      %add3A_1276 = arith.addf %add3A_1275, %mul3A_1273 : vector<16xf32>
      %gt3A_1277 = arith.constant 5.000000e-01 : f32
      %gt3A_1278 = vector.broadcast %gt3A_1277 : f32 to vector<16xf32>
      %gt3A_1279 = arith.cmpf ogt, %add3A_1276, %gt3A_1278 : vector<16xf32>
      %convert_element_type3A_1280 = arith.extui %gt3A_1279 : vector<16xi1> to vector<16xi32>
      %mul3A_1281 = arith.constant 64 : i32
      %mul3A_1282 = arith.muli %scan3A_1112, %mul3A_1281 : i32
      %add3A_1283 = arith.constant 32 : i32
      %add3A_1284 = arith.addi %mul3A_1282, %add3A_1283 : i32
      %add3A_1285 = vector.broadcast %add3A_1284 : i32 to vector<16xi32>
      %add3A_1286 = arith.addi %add3A_1285, %iota3A : vector<16xi32>
      %cumsum3A_1287 = arith.constant true
      %cumsum3A_1288 = vector.broadcast %cumsum3A_1287 : i1 to vector<16xi1>
      %cumsum3A_1289 = tpu.scan <sum>, %convert_element_type3A_1280 masked %cumsum3A_1288 : vector<16xi32>, vector<16xi1> -> vector<16xi32>
      %add3A_1290 = arith.addi %cumsum3A_1289, %add3A_1261 : vector<16xi32>
      %add3A_1291 = arith.constant 1 : i32
      %add3A_1292 = vector.broadcast %add3A_1291 : i32 to vector<16xi32>
      %add3A_1293 = arith.addi %add3A_1286, %add3A_1292 : vector<16xi32>
      %sub3A_1294 = arith.subi %add3A_1293, %add3A_1290 : vector<16xi32>
      %sub3A_1295 = arith.constant 1 : i32
      %sub3A_1296 = vector.broadcast %sub3A_1295 : i32 to vector<16xi32>
      %sub3A_1297 = arith.subi %add3A_1290, %sub3A_1296 : vector<16xi32>
      %jit3A_1298 = arith.constant 0 : i32
      %jit3A_1299 = arith.constant 127 : i32
      %max3A_1300 = vector.broadcast %jit3A_1298 : i32 to vector<16xi32>
      %max3A_1301 = arith.maxsi %max3A_1300, %sub3A_1297 : vector<16xi32>
      %min3A_1302 = vector.broadcast %jit3A_1299 : i32 to vector<16xi32>
      %min3A_1303 = arith.minsi %min3A_1302, %max3A_1301 : vector<16xi32>
      %sub3A_1304 = arith.constant 1 : i32
      %sub3A_1305 = vector.broadcast %sub3A_1304 : i32 to vector<16xi32>
      %sub3A_1306 = arith.subi %sub3A_1294, %sub3A_1305 : vector<16xi32>
      %jit3A_1307 = arith.constant 0 : i32
      %jit3A_1308 = arith.constant 127 : i32
      %max3A_1309 = vector.broadcast %jit3A_1307 : i32 to vector<16xi32>
      %max3A_1310 = arith.maxsi %max3A_1309, %sub3A_1306 : vector<16xi32>
      %min3A_1311 = vector.broadcast %jit3A_1308 : i32 to vector<16xi32>
      %min3A_1312 = arith.minsi %min3A_1311, %max3A_1310 : vector<16xi32>
      %mul3A_1313 = arith.constant 2048 : i32
      %mul3A_1314 = arith.muli %select_n3A_30, %mul3A_1313 : i32
      %add3A_1315 = vector.broadcast %mul3A_1314 : i32 to vector<16xi32>
      %add3A_1316 = arith.addi %add3A_1286, %add3A_1315 : vector<16xi32>
      %le3A_1317 = arith.constant 128 : i32
      %le3A_1318 = vector.broadcast %le3A_1317 : i32 to vector<16xi32>
      %le3A_1319 = arith.cmpi sle, %add3A_1290, %le3A_1318 : vector<16xi32>
      %and3A_1320 = arith.andi %gt3A_1279, %le3A_1319 : vector<16xi1>
      tpu.vector_store_idx %arg20[%min3A_1303], %add3A_1316 masked %and3A_1320 : memref<128xi32, #tpu.memory_space<vmem>>[vector<16xi32>], vector<16xi32>, vector<16xi1>
      %not3A_1321 = arith.constant dense<true> : vector<16xi1>
      %not3A_1322 = arith.xori %gt3A_1279, %not3A_1321 : vector<16xi1>
      %le3A_1323 = arith.constant 128 : i32
      %le3A_1324 = vector.broadcast %le3A_1323 : i32 to vector<16xi32>
      %le3A_1325 = arith.cmpi sle, %sub3A_1294, %le3A_1324 : vector<16xi32>
      %and3A_1326 = arith.andi %not3A_1322, %le3A_1325 : vector<16xi1>
      tpu.vector_store_idx %arg21[%min3A_1312], %add3A_1316 masked %and3A_1326 : memref<128xi32, #tpu.memory_space<vmem>>[vector<16xi32>], vector<16xi32>, vector<16xi1>
      %all_reduce_population_count3A_1327 = tpu.all_reduce %gt3A_1279 {dim = 0 : i64, kind = #tpu.reduction_kind<sum>} : vector<16xi1> -> vector<16xi32>
      %add3A_1328 = arith.addi %add3A_1261, %all_reduce_population_count3A_1327 : vector<16xi32>
      %gather3A_1329 = tpu.vector_load_idx %arg13[%sub3A_1122, %get3A_105] : memref<64x128xf32, #tpu.memory_space<vmem>>[vector<16xi32>, vector<16xi32>], vector<16xf32>,
      %gather3A_1330 = tpu.vector_load_idx %arg13[%sub3A_1122, %get3A_113] : memref<64x128xf32, #tpu.memory_space<vmem>>[vector<16xi32>, vector<16xi32>], vector<16xf32>,
      %gather3A_1331 = tpu.vector_load_idx %arg13[%sub3A_1124, %get3A_105] : memref<64x128xf32, #tpu.memory_space<vmem>>[vector<16xi32>, vector<16xi32>], vector<16xf32>,
      %gather3A_1332 = tpu.vector_load_idx %arg13[%sub3A_1124, %get3A_113] : memref<64x128xf32, #tpu.memory_space<vmem>>[vector<16xi32>, vector<16xi32>], vector<16xf32>,
      %mul3A_1333 = arith.mulf %gather3A_1329, %sub3A_1127 : vector<16xf32>
      %mul3A_1334 = arith.mulf %mul3A_1333, %sub3A_133 : vector<16xf32>
      %mul3A_1335 = arith.mulf %gather3A_1330, %sub3A_1127 : vector<16xf32>
      %mul3A_1336 = arith.mulf %mul3A_1335, %get3A_121 : vector<16xf32>
      %mul3A_1337 = arith.mulf %gather3A_1331, %gather3A_1120 : vector<16xf32>
      %mul3A_1338 = arith.mulf %mul3A_1337, %sub3A_133 : vector<16xf32>
      %mul3A_1339 = arith.mulf %gather3A_1332, %gather3A_1120 : vector<16xf32>
      %mul3A_1340 = arith.mulf %mul3A_1339, %get3A_121 : vector<16xf32>
      %add3A_1341 = arith.addf %mul3A_1334, %mul3A_1336 : vector<16xf32>
      %add3A_1342 = arith.addf %add3A_1341, %mul3A_1338 : vector<16xf32>
      %add3A_1343 = arith.addf %add3A_1342, %mul3A_1340 : vector<16xf32>
      %gt3A_1344 = arith.constant 5.000000e-01 : f32
      %gt3A_1345 = vector.broadcast %gt3A_1344 : f32 to vector<16xf32>
      %gt3A_1346 = arith.cmpf ogt, %add3A_1343, %gt3A_1345 : vector<16xf32>
      %convert_element_type3A_1347 = arith.extui %gt3A_1346 : vector<16xi1> to vector<16xi32>
      %mul3A_1348 = arith.constant 64 : i32
      %mul3A_1349 = arith.muli %scan3A_1112, %mul3A_1348 : i32
      %add3A_1350 = arith.constant 48 : i32
      %add3A_1351 = arith.addi %mul3A_1349, %add3A_1350 : i32
      %add3A_1352 = vector.broadcast %add3A_1351 : i32 to vector<16xi32>
      %add3A_1353 = arith.addi %add3A_1352, %iota3A : vector<16xi32>
      %cumsum3A_1354 = arith.constant true
      %cumsum3A_1355 = vector.broadcast %cumsum3A_1354 : i1 to vector<16xi1>
      %cumsum3A_1356 = tpu.scan <sum>, %convert_element_type3A_1347 masked %cumsum3A_1355 : vector<16xi32>, vector<16xi1> -> vector<16xi32>
      %add3A_1357 = arith.addi %cumsum3A_1356, %add3A_1328 : vector<16xi32>
      %add3A_1358 = arith.constant 1 : i32
      %add3A_1359 = vector.broadcast %add3A_1358 : i32 to vector<16xi32>
      %add3A_1360 = arith.addi %add3A_1353, %add3A_1359 : vector<16xi32>
      %sub3A_1361 = arith.subi %add3A_1360, %add3A_1357 : vector<16xi32>
      %sub3A_1362 = arith.constant 1 : i32
      %sub3A_1363 = vector.broadcast %sub3A_1362 : i32 to vector<16xi32>
      %sub3A_1364 = arith.subi %add3A_1357, %sub3A_1363 : vector<16xi32>
      %jit3A_1365 = arith.constant 0 : i32
      %jit3A_1366 = arith.constant 127 : i32
      %max3A_1367 = vector.broadcast %jit3A_1365 : i32 to vector<16xi32>
      %max3A_1368 = arith.maxsi %max3A_1367, %sub3A_1364 : vector<16xi32>
      %min3A_1369 = vector.broadcast %jit3A_1366 : i32 to vector<16xi32>
      %min3A_1370 = arith.minsi %min3A_1369, %max3A_1368 : vector<16xi32>
      %sub3A_1371 = arith.constant 1 : i32
      %sub3A_1372 = vector.broadcast %sub3A_1371 : i32 to vector<16xi32>
      %sub3A_1373 = arith.subi %sub3A_1361, %sub3A_1372 : vector<16xi32>
      %jit3A_1374 = arith.constant 0 : i32
      %jit3A_1375 = arith.constant 127 : i32
      %max3A_1376 = vector.broadcast %jit3A_1374 : i32 to vector<16xi32>
      %max3A_1377 = arith.maxsi %max3A_1376, %sub3A_1373 : vector<16xi32>
      %min3A_1378 = vector.broadcast %jit3A_1375 : i32 to vector<16xi32>
      %min3A_1379 = arith.minsi %min3A_1378, %max3A_1377 : vector<16xi32>
      %mul3A_1380 = arith.constant 2048 : i32
      %mul3A_1381 = arith.muli %select_n3A_30, %mul3A_1380 : i32
      %add3A_1382 = vector.broadcast %mul3A_1381 : i32 to vector<16xi32>
      %add3A_1383 = arith.addi %add3A_1353, %add3A_1382 : vector<16xi32>
      %le3A_1384 = arith.constant 128 : i32
      %le3A_1385 = vector.broadcast %le3A_1384 : i32 to vector<16xi32>
      %le3A_1386 = arith.cmpi sle, %add3A_1357, %le3A_1385 : vector<16xi32>
      %and3A_1387 = arith.andi %gt3A_1346, %le3A_1386 : vector<16xi1>
      tpu.vector_store_idx %arg20[%min3A_1370], %add3A_1383 masked %and3A_1387 : memref<128xi32, #tpu.memory_space<vmem>>[vector<16xi32>], vector<16xi32>, vector<16xi1>
      %not3A_1388 = arith.constant dense<true> : vector<16xi1>
      %not3A_1389 = arith.xori %gt3A_1346, %not3A_1388 : vector<16xi1>
      %le3A_1390 = arith.constant 128 : i32
      %le3A_1391 = vector.broadcast %le3A_1390 : i32 to vector<16xi32>
      %le3A_1392 = arith.cmpi sle, %sub3A_1361, %le3A_1391 : vector<16xi32>
      %and3A_1393 = arith.andi %not3A_1389, %le3A_1392 : vector<16xi1>
      tpu.vector_store_idx %arg21[%min3A_1379], %add3A_1383 masked %and3A_1393 : memref<128xi32, #tpu.memory_space<vmem>>[vector<16xi32>], vector<16xi32>, vector<16xi1>
      %all_reduce_population_count3A_1394 = tpu.all_reduce %gt3A_1346 {dim = 0 : i64, kind = #tpu.reduction_kind<sum>} : vector<16xi1> -> vector<16xi32>
      %add3A_1395 = arith.addi %add3A_1328, %all_reduce_population_count3A_1394 : vector<16xi32>
      %scan3A_1396 = arith.constant 3 : i32
      %scan3A_1397 = arith.addi %scan3A_546, %scan3A_1396 : i32
      %mul3A_1398 = arith.constant 32 : i32
      %mul3A_1399 = arith.muli %select_n3A_30, %mul3A_1398 : i32
      %add3A_1400 = arith.addi %mul3A_1399, %scan3A_1397 : i32
      %add3A_1401 = vector.broadcast %add3A_1400 : i32 to vector<16xi32>
      %add3A_1402 = arith.addi %broadcast_in_dim3A_98, %add3A_1401 : vector<16xi32>
      %gather3A_1403 = tpu.vector_load_idx %arg14[%add3A_1402] : memref<64xi32, #tpu.memory_space<vmem>>[vector<16xi32>], vector<16xi32>,
      %gather3A_1404 = tpu.vector_load_idx %arg15[%add3A_1402] : memref<64xi32, #tpu.memory_space<vmem>>[vector<16xi32>], vector<16xi32>,
      %gather3A_1405 = tpu.vector_load_idx %arg18[%add3A_1402] : memref<64xf32, #tpu.memory_space<vmem>>[vector<16xi32>], vector<16xf32>,
      %sub3A_1406 = vector.broadcast %select_n3A_75 : i32 to vector<16xi32>
      %sub3A_1407 = arith.subi %gather3A_1403, %sub3A_1406 : vector<16xi32>
      %sub3A_1408 = vector.broadcast %select_n3A_75 : i32 to vector<16xi32>
      %sub3A_1409 = arith.subi %gather3A_1404, %sub3A_1408 : vector<16xi32>
      %sub3A_1410 = arith.constant 1.000000e+00 : f32
      %sub3A_1411 = vector.broadcast %sub3A_1410 : f32 to vector<16xf32>
      %sub3A_1412 = arith.subf %sub3A_1411, %gather3A_1405 : vector<16xf32>
      %gather3A_1413 = tpu.vector_load_idx %arg13[%sub3A_1407, %get3A_99] : memref<64x128xf32, #tpu.memory_space<vmem>>[vector<16xi32>, vector<16xi32>], vector<16xf32>,
      %gather3A_1414 = tpu.vector_load_idx %arg13[%sub3A_1407, %get3A_107] : memref<64x128xf32, #tpu.memory_space<vmem>>[vector<16xi32>, vector<16xi32>], vector<16xf32>,
      %gather3A_1415 = tpu.vector_load_idx %arg13[%sub3A_1409, %get3A_99] : memref<64x128xf32, #tpu.memory_space<vmem>>[vector<16xi32>, vector<16xi32>], vector<16xf32>,
      %gather3A_1416 = tpu.vector_load_idx %arg13[%sub3A_1409, %get3A_107] : memref<64x128xf32, #tpu.memory_space<vmem>>[vector<16xi32>, vector<16xi32>], vector<16xf32>,
      %mul3A_1417 = arith.mulf %gather3A_1413, %sub3A_1412 : vector<16xf32>
      %mul3A_1418 = arith.mulf %mul3A_1417, %sub3A_124 : vector<16xf32>
      %mul3A_1419 = arith.mulf %gather3A_1414, %sub3A_1412 : vector<16xf32>
      %mul3A_1420 = arith.mulf %mul3A_1419, %get3A_115 : vector<16xf32>
      %mul3A_1421 = arith.mulf %gather3A_1415, %gather3A_1405 : vector<16xf32>
      %mul3A_1422 = arith.mulf %mul3A_1421, %sub3A_124 : vector<16xf32>
      %mul3A_1423 = arith.mulf %gather3A_1416, %gather3A_1405 : vector<16xf32>
      %mul3A_1424 = arith.mulf %mul3A_1423, %get3A_115 : vector<16xf32>
      %add3A_1425 = arith.addf %mul3A_1418, %mul3A_1420 : vector<16xf32>
      %add3A_1426 = arith.addf %add3A_1425, %mul3A_1422 : vector<16xf32>
      %add3A_1427 = arith.addf %add3A_1426, %mul3A_1424 : vector<16xf32>
      %gt3A_1428 = arith.constant 5.000000e-01 : f32
      %gt3A_1429 = vector.broadcast %gt3A_1428 : f32 to vector<16xf32>
      %gt3A_1430 = arith.cmpf ogt, %add3A_1427, %gt3A_1429 : vector<16xf32>
      %convert_element_type3A_1431 = arith.extui %gt3A_1430 : vector<16xi1> to vector<16xi32>
      %mul3A_1432 = arith.constant 64 : i32
      %mul3A_1433 = arith.muli %scan3A_1397, %mul3A_1432 : i32
      %add3A_1434 = arith.constant 0 : i32
      %add3A_1435 = arith.addi %mul3A_1433, %add3A_1434 : i32
      %add3A_1436 = vector.broadcast %add3A_1435 : i32 to vector<16xi32>
      %add3A_1437 = arith.addi %add3A_1436, %iota3A : vector<16xi32>
      %cumsum3A_1438 = arith.constant true
      %cumsum3A_1439 = vector.broadcast %cumsum3A_1438 : i1 to vector<16xi1>
      %cumsum3A_1440 = tpu.scan <sum>, %convert_element_type3A_1431 masked %cumsum3A_1439 : vector<16xi32>, vector<16xi1> -> vector<16xi32>
      %add3A_1441 = arith.addi %cumsum3A_1440, %add3A_1395 : vector<16xi32>
      %add3A_1442 = arith.constant 1 : i32
      %add3A_1443 = vector.broadcast %add3A_1442 : i32 to vector<16xi32>
      %add3A_1444 = arith.addi %add3A_1437, %add3A_1443 : vector<16xi32>
      %sub3A_1445 = arith.subi %add3A_1444, %add3A_1441 : vector<16xi32>
      %sub3A_1446 = arith.constant 1 : i32
      %sub3A_1447 = vector.broadcast %sub3A_1446 : i32 to vector<16xi32>
      %sub3A_1448 = arith.subi %add3A_1441, %sub3A_1447 : vector<16xi32>
      %jit3A_1449 = arith.constant 0 : i32
      %jit3A_1450 = arith.constant 127 : i32
      %max3A_1451 = vector.broadcast %jit3A_1449 : i32 to vector<16xi32>
      %max3A_1452 = arith.maxsi %max3A_1451, %sub3A_1448 : vector<16xi32>
      %min3A_1453 = vector.broadcast %jit3A_1450 : i32 to vector<16xi32>
      %min3A_1454 = arith.minsi %min3A_1453, %max3A_1452 : vector<16xi32>
      %sub3A_1455 = arith.constant 1 : i32
      %sub3A_1456 = vector.broadcast %sub3A_1455 : i32 to vector<16xi32>
      %sub3A_1457 = arith.subi %sub3A_1445, %sub3A_1456 : vector<16xi32>
      %jit3A_1458 = arith.constant 0 : i32
      %jit3A_1459 = arith.constant 127 : i32
      %max3A_1460 = vector.broadcast %jit3A_1458 : i32 to vector<16xi32>
      %max3A_1461 = arith.maxsi %max3A_1460, %sub3A_1457 : vector<16xi32>
      %min3A_1462 = vector.broadcast %jit3A_1459 : i32 to vector<16xi32>
      %min3A_1463 = arith.minsi %min3A_1462, %max3A_1461 : vector<16xi32>
      %mul3A_1464 = arith.constant 2048 : i32
      %mul3A_1465 = arith.muli %select_n3A_30, %mul3A_1464 : i32
      %add3A_1466 = vector.broadcast %mul3A_1465 : i32 to vector<16xi32>
      %add3A_1467 = arith.addi %add3A_1437, %add3A_1466 : vector<16xi32>
      %le3A_1468 = arith.constant 128 : i32
      %le3A_1469 = vector.broadcast %le3A_1468 : i32 to vector<16xi32>
      %le3A_1470 = arith.cmpi sle, %add3A_1441, %le3A_1469 : vector<16xi32>
      %and3A_1471 = arith.andi %gt3A_1430, %le3A_1470 : vector<16xi1>
      tpu.vector_store_idx %arg20[%min3A_1454], %add3A_1467 masked %and3A_1471 : memref<128xi32, #tpu.memory_space<vmem>>[vector<16xi32>], vector<16xi32>, vector<16xi1>
      %not3A_1472 = arith.constant dense<true> : vector<16xi1>
      %not3A_1473 = arith.xori %gt3A_1430, %not3A_1472 : vector<16xi1>
      %le3A_1474 = arith.constant 128 : i32
      %le3A_1475 = vector.broadcast %le3A_1474 : i32 to vector<16xi32>
      %le3A_1476 = arith.cmpi sle, %sub3A_1445, %le3A_1475 : vector<16xi32>
      %and3A_1477 = arith.andi %not3A_1473, %le3A_1476 : vector<16xi1>
      tpu.vector_store_idx %arg21[%min3A_1463], %add3A_1467 masked %and3A_1477 : memref<128xi32, #tpu.memory_space<vmem>>[vector<16xi32>], vector<16xi32>, vector<16xi1>
      %all_reduce_population_count3A_1478 = tpu.all_reduce %gt3A_1430 {dim = 0 : i64, kind = #tpu.reduction_kind<sum>} : vector<16xi1> -> vector<16xi32>
      %add3A_1479 = arith.addi %add3A_1395, %all_reduce_population_count3A_1478 : vector<16xi32>
      %gather3A_1480 = tpu.vector_load_idx %arg13[%sub3A_1407, %get3A_101] : memref<64x128xf32, #tpu.memory_space<vmem>>[vector<16xi32>, vector<16xi32>], vector<16xf32>,
      %gather3A_1481 = tpu.vector_load_idx %arg13[%sub3A_1407, %get3A_109] : memref<64x128xf32, #tpu.memory_space<vmem>>[vector<16xi32>, vector<16xi32>], vector<16xf32>,
      %gather3A_1482 = tpu.vector_load_idx %arg13[%sub3A_1409, %get3A_101] : memref<64x128xf32, #tpu.memory_space<vmem>>[vector<16xi32>, vector<16xi32>], vector<16xf32>,
      %gather3A_1483 = tpu.vector_load_idx %arg13[%sub3A_1409, %get3A_109] : memref<64x128xf32, #tpu.memory_space<vmem>>[vector<16xi32>, vector<16xi32>], vector<16xf32>,
      %mul3A_1484 = arith.mulf %gather3A_1480, %sub3A_1412 : vector<16xf32>
      %mul3A_1485 = arith.mulf %mul3A_1484, %sub3A_127 : vector<16xf32>
      %mul3A_1486 = arith.mulf %gather3A_1481, %sub3A_1412 : vector<16xf32>
      %mul3A_1487 = arith.mulf %mul3A_1486, %get3A_117 : vector<16xf32>
      %mul3A_1488 = arith.mulf %gather3A_1482, %gather3A_1405 : vector<16xf32>
      %mul3A_1489 = arith.mulf %mul3A_1488, %sub3A_127 : vector<16xf32>
      %mul3A_1490 = arith.mulf %gather3A_1483, %gather3A_1405 : vector<16xf32>
      %mul3A_1491 = arith.mulf %mul3A_1490, %get3A_117 : vector<16xf32>
      %add3A_1492 = arith.addf %mul3A_1485, %mul3A_1487 : vector<16xf32>
      %add3A_1493 = arith.addf %add3A_1492, %mul3A_1489 : vector<16xf32>
      %add3A_1494 = arith.addf %add3A_1493, %mul3A_1491 : vector<16xf32>
      %gt3A_1495 = arith.constant 5.000000e-01 : f32
      %gt3A_1496 = vector.broadcast %gt3A_1495 : f32 to vector<16xf32>
      %gt3A_1497 = arith.cmpf ogt, %add3A_1494, %gt3A_1496 : vector<16xf32>
      %convert_element_type3A_1498 = arith.extui %gt3A_1497 : vector<16xi1> to vector<16xi32>
      %mul3A_1499 = arith.constant 64 : i32
      %mul3A_1500 = arith.muli %scan3A_1397, %mul3A_1499 : i32
      %add3A_1501 = arith.constant 16 : i32
      %add3A_1502 = arith.addi %mul3A_1500, %add3A_1501 : i32
      %add3A_1503 = vector.broadcast %add3A_1502 : i32 to vector<16xi32>
      %add3A_1504 = arith.addi %add3A_1503, %iota3A : vector<16xi32>
      %cumsum3A_1505 = arith.constant true
      %cumsum3A_1506 = vector.broadcast %cumsum3A_1505 : i1 to vector<16xi1>
      %cumsum3A_1507 = tpu.scan <sum>, %convert_element_type3A_1498 masked %cumsum3A_1506 : vector<16xi32>, vector<16xi1> -> vector<16xi32>
      %add3A_1508 = arith.addi %cumsum3A_1507, %add3A_1479 : vector<16xi32>
      %add3A_1509 = arith.constant 1 : i32
      %add3A_1510 = vector.broadcast %add3A_1509 : i32 to vector<16xi32>
      %add3A_1511 = arith.addi %add3A_1504, %add3A_1510 : vector<16xi32>
      %sub3A_1512 = arith.subi %add3A_1511, %add3A_1508 : vector<16xi32>
      %sub3A_1513 = arith.constant 1 : i32
      %sub3A_1514 = vector.broadcast %sub3A_1513 : i32 to vector<16xi32>
      %sub3A_1515 = arith.subi %add3A_1508, %sub3A_1514 : vector<16xi32>
      %jit3A_1516 = arith.constant 0 : i32
      %jit3A_1517 = arith.constant 127 : i32
      %max3A_1518 = vector.broadcast %jit3A_1516 : i32 to vector<16xi32>
      %max3A_1519 = arith.maxsi %max3A_1518, %sub3A_1515 : vector<16xi32>
      %min3A_1520 = vector.broadcast %jit3A_1517 : i32 to vector<16xi32>
      %min3A_1521 = arith.minsi %min3A_1520, %max3A_1519 : vector<16xi32>
      %sub3A_1522 = arith.constant 1 : i32
      %sub3A_1523 = vector.broadcast %sub3A_1522 : i32 to vector<16xi32>
      %sub3A_1524 = arith.subi %sub3A_1512, %sub3A_1523 : vector<16xi32>
      %jit3A_1525 = arith.constant 0 : i32
      %jit3A_1526 = arith.constant 127 : i32
      %max3A_1527 = vector.broadcast %jit3A_1525 : i32 to vector<16xi32>
      %max3A_1528 = arith.maxsi %max3A_1527, %sub3A_1524 : vector<16xi32>
      %min3A_1529 = vector.broadcast %jit3A_1526 : i32 to vector<16xi32>
      %min3A_1530 = arith.minsi %min3A_1529, %max3A_1528 : vector<16xi32>
      %mul3A_1531 = arith.constant 2048 : i32
      %mul3A_1532 = arith.muli %select_n3A_30, %mul3A_1531 : i32
      %add3A_1533 = vector.broadcast %mul3A_1532 : i32 to vector<16xi32>
      %add3A_1534 = arith.addi %add3A_1504, %add3A_1533 : vector<16xi32>
      %le3A_1535 = arith.constant 128 : i32
      %le3A_1536 = vector.broadcast %le3A_1535 : i32 to vector<16xi32>
      %le3A_1537 = arith.cmpi sle, %add3A_1508, %le3A_1536 : vector<16xi32>
      %and3A_1538 = arith.andi %gt3A_1497, %le3A_1537 : vector<16xi1>
      tpu.vector_store_idx %arg20[%min3A_1521], %add3A_1534 masked %and3A_1538 : memref<128xi32, #tpu.memory_space<vmem>>[vector<16xi32>], vector<16xi32>, vector<16xi1>
      %not3A_1539 = arith.constant dense<true> : vector<16xi1>
      %not3A_1540 = arith.xori %gt3A_1497, %not3A_1539 : vector<16xi1>
      %le3A_1541 = arith.constant 128 : i32
      %le3A_1542 = vector.broadcast %le3A_1541 : i32 to vector<16xi32>
      %le3A_1543 = arith.cmpi sle, %sub3A_1512, %le3A_1542 : vector<16xi32>
      %and3A_1544 = arith.andi %not3A_1540, %le3A_1543 : vector<16xi1>
      tpu.vector_store_idx %arg21[%min3A_1530], %add3A_1534 masked %and3A_1544 : memref<128xi32, #tpu.memory_space<vmem>>[vector<16xi32>], vector<16xi32>, vector<16xi1>
      %all_reduce_population_count3A_1545 = tpu.all_reduce %gt3A_1497 {dim = 0 : i64, kind = #tpu.reduction_kind<sum>} : vector<16xi1> -> vector<16xi32>
      %add3A_1546 = arith.addi %add3A_1479, %all_reduce_population_count3A_1545 : vector<16xi32>
      %gather3A_1547 = tpu.vector_load_idx %arg13[%sub3A_1407, %get3A_103] : memref<64x128xf32, #tpu.memory_space<vmem>>[vector<16xi32>, vector<16xi32>], vector<16xf32>,
      %gather3A_1548 = tpu.vector_load_idx %arg13[%sub3A_1407, %get3A_111] : memref<64x128xf32, #tpu.memory_space<vmem>>[vector<16xi32>, vector<16xi32>], vector<16xf32>,
      %gather3A_1549 = tpu.vector_load_idx %arg13[%sub3A_1409, %get3A_103] : memref<64x128xf32, #tpu.memory_space<vmem>>[vector<16xi32>, vector<16xi32>], vector<16xf32>,
      %gather3A_1550 = tpu.vector_load_idx %arg13[%sub3A_1409, %get3A_111] : memref<64x128xf32, #tpu.memory_space<vmem>>[vector<16xi32>, vector<16xi32>], vector<16xf32>,
      %mul3A_1551 = arith.mulf %gather3A_1547, %sub3A_1412 : vector<16xf32>
      %mul3A_1552 = arith.mulf %mul3A_1551, %sub3A_130 : vector<16xf32>
      %mul3A_1553 = arith.mulf %gather3A_1548, %sub3A_1412 : vector<16xf32>
      %mul3A_1554 = arith.mulf %mul3A_1553, %get3A_119 : vector<16xf32>
      %mul3A_1555 = arith.mulf %gather3A_1549, %gather3A_1405 : vector<16xf32>
      %mul3A_1556 = arith.mulf %mul3A_1555, %sub3A_130 : vector<16xf32>
      %mul3A_1557 = arith.mulf %gather3A_1550, %gather3A_1405 : vector<16xf32>
      %mul3A_1558 = arith.mulf %mul3A_1557, %get3A_119 : vector<16xf32>
      %add3A_1559 = arith.addf %mul3A_1552, %mul3A_1554 : vector<16xf32>
      %add3A_1560 = arith.addf %add3A_1559, %mul3A_1556 : vector<16xf32>
      %add3A_1561 = arith.addf %add3A_1560, %mul3A_1558 : vector<16xf32>
      %gt3A_1562 = arith.constant 5.000000e-01 : f32
      %gt3A_1563 = vector.broadcast %gt3A_1562 : f32 to vector<16xf32>
      %gt3A_1564 = arith.cmpf ogt, %add3A_1561, %gt3A_1563 : vector<16xf32>
      %convert_element_type3A_1565 = arith.extui %gt3A_1564 : vector<16xi1> to vector<16xi32>
      %mul3A_1566 = arith.constant 64 : i32
      %mul3A_1567 = arith.muli %scan3A_1397, %mul3A_1566 : i32
      %add3A_1568 = arith.constant 32 : i32
      %add3A_1569 = arith.addi %mul3A_1567, %add3A_1568 : i32
      %add3A_1570 = vector.broadcast %add3A_1569 : i32 to vector<16xi32>
      %add3A_1571 = arith.addi %add3A_1570, %iota3A : vector<16xi32>
      %cumsum3A_1572 = arith.constant true
      %cumsum3A_1573 = vector.broadcast %cumsum3A_1572 : i1 to vector<16xi1>
      %cumsum3A_1574 = tpu.scan <sum>, %convert_element_type3A_1565 masked %cumsum3A_1573 : vector<16xi32>, vector<16xi1> -> vector<16xi32>
      %add3A_1575 = arith.addi %cumsum3A_1574, %add3A_1546 : vector<16xi32>
      %add3A_1576 = arith.constant 1 : i32
      %add3A_1577 = vector.broadcast %add3A_1576 : i32 to vector<16xi32>
      %add3A_1578 = arith.addi %add3A_1571, %add3A_1577 : vector<16xi32>
      %sub3A_1579 = arith.subi %add3A_1578, %add3A_1575 : vector<16xi32>
      %sub3A_1580 = arith.constant 1 : i32
      %sub3A_1581 = vector.broadcast %sub3A_1580 : i32 to vector<16xi32>
      %sub3A_1582 = arith.subi %add3A_1575, %sub3A_1581 : vector<16xi32>
      %jit3A_1583 = arith.constant 0 : i32
      %jit3A_1584 = arith.constant 127 : i32
      %max3A_1585 = vector.broadcast %jit3A_1583 : i32 to vector<16xi32>
      %max3A_1586 = arith.maxsi %max3A_1585, %sub3A_1582 : vector<16xi32>
      %min3A_1587 = vector.broadcast %jit3A_1584 : i32 to vector<16xi32>
      %min3A_1588 = arith.minsi %min3A_1587, %max3A_1586 : vector<16xi32>
      %sub3A_1589 = arith.constant 1 : i32
      %sub3A_1590 = vector.broadcast %sub3A_1589 : i32 to vector<16xi32>
      %sub3A_1591 = arith.subi %sub3A_1579, %sub3A_1590 : vector<16xi32>
      %jit3A_1592 = arith.constant 0 : i32
      %jit3A_1593 = arith.constant 127 : i32
      %max3A_1594 = vector.broadcast %jit3A_1592 : i32 to vector<16xi32>
      %max3A_1595 = arith.maxsi %max3A_1594, %sub3A_1591 : vector<16xi32>
      %min3A_1596 = vector.broadcast %jit3A_1593 : i32 to vector<16xi32>
      %min3A_1597 = arith.minsi %min3A_1596, %max3A_1595 : vector<16xi32>
      %mul3A_1598 = arith.constant 2048 : i32
      %mul3A_1599 = arith.muli %select_n3A_30, %mul3A_1598 : i32
      %add3A_1600 = vector.broadcast %mul3A_1599 : i32 to vector<16xi32>
      %add3A_1601 = arith.addi %add3A_1571, %add3A_1600 : vector<16xi32>
      %le3A_1602 = arith.constant 128 : i32
      %le3A_1603 = vector.broadcast %le3A_1602 : i32 to vector<16xi32>
      %le3A_1604 = arith.cmpi sle, %add3A_1575, %le3A_1603 : vector<16xi32>
      %and3A_1605 = arith.andi %gt3A_1564, %le3A_1604 : vector<16xi1>
      tpu.vector_store_idx %arg20[%min3A_1588], %add3A_1601 masked %and3A_1605 : memref<128xi32, #tpu.memory_space<vmem>>[vector<16xi32>], vector<16xi32>, vector<16xi1>
      %not3A_1606 = arith.constant dense<true> : vector<16xi1>
      %not3A_1607 = arith.xori %gt3A_1564, %not3A_1606 : vector<16xi1>
      %le3A_1608 = arith.constant 128 : i32
      %le3A_1609 = vector.broadcast %le3A_1608 : i32 to vector<16xi32>
      %le3A_1610 = arith.cmpi sle, %sub3A_1579, %le3A_1609 : vector<16xi32>
      %and3A_1611 = arith.andi %not3A_1607, %le3A_1610 : vector<16xi1>
      tpu.vector_store_idx %arg21[%min3A_1597], %add3A_1601 masked %and3A_1611 : memref<128xi32, #tpu.memory_space<vmem>>[vector<16xi32>], vector<16xi32>, vector<16xi1>
      %all_reduce_population_count3A_1612 = tpu.all_reduce %gt3A_1564 {dim = 0 : i64, kind = #tpu.reduction_kind<sum>} : vector<16xi1> -> vector<16xi32>
      %add3A_1613 = arith.addi %add3A_1546, %all_reduce_population_count3A_1612 : vector<16xi32>
      %gather3A_1614 = tpu.vector_load_idx %arg13[%sub3A_1407, %get3A_105] : memref<64x128xf32, #tpu.memory_space<vmem>>[vector<16xi32>, vector<16xi32>], vector<16xf32>,
      %gather3A_1615 = tpu.vector_load_idx %arg13[%sub3A_1407, %get3A_113] : memref<64x128xf32, #tpu.memory_space<vmem>>[vector<16xi32>, vector<16xi32>], vector<16xf32>,
      %gather3A_1616 = tpu.vector_load_idx %arg13[%sub3A_1409, %get3A_105] : memref<64x128xf32, #tpu.memory_space<vmem>>[vector<16xi32>, vector<16xi32>], vector<16xf32>,
      %gather3A_1617 = tpu.vector_load_idx %arg13[%sub3A_1409, %get3A_113] : memref<64x128xf32, #tpu.memory_space<vmem>>[vector<16xi32>, vector<16xi32>], vector<16xf32>,
      %mul3A_1618 = arith.mulf %gather3A_1614, %sub3A_1412 : vector<16xf32>
      %mul3A_1619 = arith.mulf %mul3A_1618, %sub3A_133 : vector<16xf32>
      %mul3A_1620 = arith.mulf %gather3A_1615, %sub3A_1412 : vector<16xf32>
      %mul3A_1621 = arith.mulf %mul3A_1620, %get3A_121 : vector<16xf32>
      %mul3A_1622 = arith.mulf %gather3A_1616, %gather3A_1405 : vector<16xf32>
      %mul3A_1623 = arith.mulf %mul3A_1622, %sub3A_133 : vector<16xf32>
      %mul3A_1624 = arith.mulf %gather3A_1617, %gather3A_1405 : vector<16xf32>
      %mul3A_1625 = arith.mulf %mul3A_1624, %get3A_121 : vector<16xf32>
      %add3A_1626 = arith.addf %mul3A_1619, %mul3A_1621 : vector<16xf32>
      %add3A_1627 = arith.addf %add3A_1626, %mul3A_1623 : vector<16xf32>
      %add3A_1628 = arith.addf %add3A_1627, %mul3A_1625 : vector<16xf32>
      %gt3A_1629 = arith.constant 5.000000e-01 : f32
      %gt3A_1630 = vector.broadcast %gt3A_1629 : f32 to vector<16xf32>
      %gt3A_1631 = arith.cmpf ogt, %add3A_1628, %gt3A_1630 : vector<16xf32>
      %convert_element_type3A_1632 = arith.extui %gt3A_1631 : vector<16xi1> to vector<16xi32>
      %mul3A_1633 = arith.constant 64 : i32
      %mul3A_1634 = arith.muli %scan3A_1397, %mul3A_1633 : i32
      %add3A_1635 = arith.constant 48 : i32
      %add3A_1636 = arith.addi %mul3A_1634, %add3A_1635 : i32
      %add3A_1637 = vector.broadcast %add3A_1636 : i32 to vector<16xi32>
      %add3A_1638 = arith.addi %add3A_1637, %iota3A : vector<16xi32>
      %cumsum3A_1639 = arith.constant true
      %cumsum3A_1640 = vector.broadcast %cumsum3A_1639 : i1 to vector<16xi1>
      %cumsum3A_1641 = tpu.scan <sum>, %convert_element_type3A_1632 masked %cumsum3A_1640 : vector<16xi32>, vector<16xi1> -> vector<16xi32>
      %add3A_1642 = arith.addi %cumsum3A_1641, %add3A_1613 : vector<16xi32>
      %add3A_1643 = arith.constant 1 : i32
      %add3A_1644 = vector.broadcast %add3A_1643 : i32 to vector<16xi32>
      %add3A_1645 = arith.addi %add3A_1638, %add3A_1644 : vector<16xi32>
      %sub3A_1646 = arith.subi %add3A_1645, %add3A_1642 : vector<16xi32>
      %sub3A_1647 = arith.constant 1 : i32
      %sub3A_1648 = vector.broadcast %sub3A_1647 : i32 to vector<16xi32>
      %sub3A_1649 = arith.subi %add3A_1642, %sub3A_1648 : vector<16xi32>
      %jit3A_1650 = arith.constant 0 : i32
      %jit3A_1651 = arith.constant 127 : i32
      %max3A_1652 = vector.broadcast %jit3A_1650 : i32 to vector<16xi32>
      %max3A_1653 = arith.maxsi %max3A_1652, %sub3A_1649 : vector<16xi32>
      %min3A_1654 = vector.broadcast %jit3A_1651 : i32 to vector<16xi32>
      %min3A_1655 = arith.minsi %min3A_1654, %max3A_1653 : vector<16xi32>
      %sub3A_1656 = arith.constant 1 : i32
      %sub3A_1657 = vector.broadcast %sub3A_1656 : i32 to vector<16xi32>
      %sub3A_1658 = arith.subi %sub3A_1646, %sub3A_1657 : vector<16xi32>
      %jit3A_1659 = arith.constant 0 : i32
      %jit3A_1660 = arith.constant 127 : i32
      %max3A_1661 = vector.broadcast %jit3A_1659 : i32 to vector<16xi32>
      %max3A_1662 = arith.maxsi %max3A_1661, %sub3A_1658 : vector<16xi32>
      %min3A_1663 = vector.broadcast %jit3A_1660 : i32 to vector<16xi32>
      %min3A_1664 = arith.minsi %min3A_1663, %max3A_1662 : vector<16xi32>
      %mul3A_1665 = arith.constant 2048 : i32
      %mul3A_1666 = arith.muli %select_n3A_30, %mul3A_1665 : i32
      %add3A_1667 = vector.broadcast %mul3A_1666 : i32 to vector<16xi32>
      %add3A_1668 = arith.addi %add3A_1638, %add3A_1667 : vector<16xi32>
      %le3A_1669 = arith.constant 128 : i32
      %le3A_1670 = vector.broadcast %le3A_1669 : i32 to vector<16xi32>
      %le3A_1671 = arith.cmpi sle, %add3A_1642, %le3A_1670 : vector<16xi32>
      %and3A_1672 = arith.andi %gt3A_1631, %le3A_1671 : vector<16xi1>
      tpu.vector_store_idx %arg20[%min3A_1655], %add3A_1668 masked %and3A_1672 : memref<128xi32, #tpu.memory_space<vmem>>[vector<16xi32>], vector<16xi32>, vector<16xi1>
      %not3A_1673 = arith.constant dense<true> : vector<16xi1>
      %not3A_1674 = arith.xori %gt3A_1631, %not3A_1673 : vector<16xi1>
      %le3A_1675 = arith.constant 128 : i32
      %le3A_1676 = vector.broadcast %le3A_1675 : i32 to vector<16xi32>
      %le3A_1677 = arith.cmpi sle, %sub3A_1646, %le3A_1676 : vector<16xi32>
      %and3A_1678 = arith.andi %not3A_1674, %le3A_1677 : vector<16xi1>
      tpu.vector_store_idx %arg21[%min3A_1664], %add3A_1668 masked %and3A_1678 : memref<128xi32, #tpu.memory_space<vmem>>[vector<16xi32>], vector<16xi32>, vector<16xi1>
      %all_reduce_population_count3A_1679 = tpu.all_reduce %gt3A_1631 {dim = 0 : i64, kind = #tpu.reduction_kind<sum>} : vector<16xi1> -> vector<16xi32>
      %add3A_1680 = arith.addi %add3A_1613, %all_reduce_population_count3A_1679 : vector<16xi32>
      scf.yield %add3A_1680 : vector<16xi32>
    }
    %scan3A_140 = arith.constant 32 : i32
    %swap3A = arith.constant 0 : index
    %swap3A_141 = tpu.vector_load %arg22[%swap3A] {strides = array<i32>} : memref<16xi32, #tpu.memory_space<vmem>>, vector<16xi32>,
    tpu.vector_store %arg22[%swap3A], %scan3A_139 {strides = array<i32>} : memref<16xi32, #tpu.memory_space<vmem>>, vector<16xi32>,
    %mul3A_142 = arith.constant 128 : i32
    %mul3A_143 = arith.muli %arg1, %mul3A_142 : i32
    "tpu.region"() ({
      %run_scoped3A = tpu.sem_alloc : memref<!tpu.dma_semaphore, #tpu.memory_space<semaphore_mem>>
      %dma_start3A_546 = tpu.memref_slice %arg35[%mul3A_143] : memref<2048xi32, #tpu.memory_space<vmem_shared>> -> memref<128xi32, #tpu.memory_space<vmem_shared>>
      %dma_start3A_547 = tpu.memref_slice %arg35[%mul3A_143] : memref<2048xi32, #tpu.memory_space<vmem_shared>> -> memref<128xi32, #tpu.memory_space<vmem_shared>>
      tpu.enqueue_dma source(%arg20 : memref<128xi32, #tpu.memory_space<vmem>>) target(%dma_start3A_547 : memref<128xi32, #tpu.memory_space<vmem_shared>>) target_semaphore(%run_scoped3A : memref<!tpu.dma_semaphore, #tpu.memory_space<semaphore_mem>>)
      %dma_wait3A_548 = tpu.memref_slice %arg35[%mul3A_143] : memref<2048xi32, #tpu.memory_space<vmem_shared>> -> memref<128xi32, #tpu.memory_space<vmem_shared>>
      %dma_wait3A_549 = tpu.memref_slice %arg35[%mul3A_143] : memref<2048xi32, #tpu.memory_space<vmem_shared>> -> memref<128xi32, #tpu.memory_space<vmem_shared>>
      tpu.wait_dma2 semaphore(%run_scoped3A : memref<!tpu.dma_semaphore, #tpu.memory_space<semaphore_mem>>) src(%arg20 : memref<128xi32, #tpu.memory_space<vmem>>) dst(%dma_wait3A_549 : memref<128xi32, #tpu.memory_space<vmem_shared>>)
      tpu.yield
    }) : () -> ()
    %mul3A_144 = arith.constant 128 : i32
    %mul3A_145 = arith.muli %arg1, %mul3A_144 : i32
    "tpu.region"() ({
      %run_scoped3A = tpu.sem_alloc : memref<!tpu.dma_semaphore, #tpu.memory_space<semaphore_mem>>
      %dma_start3A_546 = tpu.memref_slice %arg36[%mul3A_145] : memref<2048xi32, #tpu.memory_space<vmem_shared>> -> memref<128xi32, #tpu.memory_space<vmem_shared>>
      %dma_start3A_547 = tpu.memref_slice %arg36[%mul3A_145] : memref<2048xi32, #tpu.memory_space<vmem_shared>> -> memref<128xi32, #tpu.memory_space<vmem_shared>>
      tpu.enqueue_dma source(%arg21 : memref<128xi32, #tpu.memory_space<vmem>>) target(%dma_start3A_547 : memref<128xi32, #tpu.memory_space<vmem_shared>>) target_semaphore(%run_scoped3A : memref<!tpu.dma_semaphore, #tpu.memory_space<semaphore_mem>>)
      %dma_wait3A_548 = tpu.memref_slice %arg36[%mul3A_145] : memref<2048xi32, #tpu.memory_space<vmem_shared>> -> memref<128xi32, #tpu.memory_space<vmem_shared>>
      %dma_wait3A_549 = tpu.memref_slice %arg36[%mul3A_145] : memref<2048xi32, #tpu.memory_space<vmem_shared>> -> memref<128xi32, #tpu.memory_space<vmem_shared>>
      tpu.wait_dma2 semaphore(%run_scoped3A : memref<!tpu.dma_semaphore, #tpu.memory_space<semaphore_mem>>) src(%arg21 : memref<128xi32, #tpu.memory_space<vmem>>) dst(%dma_wait3A_549 : memref<128xi32, #tpu.memory_space<vmem_shared>>)
      tpu.yield
    }) : () -> ()
    %mul3A_146 = arith.constant 16 : i32
    %mul3A_147 = arith.muli %arg1, %mul3A_146 : i32
    "tpu.region"() ({
      %run_scoped3A = tpu.sem_alloc : memref<!tpu.dma_semaphore, #tpu.memory_space<semaphore_mem>>
      %dma_start3A_546 = tpu.memref_slice %arg37[%mul3A_147] : memref<256xi32, #tpu.memory_space<vmem_shared>> -> memref<16xi32, #tpu.memory_space<vmem_shared>>
      %dma_start3A_547 = tpu.memref_slice %arg37[%mul3A_147] : memref<256xi32, #tpu.memory_space<vmem_shared>> -> memref<16xi32, #tpu.memory_space<vmem_shared>>
      tpu.enqueue_dma source(%arg22 : memref<16xi32, #tpu.memory_space<vmem>>) target(%dma_start3A_547 : memref<16xi32, #tpu.memory_space<vmem_shared>>) target_semaphore(%run_scoped3A : memref<!tpu.dma_semaphore, #tpu.memory_space<semaphore_mem>>)
      %dma_wait3A_548 = tpu.memref_slice %arg37[%mul3A_147] : memref<256xi32, #tpu.memory_space<vmem_shared>> -> memref<16xi32, #tpu.memory_space<vmem_shared>>
      %dma_wait3A_549 = tpu.memref_slice %arg37[%mul3A_147] : memref<256xi32, #tpu.memory_space<vmem_shared>> -> memref<16xi32, #tpu.memory_space<vmem_shared>>
      tpu.wait_dma2 semaphore(%run_scoped3A : memref<!tpu.dma_semaphore, #tpu.memory_space<semaphore_mem>>) src(%arg22 : memref<16xi32, #tpu.memory_space<vmem>>) dst(%dma_wait3A_549 : memref<16xi32, #tpu.memory_space<vmem_shared>>)
      tpu.yield
    }) : () -> ()
    %barrier3A = arith.constant 0 : index
    tpu.barrier barrier_id(%barrier3A)
    %jit3A_148 = arith.constant 2 : i32
    %div3A_149 = arith.divsi %arg1, %jit3A_148 : i32
    %sign3A_150 = arith.constant 0 : i32
    %sign3A_151 = arith.cmpi sgt, %arg1, %sign3A_150 : i32
    %sign3A_152 = arith.extui %sign3A_151 : i1 to i32
    %sign3A_153 = arith.constant 0 : i32
    %sign3A_154 = arith.cmpi slt, %arg1, %sign3A_153 : i32
    %sign3A_155 = arith.extui %sign3A_154 : i1 to i32
    %sign3A_156 = arith.subi %sign3A_152, %sign3A_155 : i32
    %sign3A_157 = arith.constant 0 : i32
    %sign3A_158 = arith.cmpi sgt, %jit3A_148, %sign3A_157 : i32
    %sign3A_159 = arith.extui %sign3A_158 : i1 to i32
    %sign3A_160 = arith.constant 0 : i32
    %sign3A_161 = arith.cmpi slt, %jit3A_148, %sign3A_160 : i32
    %sign3A_162 = arith.extui %sign3A_161 : i1 to i32
    %sign3A_163 = arith.subi %sign3A_159, %sign3A_162 : i32
    %ne3A_164 = arith.cmpi ne, %sign3A_156, %sign3A_163 : i32
    %rem3A_165 = arith.remsi %arg1, %jit3A_148 : i32
    %ne3A_166 = arith.constant 0 : i32
    %ne3A_167 = arith.cmpi ne, %rem3A_165, %ne3A_166 : i32
    %and3A_168 = arith.andi %ne3A_164, %ne3A_167 : i1
    %sub3A_169 = arith.constant 1 : i32
    %sub3A_170 = arith.subi %div3A_149, %sub3A_169 : i32
    %select_n3A_171 = arith.select %and3A_168, %sub3A_170, %div3A_149 : i32
    %mul3A_172 = arith.constant 2 : i32
    %mul3A_173 = arith.muli %select_n3A_171, %mul3A_172 : i32
    %add3A_174 = arith.constant 1 : i32
    %add3A_175 = arith.addi %mul3A_173, %add3A_174 : i32
    %mul3A_176 = arith.constant 128 : i32
    %mul3A_177 = arith.muli %mul3A_173, %mul3A_176 : i32
    %dma_start3A_178 = tpu.memref_slice %arg35[%mul3A_177] : memref<2048xi32, #tpu.memory_space<vmem_shared>> -> memref<128xi32, #tpu.memory_space<vmem_shared>>
    %dma_start3A_179 = tpu.memref_slice %arg35[%mul3A_177] : memref<2048xi32, #tpu.memory_space<vmem_shared>> -> memref<128xi32, #tpu.memory_space<vmem_shared>>
    tpu.enqueue_dma source(%dma_start3A_179 : memref<128xi32, #tpu.memory_space<vmem_shared>>) target(%arg23 : memref<128xi32, #tpu.memory_space<vmem>>) target_semaphore(%arg38 : memref<!tpu.dma_semaphore, #tpu.memory_space<semaphore_mem>>)
    %mul3A_180 = arith.constant 128 : i32
    %mul3A_181 = arith.muli %add3A_175, %mul3A_180 : i32
    %dma_start3A_182 = tpu.memref_slice %arg35[%mul3A_181] : memref<2048xi32, #tpu.memory_space<vmem_shared>> -> memref<128xi32, #tpu.memory_space<vmem_shared>>
    %dma_start3A_183 = tpu.memref_slice %arg35[%mul3A_181] : memref<2048xi32, #tpu.memory_space<vmem_shared>> -> memref<128xi32, #tpu.memory_space<vmem_shared>>
    tpu.enqueue_dma source(%dma_start3A_183 : memref<128xi32, #tpu.memory_space<vmem_shared>>) target(%arg24 : memref<128xi32, #tpu.memory_space<vmem>>) target_semaphore(%arg38 : memref<!tpu.dma_semaphore, #tpu.memory_space<semaphore_mem>>)
    %mul3A_184 = arith.constant 128 : i32
    %mul3A_185 = arith.muli %mul3A_173, %mul3A_184 : i32
    %dma_start3A_186 = tpu.memref_slice %arg36[%mul3A_185] : memref<2048xi32, #tpu.memory_space<vmem_shared>> -> memref<128xi32, #tpu.memory_space<vmem_shared>>
    %dma_start3A_187 = tpu.memref_slice %arg36[%mul3A_185] : memref<2048xi32, #tpu.memory_space<vmem_shared>> -> memref<128xi32, #tpu.memory_space<vmem_shared>>
    tpu.enqueue_dma source(%dma_start3A_187 : memref<128xi32, #tpu.memory_space<vmem_shared>>) target(%arg25 : memref<128xi32, #tpu.memory_space<vmem>>) target_semaphore(%arg38 : memref<!tpu.dma_semaphore, #tpu.memory_space<semaphore_mem>>)
    %mul3A_188 = arith.constant 16 : i32
    %mul3A_189 = arith.muli %mul3A_173, %mul3A_188 : i32
    %dma_start3A_190 = tpu.memref_slice %arg37[%mul3A_189] : memref<256xi32, #tpu.memory_space<vmem_shared>> -> memref<16xi32, #tpu.memory_space<vmem_shared>>
    %dma_start3A_191 = tpu.memref_slice %arg37[%mul3A_189] : memref<256xi32, #tpu.memory_space<vmem_shared>> -> memref<16xi32, #tpu.memory_space<vmem_shared>>
    tpu.enqueue_dma source(%dma_start3A_191 : memref<16xi32, #tpu.memory_space<vmem_shared>>) target(%arg26 : memref<16xi32, #tpu.memory_space<vmem>>) target_semaphore(%arg38 : memref<!tpu.dma_semaphore, #tpu.memory_space<semaphore_mem>>)
    %mul3A_192 = arith.constant 16 : i32
    %mul3A_193 = arith.muli %add3A_175, %mul3A_192 : i32
    %dma_start3A_194 = tpu.memref_slice %arg37[%mul3A_193] : memref<256xi32, #tpu.memory_space<vmem_shared>> -> memref<16xi32, #tpu.memory_space<vmem_shared>>
    %dma_start3A_195 = tpu.memref_slice %arg37[%mul3A_193] : memref<256xi32, #tpu.memory_space<vmem_shared>> -> memref<16xi32, #tpu.memory_space<vmem_shared>>
    tpu.enqueue_dma source(%dma_start3A_195 : memref<16xi32, #tpu.memory_space<vmem_shared>>) target(%arg27 : memref<16xi32, #tpu.memory_space<vmem>>) target_semaphore(%arg38 : memref<!tpu.dma_semaphore, #tpu.memory_space<semaphore_mem>>)
    %dma_wait3A_196 = tpu.memref_slice %arg35[%mul3A_177] : memref<2048xi32, #tpu.memory_space<vmem_shared>> -> memref<128xi32, #tpu.memory_space<vmem_shared>>
    %dma_wait3A_197 = tpu.memref_slice %arg35[%mul3A_177] : memref<2048xi32, #tpu.memory_space<vmem_shared>> -> memref<128xi32, #tpu.memory_space<vmem_shared>>
    tpu.wait_dma2 semaphore(%arg38 : memref<!tpu.dma_semaphore, #tpu.memory_space<semaphore_mem>>) src(%dma_wait3A_197 : memref<128xi32, #tpu.memory_space<vmem_shared>>) dst(%arg23 : memref<128xi32, #tpu.memory_space<vmem>>)
    %dma_wait3A_198 = tpu.memref_slice %arg35[%mul3A_181] : memref<2048xi32, #tpu.memory_space<vmem_shared>> -> memref<128xi32, #tpu.memory_space<vmem_shared>>
    %dma_wait3A_199 = tpu.memref_slice %arg35[%mul3A_181] : memref<2048xi32, #tpu.memory_space<vmem_shared>> -> memref<128xi32, #tpu.memory_space<vmem_shared>>
    tpu.wait_dma2 semaphore(%arg38 : memref<!tpu.dma_semaphore, #tpu.memory_space<semaphore_mem>>) src(%dma_wait3A_199 : memref<128xi32, #tpu.memory_space<vmem_shared>>) dst(%arg24 : memref<128xi32, #tpu.memory_space<vmem>>)
    %dma_wait3A_200 = tpu.memref_slice %arg36[%mul3A_185] : memref<2048xi32, #tpu.memory_space<vmem_shared>> -> memref<128xi32, #tpu.memory_space<vmem_shared>>
    %dma_wait3A_201 = tpu.memref_slice %arg36[%mul3A_185] : memref<2048xi32, #tpu.memory_space<vmem_shared>> -> memref<128xi32, #tpu.memory_space<vmem_shared>>
    tpu.wait_dma2 semaphore(%arg38 : memref<!tpu.dma_semaphore, #tpu.memory_space<semaphore_mem>>) src(%dma_wait3A_201 : memref<128xi32, #tpu.memory_space<vmem_shared>>) dst(%arg25 : memref<128xi32, #tpu.memory_space<vmem>>)
    %dma_wait3A_202 = tpu.memref_slice %arg37[%mul3A_189] : memref<256xi32, #tpu.memory_space<vmem_shared>> -> memref<16xi32, #tpu.memory_space<vmem_shared>>
    %dma_wait3A_203 = tpu.memref_slice %arg37[%mul3A_189] : memref<256xi32, #tpu.memory_space<vmem_shared>> -> memref<16xi32, #tpu.memory_space<vmem_shared>>
    tpu.wait_dma2 semaphore(%arg38 : memref<!tpu.dma_semaphore, #tpu.memory_space<semaphore_mem>>) src(%dma_wait3A_203 : memref<16xi32, #tpu.memory_space<vmem_shared>>) dst(%arg26 : memref<16xi32, #tpu.memory_space<vmem>>)
    %dma_wait3A_204 = tpu.memref_slice %arg37[%mul3A_193] : memref<256xi32, #tpu.memory_space<vmem_shared>> -> memref<16xi32, #tpu.memory_space<vmem_shared>>
    %dma_wait3A_205 = tpu.memref_slice %arg37[%mul3A_193] : memref<256xi32, #tpu.memory_space<vmem_shared>> -> memref<16xi32, #tpu.memory_space<vmem_shared>>
    tpu.wait_dma2 semaphore(%arg38 : memref<!tpu.dma_semaphore, #tpu.memory_space<semaphore_mem>>) src(%dma_wait3A_205 : memref<16xi32, #tpu.memory_space<vmem_shared>>) dst(%arg27 : memref<16xi32, #tpu.memory_space<vmem>>)
    %get3A_206 = arith.constant 0 : index
    %get3A_207 = tpu.vector_load %arg26[%get3A_206] {strides = array<i32>} : memref<16xi32, #tpu.memory_space<vmem>>, vector<16xi32>,
    %get3A_208 = arith.constant 0 : index
    %get3A_209 = tpu.vector_load %arg27[%get3A_208] {strides = array<i32>} : memref<16xi32, #tpu.memory_space<vmem>>, vector<16xi32>,
    %add3A_210 = arith.addi %get3A_207, %get3A_209 : vector<16xi32>
    %mul3A_211 = arith.constant 64 : i32
    %mul3A_212 = arith.muli %select_n3A_30, %mul3A_211 : i32
    %add3A_213 = arith.constant 0 : i32
    %add3A_214 = arith.addi %mul3A_212, %add3A_213 : i32
    %add3A_215 = vector.broadcast %add3A_214 : i32 to vector<16xi32>
    %add3A_216 = arith.addi %add3A_215, %iota3A : vector<16xi32>
    %lt3A_217 = arith.cmpi slt, %add3A_216, %get3A_207 : vector<16xi32>
    %not3A = arith.constant dense<true> : vector<16xi1>
    %not3A_218 = arith.xori %lt3A_217, %not3A : vector<16xi1>
    %lt3A_219 = arith.cmpi slt, %add3A_216, %add3A_210 : vector<16xi32>
    %and3A_220 = arith.andi %not3A_218, %lt3A_219 : vector<16xi1>
    %ge3A = arith.cmpi sge, %add3A_216, %add3A_210 : vector<16xi32>
    %jit3A_221 = arith.constant 0 : i32
    %jit3A_222 = arith.constant 127 : i32
    %max3A = vector.broadcast %jit3A_221 : i32 to vector<16xi32>
    %max3A_223 = arith.maxsi %max3A, %add3A_216 : vector<16xi32>
    %min3A = vector.broadcast %jit3A_222 : i32 to vector<16xi32>
    %min3A_224 = arith.minsi %min3A, %max3A_223 : vector<16xi32>
    %gather3A = tpu.vector_load_idx %arg23[%min3A_224] masked %lt3A_217 : memref<128xi32, #tpu.memory_space<vmem>>[vector<16xi32>], vector<16xi32>, vector<16xi1>
    %sub3A_225 = arith.subi %add3A_216, %get3A_207 : vector<16xi32>
    %jit3A_226 = arith.constant 0 : i32
    %jit3A_227 = arith.constant 127 : i32
    %max3A_228 = vector.broadcast %jit3A_226 : i32 to vector<16xi32>
    %max3A_229 = arith.maxsi %max3A_228, %sub3A_225 : vector<16xi32>
    %min3A_230 = vector.broadcast %jit3A_227 : i32 to vector<16xi32>
    %min3A_231 = arith.minsi %min3A_230, %max3A_229 : vector<16xi32>
    %gather3A_232 = tpu.vector_load_idx %arg24[%min3A_231] masked %and3A_220 : memref<128xi32, #tpu.memory_space<vmem>>[vector<16xi32>], vector<16xi32>, vector<16xi1>
    %sub3A_233 = arith.subi %add3A_216, %add3A_210 : vector<16xi32>
    %jit3A_234 = arith.constant 0 : i32
    %jit3A_235 = arith.constant 127 : i32
    %max3A_236 = vector.broadcast %jit3A_234 : i32 to vector<16xi32>
    %max3A_237 = arith.maxsi %max3A_236, %sub3A_233 : vector<16xi32>
    %min3A_238 = vector.broadcast %jit3A_235 : i32 to vector<16xi32>
    %min3A_239 = arith.minsi %min3A_238, %max3A_237 : vector<16xi32>
    %gather3A_240 = tpu.vector_load_idx %arg25[%min3A_239] masked %ge3A : memref<128xi32, #tpu.memory_space<vmem>>[vector<16xi32>], vector<16xi32>, vector<16xi1>
    %select_n3A_241 = arith.select %and3A_220, %gather3A_232, %gather3A_240 : vector<16xi1>, vector<16xi32>
    %select_n3A_242 = arith.select %lt3A_217, %gather3A, %select_n3A_241 : vector<16xi1>, vector<16xi32>
    %swap3A_243 = arith.constant 0 : index
    %swap3A_244 = tpu.vector_load %arg28[%swap3A_243] {strides = array<i32>} : memref<64xi32, #tpu.memory_space<vmem>>, vector<16xi32>,
    tpu.vector_store %arg28[%swap3A_243], %select_n3A_242 {strides = array<i32>} : memref<64xi32, #tpu.memory_space<vmem>>, vector<16xi32>,
    %mul3A_245 = arith.constant 4096 : i32
    %mul3A_246 = arith.muli %select_n3A_54, %mul3A_245 : i32
    %add3A_247 = vector.broadcast %mul3A_246 : i32 to vector<16xi32>
    %add3A_248 = arith.addi %select_n3A_242, %add3A_247 : vector<16xi32>
    %swap3A_249 = arith.constant 0 : index
    %swap3A_250 = tpu.vector_load %arg29[%swap3A_249] {strides = array<i32>} : memref<64xi32, #tpu.memory_space<vmem>>, vector<16xi32>,
    tpu.vector_store %arg29[%swap3A_249], %add3A_248 {strides = array<i32>} : memref<64xi32, #tpu.memory_space<vmem>>, vector<16xi32>,
    %shift_right_logical3A = arith.constant 6 : i32
    %shift_right_logical3A_251 = vector.broadcast %shift_right_logical3A : i32 to vector<16xi32>
    %shift_right_logical3A_252 = arith.shrui %select_n3A_242, %shift_right_logical3A_251 : vector<16xi32>
    %swap3A_253 = arith.constant 0 : index
    %swap3A_254 = tpu.vector_load %arg32[%swap3A_253] {strides = array<i32>} : memref<64xi32, #tpu.memory_space<vmem>>, vector<16xi32>,
    tpu.vector_store %arg32[%swap3A_253], %shift_right_logical3A_252 {strides = array<i32>} : memref<64xi32, #tpu.memory_space<vmem>>, vector<16xi32>,
    %and3A_255 = arith.constant 63 : i32
    %and3A_256 = vector.broadcast %and3A_255 : i32 to vector<16xi32>
    %and3A_257 = arith.andi %select_n3A_242, %and3A_256 : vector<16xi32>
    %swap3A_258 = arith.constant 0 : index
    %swap3A_259 = tpu.vector_load %arg33[%swap3A_258] {strides = array<i32>} : memref<64xi32, #tpu.memory_space<vmem>>, vector<16xi32>,
    tpu.vector_store %arg33[%swap3A_258], %and3A_257 {strides = array<i32>} : memref<64xi32, #tpu.memory_space<vmem>>, vector<16xi32>,
    %add3A_260 = vector.broadcast %select_n3A_54 : i32 to vector<16xi32>
    %add3A_261 = arith.addi %broadcast_in_dim3A_98, %add3A_260 : vector<16xi32>
    %swap3A_262 = arith.constant 0 : index
    %swap3A_263 = tpu.vector_load %arg34[%swap3A_262] {strides = array<i32>} : memref<64xi32, #tpu.memory_space<vmem>>, vector<16xi32>,
    tpu.vector_store %arg34[%swap3A_262], %add3A_261 {strides = array<i32>} : memref<64xi32, #tpu.memory_space<vmem>>, vector<16xi32>,
    %mul3A_264 = arith.constant 64 : i32
    %mul3A_265 = arith.muli %select_n3A_30, %mul3A_264 : i32
    %add3A_266 = arith.constant 16 : i32
    %add3A_267 = arith.addi %mul3A_265, %add3A_266 : i32
    %add3A_268 = vector.broadcast %add3A_267 : i32 to vector<16xi32>
    %add3A_269 = arith.addi %add3A_268, %iota3A : vector<16xi32>
    %lt3A_270 = arith.cmpi slt, %add3A_269, %get3A_207 : vector<16xi32>
    %not3A_271 = arith.constant dense<true> : vector<16xi1>
    %not3A_272 = arith.xori %lt3A_270, %not3A_271 : vector<16xi1>
    %lt3A_273 = arith.cmpi slt, %add3A_269, %add3A_210 : vector<16xi32>
    %and3A_274 = arith.andi %not3A_272, %lt3A_273 : vector<16xi1>
    %ge3A_275 = arith.cmpi sge, %add3A_269, %add3A_210 : vector<16xi32>
    %jit3A_276 = arith.constant 0 : i32
    %jit3A_277 = arith.constant 127 : i32
    %max3A_278 = vector.broadcast %jit3A_276 : i32 to vector<16xi32>
    %max3A_279 = arith.maxsi %max3A_278, %add3A_269 : vector<16xi32>
    %min3A_280 = vector.broadcast %jit3A_277 : i32 to vector<16xi32>
    %min3A_281 = arith.minsi %min3A_280, %max3A_279 : vector<16xi32>
    %gather3A_282 = tpu.vector_load_idx %arg23[%min3A_281] masked %lt3A_270 : memref<128xi32, #tpu.memory_space<vmem>>[vector<16xi32>], vector<16xi32>, vector<16xi1>
    %sub3A_283 = arith.subi %add3A_269, %get3A_207 : vector<16xi32>
    %jit3A_284 = arith.constant 0 : i32
    %jit3A_285 = arith.constant 127 : i32
    %max3A_286 = vector.broadcast %jit3A_284 : i32 to vector<16xi32>
    %max3A_287 = arith.maxsi %max3A_286, %sub3A_283 : vector<16xi32>
    %min3A_288 = vector.broadcast %jit3A_285 : i32 to vector<16xi32>
    %min3A_289 = arith.minsi %min3A_288, %max3A_287 : vector<16xi32>
    %gather3A_290 = tpu.vector_load_idx %arg24[%min3A_289] masked %and3A_274 : memref<128xi32, #tpu.memory_space<vmem>>[vector<16xi32>], vector<16xi32>, vector<16xi1>
    %sub3A_291 = arith.subi %add3A_269, %add3A_210 : vector<16xi32>
    %jit3A_292 = arith.constant 0 : i32
    %jit3A_293 = arith.constant 127 : i32
    %max3A_294 = vector.broadcast %jit3A_292 : i32 to vector<16xi32>
    %max3A_295 = arith.maxsi %max3A_294, %sub3A_291 : vector<16xi32>
    %min3A_296 = vector.broadcast %jit3A_293 : i32 to vector<16xi32>
    %min3A_297 = arith.minsi %min3A_296, %max3A_295 : vector<16xi32>
    %gather3A_298 = tpu.vector_load_idx %arg25[%min3A_297] masked %ge3A_275 : memref<128xi32, #tpu.memory_space<vmem>>[vector<16xi32>], vector<16xi32>, vector<16xi1>
    %select_n3A_299 = arith.select %and3A_274, %gather3A_290, %gather3A_298 : vector<16xi1>, vector<16xi32>
    %select_n3A_300 = arith.select %lt3A_270, %gather3A_282, %select_n3A_299 : vector<16xi1>, vector<16xi32>
    %swap3A_301 = arith.constant 16 : index
    %swap3A_302 = tpu.vector_load %arg28[%swap3A_301] {strides = array<i32>} : memref<64xi32, #tpu.memory_space<vmem>>, vector<16xi32>,
    tpu.vector_store %arg28[%swap3A_301], %select_n3A_300 {strides = array<i32>} : memref<64xi32, #tpu.memory_space<vmem>>, vector<16xi32>,
    %mul3A_303 = arith.constant 4096 : i32
    %mul3A_304 = arith.muli %select_n3A_54, %mul3A_303 : i32
    %add3A_305 = vector.broadcast %mul3A_304 : i32 to vector<16xi32>
    %add3A_306 = arith.addi %select_n3A_300, %add3A_305 : vector<16xi32>
    %swap3A_307 = arith.constant 16 : index
    %swap3A_308 = tpu.vector_load %arg29[%swap3A_307] {strides = array<i32>} : memref<64xi32, #tpu.memory_space<vmem>>, vector<16xi32>,
    tpu.vector_store %arg29[%swap3A_307], %add3A_306 {strides = array<i32>} : memref<64xi32, #tpu.memory_space<vmem>>, vector<16xi32>,
    %shift_right_logical3A_309 = arith.constant 6 : i32
    %shift_right_logical3A_310 = vector.broadcast %shift_right_logical3A_309 : i32 to vector<16xi32>
    %shift_right_logical3A_311 = arith.shrui %select_n3A_300, %shift_right_logical3A_310 : vector<16xi32>
    %swap3A_312 = arith.constant 16 : index
    %swap3A_313 = tpu.vector_load %arg32[%swap3A_312] {strides = array<i32>} : memref<64xi32, #tpu.memory_space<vmem>>, vector<16xi32>,
    tpu.vector_store %arg32[%swap3A_312], %shift_right_logical3A_311 {strides = array<i32>} : memref<64xi32, #tpu.memory_space<vmem>>, vector<16xi32>,
    %and3A_314 = arith.constant 63 : i32
    %and3A_315 = vector.broadcast %and3A_314 : i32 to vector<16xi32>
    %and3A_316 = arith.andi %select_n3A_300, %and3A_315 : vector<16xi32>
    %swap3A_317 = arith.constant 16 : index
    %swap3A_318 = tpu.vector_load %arg33[%swap3A_317] {strides = array<i32>} : memref<64xi32, #tpu.memory_space<vmem>>, vector<16xi32>,
    tpu.vector_store %arg33[%swap3A_317], %and3A_316 {strides = array<i32>} : memref<64xi32, #tpu.memory_space<vmem>>, vector<16xi32>,
    %add3A_319 = vector.broadcast %select_n3A_54 : i32 to vector<16xi32>
    %add3A_320 = arith.addi %broadcast_in_dim3A_98, %add3A_319 : vector<16xi32>
    %swap3A_321 = arith.constant 16 : index
    %swap3A_322 = tpu.vector_load %arg34[%swap3A_321] {strides = array<i32>} : memref<64xi32, #tpu.memory_space<vmem>>, vector<16xi32>,
    tpu.vector_store %arg34[%swap3A_321], %add3A_320 {strides = array<i32>} : memref<64xi32, #tpu.memory_space<vmem>>, vector<16xi32>,
    %mul3A_323 = arith.constant 64 : i32
    %mul3A_324 = arith.muli %select_n3A_30, %mul3A_323 : i32
    %add3A_325 = arith.constant 32 : i32
    %add3A_326 = arith.addi %mul3A_324, %add3A_325 : i32
    %add3A_327 = vector.broadcast %add3A_326 : i32 to vector<16xi32>
    %add3A_328 = arith.addi %add3A_327, %iota3A : vector<16xi32>
    %lt3A_329 = arith.cmpi slt, %add3A_328, %get3A_207 : vector<16xi32>
    %not3A_330 = arith.constant dense<true> : vector<16xi1>
    %not3A_331 = arith.xori %lt3A_329, %not3A_330 : vector<16xi1>
    %lt3A_332 = arith.cmpi slt, %add3A_328, %add3A_210 : vector<16xi32>
    %and3A_333 = arith.andi %not3A_331, %lt3A_332 : vector<16xi1>
    %ge3A_334 = arith.cmpi sge, %add3A_328, %add3A_210 : vector<16xi32>
    %jit3A_335 = arith.constant 0 : i32
    %jit3A_336 = arith.constant 127 : i32
    %max3A_337 = vector.broadcast %jit3A_335 : i32 to vector<16xi32>
    %max3A_338 = arith.maxsi %max3A_337, %add3A_328 : vector<16xi32>
    %min3A_339 = vector.broadcast %jit3A_336 : i32 to vector<16xi32>
    %min3A_340 = arith.minsi %min3A_339, %max3A_338 : vector<16xi32>
    %gather3A_341 = tpu.vector_load_idx %arg23[%min3A_340] masked %lt3A_329 : memref<128xi32, #tpu.memory_space<vmem>>[vector<16xi32>], vector<16xi32>, vector<16xi1>
    %sub3A_342 = arith.subi %add3A_328, %get3A_207 : vector<16xi32>
    %jit3A_343 = arith.constant 0 : i32
    %jit3A_344 = arith.constant 127 : i32
    %max3A_345 = vector.broadcast %jit3A_343 : i32 to vector<16xi32>
    %max3A_346 = arith.maxsi %max3A_345, %sub3A_342 : vector<16xi32>
    %min3A_347 = vector.broadcast %jit3A_344 : i32 to vector<16xi32>
    %min3A_348 = arith.minsi %min3A_347, %max3A_346 : vector<16xi32>
    %gather3A_349 = tpu.vector_load_idx %arg24[%min3A_348] masked %and3A_333 : memref<128xi32, #tpu.memory_space<vmem>>[vector<16xi32>], vector<16xi32>, vector<16xi1>
    %sub3A_350 = arith.subi %add3A_328, %add3A_210 : vector<16xi32>
    %jit3A_351 = arith.constant 0 : i32
    %jit3A_352 = arith.constant 127 : i32
    %max3A_353 = vector.broadcast %jit3A_351 : i32 to vector<16xi32>
    %max3A_354 = arith.maxsi %max3A_353, %sub3A_350 : vector<16xi32>
    %min3A_355 = vector.broadcast %jit3A_352 : i32 to vector<16xi32>
    %min3A_356 = arith.minsi %min3A_355, %max3A_354 : vector<16xi32>
    %gather3A_357 = tpu.vector_load_idx %arg25[%min3A_356] masked %ge3A_334 : memref<128xi32, #tpu.memory_space<vmem>>[vector<16xi32>], vector<16xi32>, vector<16xi1>
    %select_n3A_358 = arith.select %and3A_333, %gather3A_349, %gather3A_357 : vector<16xi1>, vector<16xi32>
    %select_n3A_359 = arith.select %lt3A_329, %gather3A_341, %select_n3A_358 : vector<16xi1>, vector<16xi32>
    %swap3A_360 = arith.constant 32 : index
    %swap3A_361 = tpu.vector_load %arg28[%swap3A_360] {strides = array<i32>} : memref<64xi32, #tpu.memory_space<vmem>>, vector<16xi32>,
    tpu.vector_store %arg28[%swap3A_360], %select_n3A_359 {strides = array<i32>} : memref<64xi32, #tpu.memory_space<vmem>>, vector<16xi32>,
    %mul3A_362 = arith.constant 4096 : i32
    %mul3A_363 = arith.muli %select_n3A_54, %mul3A_362 : i32
    %add3A_364 = vector.broadcast %mul3A_363 : i32 to vector<16xi32>
    %add3A_365 = arith.addi %select_n3A_359, %add3A_364 : vector<16xi32>
    %swap3A_366 = arith.constant 32 : index
    %swap3A_367 = tpu.vector_load %arg29[%swap3A_366] {strides = array<i32>} : memref<64xi32, #tpu.memory_space<vmem>>, vector<16xi32>,
    tpu.vector_store %arg29[%swap3A_366], %add3A_365 {strides = array<i32>} : memref<64xi32, #tpu.memory_space<vmem>>, vector<16xi32>,
    %shift_right_logical3A_368 = arith.constant 6 : i32
    %shift_right_logical3A_369 = vector.broadcast %shift_right_logical3A_368 : i32 to vector<16xi32>
    %shift_right_logical3A_370 = arith.shrui %select_n3A_359, %shift_right_logical3A_369 : vector<16xi32>
    %swap3A_371 = arith.constant 32 : index
    %swap3A_372 = tpu.vector_load %arg32[%swap3A_371] {strides = array<i32>} : memref<64xi32, #tpu.memory_space<vmem>>, vector<16xi32>,
    tpu.vector_store %arg32[%swap3A_371], %shift_right_logical3A_370 {strides = array<i32>} : memref<64xi32, #tpu.memory_space<vmem>>, vector<16xi32>,
    %and3A_373 = arith.constant 63 : i32
    %and3A_374 = vector.broadcast %and3A_373 : i32 to vector<16xi32>
    %and3A_375 = arith.andi %select_n3A_359, %and3A_374 : vector<16xi32>
    %swap3A_376 = arith.constant 32 : index
    %swap3A_377 = tpu.vector_load %arg33[%swap3A_376] {strides = array<i32>} : memref<64xi32, #tpu.memory_space<vmem>>, vector<16xi32>,
    tpu.vector_store %arg33[%swap3A_376], %and3A_375 {strides = array<i32>} : memref<64xi32, #tpu.memory_space<vmem>>, vector<16xi32>,
    %add3A_378 = vector.broadcast %select_n3A_54 : i32 to vector<16xi32>
    %add3A_379 = arith.addi %broadcast_in_dim3A_98, %add3A_378 : vector<16xi32>
    %swap3A_380 = arith.constant 32 : index
    %swap3A_381 = tpu.vector_load %arg34[%swap3A_380] {strides = array<i32>} : memref<64xi32, #tpu.memory_space<vmem>>, vector<16xi32>,
    tpu.vector_store %arg34[%swap3A_380], %add3A_379 {strides = array<i32>} : memref<64xi32, #tpu.memory_space<vmem>>, vector<16xi32>,
    %mul3A_382 = arith.constant 64 : i32
    %mul3A_383 = arith.muli %select_n3A_30, %mul3A_382 : i32
    %add3A_384 = arith.constant 48 : i32
    %add3A_385 = arith.addi %mul3A_383, %add3A_384 : i32
    %add3A_386 = vector.broadcast %add3A_385 : i32 to vector<16xi32>
    %add3A_387 = arith.addi %add3A_386, %iota3A : vector<16xi32>
    %lt3A_388 = arith.cmpi slt, %add3A_387, %get3A_207 : vector<16xi32>
    %not3A_389 = arith.constant dense<true> : vector<16xi1>
    %not3A_390 = arith.xori %lt3A_388, %not3A_389 : vector<16xi1>
    %lt3A_391 = arith.cmpi slt, %add3A_387, %add3A_210 : vector<16xi32>
    %and3A_392 = arith.andi %not3A_390, %lt3A_391 : vector<16xi1>
    %ge3A_393 = arith.cmpi sge, %add3A_387, %add3A_210 : vector<16xi32>
    %jit3A_394 = arith.constant 0 : i32
    %jit3A_395 = arith.constant 127 : i32
    %max3A_396 = vector.broadcast %jit3A_394 : i32 to vector<16xi32>
    %max3A_397 = arith.maxsi %max3A_396, %add3A_387 : vector<16xi32>
    %min3A_398 = vector.broadcast %jit3A_395 : i32 to vector<16xi32>
    %min3A_399 = arith.minsi %min3A_398, %max3A_397 : vector<16xi32>
    %gather3A_400 = tpu.vector_load_idx %arg23[%min3A_399] masked %lt3A_388 : memref<128xi32, #tpu.memory_space<vmem>>[vector<16xi32>], vector<16xi32>, vector<16xi1>
    %sub3A_401 = arith.subi %add3A_387, %get3A_207 : vector<16xi32>
    %jit3A_402 = arith.constant 0 : i32
    %jit3A_403 = arith.constant 127 : i32
    %max3A_404 = vector.broadcast %jit3A_402 : i32 to vector<16xi32>
    %max3A_405 = arith.maxsi %max3A_404, %sub3A_401 : vector<16xi32>
    %min3A_406 = vector.broadcast %jit3A_403 : i32 to vector<16xi32>
    %min3A_407 = arith.minsi %min3A_406, %max3A_405 : vector<16xi32>
    %gather3A_408 = tpu.vector_load_idx %arg24[%min3A_407] masked %and3A_392 : memref<128xi32, #tpu.memory_space<vmem>>[vector<16xi32>], vector<16xi32>, vector<16xi1>
    %sub3A_409 = arith.subi %add3A_387, %add3A_210 : vector<16xi32>
    %jit3A_410 = arith.constant 0 : i32
    %jit3A_411 = arith.constant 127 : i32
    %max3A_412 = vector.broadcast %jit3A_410 : i32 to vector<16xi32>
    %max3A_413 = arith.maxsi %max3A_412, %sub3A_409 : vector<16xi32>
    %min3A_414 = vector.broadcast %jit3A_411 : i32 to vector<16xi32>
    %min3A_415 = arith.minsi %min3A_414, %max3A_413 : vector<16xi32>
    %gather3A_416 = tpu.vector_load_idx %arg25[%min3A_415] masked %ge3A_393 : memref<128xi32, #tpu.memory_space<vmem>>[vector<16xi32>], vector<16xi32>, vector<16xi1>
    %select_n3A_417 = arith.select %and3A_392, %gather3A_408, %gather3A_416 : vector<16xi1>, vector<16xi32>
    %select_n3A_418 = arith.select %lt3A_388, %gather3A_400, %select_n3A_417 : vector<16xi1>, vector<16xi32>
    %swap3A_419 = arith.constant 48 : index
    %swap3A_420 = tpu.vector_load %arg28[%swap3A_419] {strides = array<i32>} : memref<64xi32, #tpu.memory_space<vmem>>, vector<16xi32>,
    tpu.vector_store %arg28[%swap3A_419], %select_n3A_418 {strides = array<i32>} : memref<64xi32, #tpu.memory_space<vmem>>, vector<16xi32>,
    %mul3A_421 = arith.constant 4096 : i32
    %mul3A_422 = arith.muli %select_n3A_54, %mul3A_421 : i32
    %add3A_423 = vector.broadcast %mul3A_422 : i32 to vector<16xi32>
    %add3A_424 = arith.addi %select_n3A_418, %add3A_423 : vector<16xi32>
    %swap3A_425 = arith.constant 48 : index
    %swap3A_426 = tpu.vector_load %arg29[%swap3A_425] {strides = array<i32>} : memref<64xi32, #tpu.memory_space<vmem>>, vector<16xi32>,
    tpu.vector_store %arg29[%swap3A_425], %add3A_424 {strides = array<i32>} : memref<64xi32, #tpu.memory_space<vmem>>, vector<16xi32>,
    %shift_right_logical3A_427 = arith.constant 6 : i32
    %shift_right_logical3A_428 = vector.broadcast %shift_right_logical3A_427 : i32 to vector<16xi32>
    %shift_right_logical3A_429 = arith.shrui %select_n3A_418, %shift_right_logical3A_428 : vector<16xi32>
    %swap3A_430 = arith.constant 48 : index
    %swap3A_431 = tpu.vector_load %arg32[%swap3A_430] {strides = array<i32>} : memref<64xi32, #tpu.memory_space<vmem>>, vector<16xi32>,
    tpu.vector_store %arg32[%swap3A_430], %shift_right_logical3A_429 {strides = array<i32>} : memref<64xi32, #tpu.memory_space<vmem>>, vector<16xi32>,
    %and3A_432 = arith.constant 63 : i32
    %and3A_433 = vector.broadcast %and3A_432 : i32 to vector<16xi32>
    %and3A_434 = arith.andi %select_n3A_418, %and3A_433 : vector<16xi32>
    %swap3A_435 = arith.constant 48 : index
    %swap3A_436 = tpu.vector_load %arg33[%swap3A_435] {strides = array<i32>} : memref<64xi32, #tpu.memory_space<vmem>>, vector<16xi32>,
    tpu.vector_store %arg33[%swap3A_435], %and3A_434 {strides = array<i32>} : memref<64xi32, #tpu.memory_space<vmem>>, vector<16xi32>,
    %add3A_437 = vector.broadcast %select_n3A_54 : i32 to vector<16xi32>
    %add3A_438 = arith.addi %broadcast_in_dim3A_98, %add3A_437 : vector<16xi32>
    %swap3A_439 = arith.constant 48 : index
    %swap3A_440 = tpu.vector_load %arg34[%swap3A_439] {strides = array<i32>} : memref<64xi32, #tpu.memory_space<vmem>>, vector<16xi32>,
    tpu.vector_store %arg34[%swap3A_439], %add3A_438 {strides = array<i32>} : memref<64xi32, #tpu.memory_space<vmem>>, vector<16xi32>,
    %dma_start3A_441 = arith.constant 0 : i32
    %dma_start3A_442 = arith.constant 0 : i32
    %dma_start3A_443 = tpu.memref_slice %arg2[%dma_start3A_441, %dma_start3A_442] : memref<16384x256xf32, #tpu.memory_space<hbm>> -> memref<16384x256xf32, #tpu.memory_space<hbm>>
    tpu.enqueue_indirect_dma source(%dma_start3A_443 : memref<16384x256xf32, #tpu.memory_space<hbm>>) target(%arg30 : memref<64x256xf32, #tpu.memory_space<vmem>>) offsets(%arg29 : memref<64xi32, #tpu.memory_space<vmem>>) semaphore(%arg38 : memref<!tpu.dma_semaphore, #tpu.memory_space<semaphore_mem>>)
    %dma_wait3A_444 = arith.constant 0 : i32
    %dma_wait3A_445 = arith.constant 0 : i32
    %dma_wait3A_446 = tpu.memref_slice %arg2[%dma_wait3A_444, %dma_wait3A_445] : memref<16384x256xf32, #tpu.memory_space<hbm>> -> memref<16384x256xf32, #tpu.memory_space<hbm>>
    tpu.wait_indirect_dma semaphore(%arg38 : memref<!tpu.dma_semaphore, #tpu.memory_space<semaphore_mem>>) src(%dma_wait3A_446 : memref<16384x256xf32, #tpu.memory_space<hbm>>) dst(%arg30 : memref<64x256xf32, #tpu.memory_space<vmem>>)
    %get3A_447 = arith.constant 0 : i32
    %get3A_448 = arith.index_cast %get3A_447 : i32 to index
    %get3A_449 = arith.constant 0 : index
    %get3A_450 = tpu.vector_load %arg31[%get3A_448, %get3A_449] {strides = array<i32>} : memref<1x256xf32, #tpu.memory_space<vmem>>, vector<16xf32>,
    %get3A_451 = arith.constant 0 : i32
    %get3A_452 = arith.index_cast %get3A_451 : i32 to index
    %get3A_453 = arith.constant 16 : index
    %get3A_454 = tpu.vector_load %arg31[%get3A_452, %get3A_453] {strides = array<i32>} : memref<1x256xf32, #tpu.memory_space<vmem>>, vector<16xf32>,
    %get3A_455 = arith.constant 0 : i32
    %get3A_456 = arith.index_cast %get3A_455 : i32 to index
    %get3A_457 = arith.constant 32 : index
    %get3A_458 = tpu.vector_load %arg31[%get3A_456, %get3A_457] {strides = array<i32>} : memref<1x256xf32, #tpu.memory_space<vmem>>, vector<16xf32>,
    %get3A_459 = arith.constant 0 : i32
    %get3A_460 = arith.index_cast %get3A_459 : i32 to index
    %get3A_461 = arith.constant 48 : index
    %get3A_462 = tpu.vector_load %arg31[%get3A_460, %get3A_461] {strides = array<i32>} : memref<1x256xf32, #tpu.memory_space<vmem>>, vector<16xf32>,
    %get3A_463 = arith.constant 0 : i32
    %get3A_464 = arith.index_cast %get3A_463 : i32 to index
    %get3A_465 = arith.constant 64 : index
    %get3A_466 = tpu.vector_load %arg31[%get3A_464, %get3A_465] {strides = array<i32>} : memref<1x256xf32, #tpu.memory_space<vmem>>, vector<16xf32>,
    %get3A_467 = arith.constant 0 : i32
    %get3A_468 = arith.index_cast %get3A_467 : i32 to index
    %get3A_469 = arith.constant 80 : index
    %get3A_470 = tpu.vector_load %arg31[%get3A_468, %get3A_469] {strides = array<i32>} : memref<1x256xf32, #tpu.memory_space<vmem>>, vector<16xf32>,
    %get3A_471 = arith.constant 0 : i32
    %get3A_472 = arith.index_cast %get3A_471 : i32 to index
    %get3A_473 = arith.constant 96 : index
    %get3A_474 = tpu.vector_load %arg31[%get3A_472, %get3A_473] {strides = array<i32>} : memref<1x256xf32, #tpu.memory_space<vmem>>, vector<16xf32>,
    %get3A_475 = arith.constant 0 : i32
    %get3A_476 = arith.index_cast %get3A_475 : i32 to index
    %get3A_477 = arith.constant 112 : index
    %get3A_478 = tpu.vector_load %arg31[%get3A_476, %get3A_477] {strides = array<i32>} : memref<1x256xf32, #tpu.memory_space<vmem>>, vector<16xf32>,
    %get3A_479 = arith.constant 0 : i32
    %get3A_480 = arith.index_cast %get3A_479 : i32 to index
    %get3A_481 = arith.constant 128 : index
    %get3A_482 = tpu.vector_load %arg31[%get3A_480, %get3A_481] {strides = array<i32>} : memref<1x256xf32, #tpu.memory_space<vmem>>, vector<16xf32>,
    %get3A_483 = arith.constant 0 : i32
    %get3A_484 = arith.index_cast %get3A_483 : i32 to index
    %get3A_485 = arith.constant 144 : index
    %get3A_486 = tpu.vector_load %arg31[%get3A_484, %get3A_485] {strides = array<i32>} : memref<1x256xf32, #tpu.memory_space<vmem>>, vector<16xf32>,
    %get3A_487 = arith.constant 0 : i32
    %get3A_488 = arith.index_cast %get3A_487 : i32 to index
    %get3A_489 = arith.constant 160 : index
    %get3A_490 = tpu.vector_load %arg31[%get3A_488, %get3A_489] {strides = array<i32>} : memref<1x256xf32, #tpu.memory_space<vmem>>, vector<16xf32>,
    %get3A_491 = arith.constant 0 : i32
    %get3A_492 = arith.index_cast %get3A_491 : i32 to index
    %get3A_493 = arith.constant 176 : index
    %get3A_494 = tpu.vector_load %arg31[%get3A_492, %get3A_493] {strides = array<i32>} : memref<1x256xf32, #tpu.memory_space<vmem>>, vector<16xf32>,
    %get3A_495 = arith.constant 0 : i32
    %get3A_496 = arith.index_cast %get3A_495 : i32 to index
    %get3A_497 = arith.constant 192 : index
    %get3A_498 = tpu.vector_load %arg31[%get3A_496, %get3A_497] {strides = array<i32>} : memref<1x256xf32, #tpu.memory_space<vmem>>, vector<16xf32>,
    %get3A_499 = arith.constant 0 : i32
    %get3A_500 = arith.index_cast %get3A_499 : i32 to index
    %get3A_501 = arith.constant 208 : index
    %get3A_502 = tpu.vector_load %arg31[%get3A_500, %get3A_501] {strides = array<i32>} : memref<1x256xf32, #tpu.memory_space<vmem>>, vector<16xf32>,
    %get3A_503 = arith.constant 0 : i32
    %get3A_504 = arith.index_cast %get3A_503 : i32 to index
    %get3A_505 = arith.constant 224 : index
    %get3A_506 = tpu.vector_load %arg31[%get3A_504, %get3A_505] {strides = array<i32>} : memref<1x256xf32, #tpu.memory_space<vmem>>, vector<16xf32>,
    %get3A_507 = arith.constant 0 : i32
    %get3A_508 = arith.index_cast %get3A_507 : i32 to index
    %get3A_509 = arith.constant 240 : index
    %get3A_510 = tpu.vector_load %arg31[%get3A_508, %get3A_509] {strides = array<i32>} : memref<1x256xf32, #tpu.memory_space<vmem>>, vector<16xf32>,
    %scan3A_511 = arith.constant 0 : i32
    %scan3A_512 = arith.constant 0 : i32
    %scan3A_513 = arith.constant 64 : i32
    %scan3A_514 = arith.addi %scan3A_512, %scan3A_513 : i32
    %scan3A_515 = arith.constant 1 : i32
    scf.for %scan3A_546 = %scan3A_512 to %scan3A_514 step %scan3A_515  : i32 {
      %get3A_547 = arith.index_cast %scan3A_546 : i32 to index
      %get3A_548 = arith.constant 0 : index
      %get3A_549 = tpu.vector_load %arg30[%get3A_547, %get3A_548] {strides = array<i32>} : memref<64x256xf32, #tpu.memory_space<vmem>>, vector<16xf32>,
      %add3A_550 = arith.addf %get3A_549, %get3A_450 : vector<16xf32>
      %swap3A_551 = arith.index_cast %scan3A_546 : i32 to index
      %swap3A_552 = arith.constant 0 : index
      %swap3A_553 = tpu.vector_load %arg30[%swap3A_551, %swap3A_552] {strides = array<i32>} : memref<64x256xf32, #tpu.memory_space<vmem>>, vector<16xf32>,
      tpu.vector_store %arg30[%swap3A_551, %swap3A_552], %add3A_550 {strides = array<i32>} : memref<64x256xf32, #tpu.memory_space<vmem>>, vector<16xf32>,
      %get3A_554 = arith.index_cast %scan3A_546 : i32 to index
      %get3A_555 = arith.constant 16 : index
      %get3A_556 = tpu.vector_load %arg30[%get3A_554, %get3A_555] {strides = array<i32>} : memref<64x256xf32, #tpu.memory_space<vmem>>, vector<16xf32>,
      %add3A_557 = arith.addf %get3A_556, %get3A_454 : vector<16xf32>
      %swap3A_558 = arith.index_cast %scan3A_546 : i32 to index
      %swap3A_559 = arith.constant 16 : index
      %swap3A_560 = tpu.vector_load %arg30[%swap3A_558, %swap3A_559] {strides = array<i32>} : memref<64x256xf32, #tpu.memory_space<vmem>>, vector<16xf32>,
      tpu.vector_store %arg30[%swap3A_558, %swap3A_559], %add3A_557 {strides = array<i32>} : memref<64x256xf32, #tpu.memory_space<vmem>>, vector<16xf32>,
      %get3A_561 = arith.index_cast %scan3A_546 : i32 to index
      %get3A_562 = arith.constant 32 : index
      %get3A_563 = tpu.vector_load %arg30[%get3A_561, %get3A_562] {strides = array<i32>} : memref<64x256xf32, #tpu.memory_space<vmem>>, vector<16xf32>,
      %add3A_564 = arith.addf %get3A_563, %get3A_458 : vector<16xf32>
      %swap3A_565 = arith.index_cast %scan3A_546 : i32 to index
      %swap3A_566 = arith.constant 32 : index
      %swap3A_567 = tpu.vector_load %arg30[%swap3A_565, %swap3A_566] {strides = array<i32>} : memref<64x256xf32, #tpu.memory_space<vmem>>, vector<16xf32>,
      tpu.vector_store %arg30[%swap3A_565, %swap3A_566], %add3A_564 {strides = array<i32>} : memref<64x256xf32, #tpu.memory_space<vmem>>, vector<16xf32>,
      %get3A_568 = arith.index_cast %scan3A_546 : i32 to index
      %get3A_569 = arith.constant 48 : index
      %get3A_570 = tpu.vector_load %arg30[%get3A_568, %get3A_569] {strides = array<i32>} : memref<64x256xf32, #tpu.memory_space<vmem>>, vector<16xf32>,
      %add3A_571 = arith.addf %get3A_570, %get3A_462 : vector<16xf32>
      %swap3A_572 = arith.index_cast %scan3A_546 : i32 to index
      %swap3A_573 = arith.constant 48 : index
      %swap3A_574 = tpu.vector_load %arg30[%swap3A_572, %swap3A_573] {strides = array<i32>} : memref<64x256xf32, #tpu.memory_space<vmem>>, vector<16xf32>,
      tpu.vector_store %arg30[%swap3A_572, %swap3A_573], %add3A_571 {strides = array<i32>} : memref<64x256xf32, #tpu.memory_space<vmem>>, vector<16xf32>,
      %get3A_575 = arith.index_cast %scan3A_546 : i32 to index
      %get3A_576 = arith.constant 64 : index
      %get3A_577 = tpu.vector_load %arg30[%get3A_575, %get3A_576] {strides = array<i32>} : memref<64x256xf32, #tpu.memory_space<vmem>>, vector<16xf32>,
      %add3A_578 = arith.addf %get3A_577, %get3A_466 : vector<16xf32>
      %swap3A_579 = arith.index_cast %scan3A_546 : i32 to index
      %swap3A_580 = arith.constant 64 : index
      %swap3A_581 = tpu.vector_load %arg30[%swap3A_579, %swap3A_580] {strides = array<i32>} : memref<64x256xf32, #tpu.memory_space<vmem>>, vector<16xf32>,
      tpu.vector_store %arg30[%swap3A_579, %swap3A_580], %add3A_578 {strides = array<i32>} : memref<64x256xf32, #tpu.memory_space<vmem>>, vector<16xf32>,
      %get3A_582 = arith.index_cast %scan3A_546 : i32 to index
      %get3A_583 = arith.constant 80 : index
      %get3A_584 = tpu.vector_load %arg30[%get3A_582, %get3A_583] {strides = array<i32>} : memref<64x256xf32, #tpu.memory_space<vmem>>, vector<16xf32>,
      %add3A_585 = arith.addf %get3A_584, %get3A_470 : vector<16xf32>
      %swap3A_586 = arith.index_cast %scan3A_546 : i32 to index
      %swap3A_587 = arith.constant 80 : index
      %swap3A_588 = tpu.vector_load %arg30[%swap3A_586, %swap3A_587] {strides = array<i32>} : memref<64x256xf32, #tpu.memory_space<vmem>>, vector<16xf32>,
      tpu.vector_store %arg30[%swap3A_586, %swap3A_587], %add3A_585 {strides = array<i32>} : memref<64x256xf32, #tpu.memory_space<vmem>>, vector<16xf32>,
      %get3A_589 = arith.index_cast %scan3A_546 : i32 to index
      %get3A_590 = arith.constant 96 : index
      %get3A_591 = tpu.vector_load %arg30[%get3A_589, %get3A_590] {strides = array<i32>} : memref<64x256xf32, #tpu.memory_space<vmem>>, vector<16xf32>,
      %add3A_592 = arith.addf %get3A_591, %get3A_474 : vector<16xf32>
      %swap3A_593 = arith.index_cast %scan3A_546 : i32 to index
      %swap3A_594 = arith.constant 96 : index
      %swap3A_595 = tpu.vector_load %arg30[%swap3A_593, %swap3A_594] {strides = array<i32>} : memref<64x256xf32, #tpu.memory_space<vmem>>, vector<16xf32>,
      tpu.vector_store %arg30[%swap3A_593, %swap3A_594], %add3A_592 {strides = array<i32>} : memref<64x256xf32, #tpu.memory_space<vmem>>, vector<16xf32>,
      %get3A_596 = arith.index_cast %scan3A_546 : i32 to index
      %get3A_597 = arith.constant 112 : index
      %get3A_598 = tpu.vector_load %arg30[%get3A_596, %get3A_597] {strides = array<i32>} : memref<64x256xf32, #tpu.memory_space<vmem>>, vector<16xf32>,
      %add3A_599 = arith.addf %get3A_598, %get3A_478 : vector<16xf32>
      %swap3A_600 = arith.index_cast %scan3A_546 : i32 to index
      %swap3A_601 = arith.constant 112 : index
      %swap3A_602 = tpu.vector_load %arg30[%swap3A_600, %swap3A_601] {strides = array<i32>} : memref<64x256xf32, #tpu.memory_space<vmem>>, vector<16xf32>,
      tpu.vector_store %arg30[%swap3A_600, %swap3A_601], %add3A_599 {strides = array<i32>} : memref<64x256xf32, #tpu.memory_space<vmem>>, vector<16xf32>,
      %get3A_603 = arith.index_cast %scan3A_546 : i32 to index
      %get3A_604 = arith.constant 128 : index
      %get3A_605 = tpu.vector_load %arg30[%get3A_603, %get3A_604] {strides = array<i32>} : memref<64x256xf32, #tpu.memory_space<vmem>>, vector<16xf32>,
      %add3A_606 = arith.addf %get3A_605, %get3A_482 : vector<16xf32>
      %swap3A_607 = arith.index_cast %scan3A_546 : i32 to index
      %swap3A_608 = arith.constant 128 : index
      %swap3A_609 = tpu.vector_load %arg30[%swap3A_607, %swap3A_608] {strides = array<i32>} : memref<64x256xf32, #tpu.memory_space<vmem>>, vector<16xf32>,
      tpu.vector_store %arg30[%swap3A_607, %swap3A_608], %add3A_606 {strides = array<i32>} : memref<64x256xf32, #tpu.memory_space<vmem>>, vector<16xf32>,
      %get3A_610 = arith.index_cast %scan3A_546 : i32 to index
      %get3A_611 = arith.constant 144 : index
      %get3A_612 = tpu.vector_load %arg30[%get3A_610, %get3A_611] {strides = array<i32>} : memref<64x256xf32, #tpu.memory_space<vmem>>, vector<16xf32>,
      %add3A_613 = arith.addf %get3A_612, %get3A_486 : vector<16xf32>
      %swap3A_614 = arith.index_cast %scan3A_546 : i32 to index
      %swap3A_615 = arith.constant 144 : index
      %swap3A_616 = tpu.vector_load %arg30[%swap3A_614, %swap3A_615] {strides = array<i32>} : memref<64x256xf32, #tpu.memory_space<vmem>>, vector<16xf32>,
      tpu.vector_store %arg30[%swap3A_614, %swap3A_615], %add3A_613 {strides = array<i32>} : memref<64x256xf32, #tpu.memory_space<vmem>>, vector<16xf32>,
      %get3A_617 = arith.index_cast %scan3A_546 : i32 to index
      %get3A_618 = arith.constant 160 : index
      %get3A_619 = tpu.vector_load %arg30[%get3A_617, %get3A_618] {strides = array<i32>} : memref<64x256xf32, #tpu.memory_space<vmem>>, vector<16xf32>,
      %add3A_620 = arith.addf %get3A_619, %get3A_490 : vector<16xf32>
      %swap3A_621 = arith.index_cast %scan3A_546 : i32 to index
      %swap3A_622 = arith.constant 160 : index
      %swap3A_623 = tpu.vector_load %arg30[%swap3A_621, %swap3A_622] {strides = array<i32>} : memref<64x256xf32, #tpu.memory_space<vmem>>, vector<16xf32>,
      tpu.vector_store %arg30[%swap3A_621, %swap3A_622], %add3A_620 {strides = array<i32>} : memref<64x256xf32, #tpu.memory_space<vmem>>, vector<16xf32>,
      %get3A_624 = arith.index_cast %scan3A_546 : i32 to index
      %get3A_625 = arith.constant 176 : index
      %get3A_626 = tpu.vector_load %arg30[%get3A_624, %get3A_625] {strides = array<i32>} : memref<64x256xf32, #tpu.memory_space<vmem>>, vector<16xf32>,
      %add3A_627 = arith.addf %get3A_626, %get3A_494 : vector<16xf32>
      %swap3A_628 = arith.index_cast %scan3A_546 : i32 to index
      %swap3A_629 = arith.constant 176 : index
      %swap3A_630 = tpu.vector_load %arg30[%swap3A_628, %swap3A_629] {strides = array<i32>} : memref<64x256xf32, #tpu.memory_space<vmem>>, vector<16xf32>,
      tpu.vector_store %arg30[%swap3A_628, %swap3A_629], %add3A_627 {strides = array<i32>} : memref<64x256xf32, #tpu.memory_space<vmem>>, vector<16xf32>,
      %get3A_631 = arith.index_cast %scan3A_546 : i32 to index
      %get3A_632 = arith.constant 192 : index
      %get3A_633 = tpu.vector_load %arg30[%get3A_631, %get3A_632] {strides = array<i32>} : memref<64x256xf32, #tpu.memory_space<vmem>>, vector<16xf32>,
      %add3A_634 = arith.addf %get3A_633, %get3A_498 : vector<16xf32>
      %swap3A_635 = arith.index_cast %scan3A_546 : i32 to index
      %swap3A_636 = arith.constant 192 : index
      %swap3A_637 = tpu.vector_load %arg30[%swap3A_635, %swap3A_636] {strides = array<i32>} : memref<64x256xf32, #tpu.memory_space<vmem>>, vector<16xf32>,
      tpu.vector_store %arg30[%swap3A_635, %swap3A_636], %add3A_634 {strides = array<i32>} : memref<64x256xf32, #tpu.memory_space<vmem>>, vector<16xf32>,
      %get3A_638 = arith.index_cast %scan3A_546 : i32 to index
      %get3A_639 = arith.constant 208 : index
      %get3A_640 = tpu.vector_load %arg30[%get3A_638, %get3A_639] {strides = array<i32>} : memref<64x256xf32, #tpu.memory_space<vmem>>, vector<16xf32>,
      %add3A_641 = arith.addf %get3A_640, %get3A_502 : vector<16xf32>
      %swap3A_642 = arith.index_cast %scan3A_546 : i32 to index
      %swap3A_643 = arith.constant 208 : index
      %swap3A_644 = tpu.vector_load %arg30[%swap3A_642, %swap3A_643] {strides = array<i32>} : memref<64x256xf32, #tpu.memory_space<vmem>>, vector<16xf32>,
      tpu.vector_store %arg30[%swap3A_642, %swap3A_643], %add3A_641 {strides = array<i32>} : memref<64x256xf32, #tpu.memory_space<vmem>>, vector<16xf32>,
      %get3A_645 = arith.index_cast %scan3A_546 : i32 to index
      %get3A_646 = arith.constant 224 : index
      %get3A_647 = tpu.vector_load %arg30[%get3A_645, %get3A_646] {strides = array<i32>} : memref<64x256xf32, #tpu.memory_space<vmem>>, vector<16xf32>,
      %add3A_648 = arith.addf %get3A_647, %get3A_506 : vector<16xf32>
      %swap3A_649 = arith.index_cast %scan3A_546 : i32 to index
      %swap3A_650 = arith.constant 224 : index
      %swap3A_651 = tpu.vector_load %arg30[%swap3A_649, %swap3A_650] {strides = array<i32>} : memref<64x256xf32, #tpu.memory_space<vmem>>, vector<16xf32>,
      tpu.vector_store %arg30[%swap3A_649, %swap3A_650], %add3A_648 {strides = array<i32>} : memref<64x256xf32, #tpu.memory_space<vmem>>, vector<16xf32>,
      %get3A_652 = arith.index_cast %scan3A_546 : i32 to index
      %get3A_653 = arith.constant 240 : index
      %get3A_654 = tpu.vector_load %arg30[%get3A_652, %get3A_653] {strides = array<i32>} : memref<64x256xf32, #tpu.memory_space<vmem>>, vector<16xf32>,
      %add3A_655 = arith.addf %get3A_654, %get3A_510 : vector<16xf32>
      %swap3A_656 = arith.index_cast %scan3A_546 : i32 to index
      %swap3A_657 = arith.constant 240 : index
      %swap3A_658 = tpu.vector_load %arg30[%swap3A_656, %swap3A_657] {strides = array<i32>} : memref<64x256xf32, #tpu.memory_space<vmem>>, vector<16xf32>,
      tpu.vector_store %arg30[%swap3A_656, %swap3A_657], %add3A_655 {strides = array<i32>} : memref<64x256xf32, #tpu.memory_space<vmem>>, vector<16xf32>,
    }
    %scan3A_516 = arith.constant 64 : i32
    %mul3A_517 = arith.constant 128 : i32
    %mul3A_518 = arith.muli %add3A, %mul3A_517 : i32
    %mul3A_519 = arith.constant 64 : i32
    %mul3A_520 = arith.muli %select_n3A_30, %mul3A_519 : i32
    %add3A_521 = arith.addi %mul3A_518, %mul3A_520 : i32
    %dma_start3A_522 = arith.constant 0 : i32
    %dma_start3A_523 = tpu.memref_slice %arg11[%add3A_521, %dma_start3A_522] : memref<2048x256xf32, #tpu.memory_space<hbm>> -> memref<64x256xf32, #tpu.memory_space<hbm>>
    %dma_start3A_524 = arith.constant 0 : i32
    %dma_start3A_525 = tpu.memref_slice %arg11[%add3A_521, %dma_start3A_524] : memref<2048x256xf32, #tpu.memory_space<hbm>> -> memref<64x256xf32, #tpu.memory_space<hbm>>
    tpu.enqueue_dma source(%arg30 : memref<64x256xf32, #tpu.memory_space<vmem>>) target(%dma_start3A_525 : memref<64x256xf32, #tpu.memory_space<hbm>>) target_semaphore(%arg38 : memref<!tpu.dma_semaphore, #tpu.memory_space<semaphore_mem>>)
    %dma_start3A_526 = tpu.memref_slice %arg12[%add3A_521] : memref<6144xi32, #tpu.memory_space<hbm>> -> memref<64xi32, #tpu.memory_space<hbm>>
    %dma_start3A_527 = tpu.memref_slice %arg12[%add3A_521] : memref<6144xi32, #tpu.memory_space<hbm>> -> memref<64xi32, #tpu.memory_space<hbm>>
    tpu.enqueue_dma source(%arg34 : memref<64xi32, #tpu.memory_space<vmem>>) target(%dma_start3A_527 : memref<64xi32, #tpu.memory_space<hbm>>) target_semaphore(%arg38 : memref<!tpu.dma_semaphore, #tpu.memory_space<semaphore_mem>>)
    %add3A_528 = arith.constant 2048 : i32
    %add3A_529 = arith.addi %add3A_528, %add3A_521 : i32
    %dma_start3A_530 = tpu.memref_slice %arg12[%add3A_529] : memref<6144xi32, #tpu.memory_space<hbm>> -> memref<64xi32, #tpu.memory_space<hbm>>
    %dma_start3A_531 = tpu.memref_slice %arg12[%add3A_529] : memref<6144xi32, #tpu.memory_space<hbm>> -> memref<64xi32, #tpu.memory_space<hbm>>
    tpu.enqueue_dma source(%arg32 : memref<64xi32, #tpu.memory_space<vmem>>) target(%dma_start3A_531 : memref<64xi32, #tpu.memory_space<hbm>>) target_semaphore(%arg38 : memref<!tpu.dma_semaphore, #tpu.memory_space<semaphore_mem>>)
    %add3A_532 = arith.constant 4096 : i32
    %add3A_533 = arith.addi %add3A_532, %add3A_521 : i32
    %dma_start3A_534 = tpu.memref_slice %arg12[%add3A_533] : memref<6144xi32, #tpu.memory_space<hbm>> -> memref<64xi32, #tpu.memory_space<hbm>>
    %dma_start3A_535 = tpu.memref_slice %arg12[%add3A_533] : memref<6144xi32, #tpu.memory_space<hbm>> -> memref<64xi32, #tpu.memory_space<hbm>>
    tpu.enqueue_dma source(%arg33 : memref<64xi32, #tpu.memory_space<vmem>>) target(%dma_start3A_535 : memref<64xi32, #tpu.memory_space<hbm>>) target_semaphore(%arg38 : memref<!tpu.dma_semaphore, #tpu.memory_space<semaphore_mem>>)
    %dma_wait3A_536 = arith.constant 0 : i32
    %dma_wait3A_537 = tpu.memref_slice %arg11[%add3A_521, %dma_wait3A_536] : memref<2048x256xf32, #tpu.memory_space<hbm>> -> memref<64x256xf32, #tpu.memory_space<hbm>>
    %dma_wait3A_538 = arith.constant 0 : i32
    %dma_wait3A_539 = tpu.memref_slice %arg11[%add3A_521, %dma_wait3A_538] : memref<2048x256xf32, #tpu.memory_space<hbm>> -> memref<64x256xf32, #tpu.memory_space<hbm>>
    tpu.wait_dma2 semaphore(%arg38 : memref<!tpu.dma_semaphore, #tpu.memory_space<semaphore_mem>>) src(%arg30 : memref<64x256xf32, #tpu.memory_space<vmem>>) dst(%dma_wait3A_539 : memref<64x256xf32, #tpu.memory_space<hbm>>)
    %dma_wait3A_540 = tpu.memref_slice %arg12[%add3A_521] : memref<6144xi32, #tpu.memory_space<hbm>> -> memref<64xi32, #tpu.memory_space<hbm>>
    %dma_wait3A_541 = tpu.memref_slice %arg12[%add3A_521] : memref<6144xi32, #tpu.memory_space<hbm>> -> memref<64xi32, #tpu.memory_space<hbm>>
    tpu.wait_dma2 semaphore(%arg38 : memref<!tpu.dma_semaphore, #tpu.memory_space<semaphore_mem>>) src(%arg34 : memref<64xi32, #tpu.memory_space<vmem>>) dst(%dma_wait3A_541 : memref<64xi32, #tpu.memory_space<hbm>>)
    %dma_wait3A_542 = tpu.memref_slice %arg12[%add3A_529] : memref<6144xi32, #tpu.memory_space<hbm>> -> memref<64xi32, #tpu.memory_space<hbm>>
    %dma_wait3A_543 = tpu.memref_slice %arg12[%add3A_529] : memref<6144xi32, #tpu.memory_space<hbm>> -> memref<64xi32, #tpu.memory_space<hbm>>
    tpu.wait_dma2 semaphore(%arg38 : memref<!tpu.dma_semaphore, #tpu.memory_space<semaphore_mem>>) src(%arg32 : memref<64xi32, #tpu.memory_space<vmem>>) dst(%dma_wait3A_543 : memref<64xi32, #tpu.memory_space<hbm>>)
    %dma_wait3A_544 = tpu.memref_slice %arg12[%add3A_533] : memref<6144xi32, #tpu.memory_space<hbm>> -> memref<64xi32, #tpu.memory_space<hbm>>
    %dma_wait3A_545 = tpu.memref_slice %arg12[%add3A_533] : memref<6144xi32, #tpu.memory_space<hbm>> -> memref<64xi32, #tpu.memory_space<hbm>>
    tpu.wait_dma2 semaphore(%arg38 : memref<!tpu.dma_semaphore, #tpu.memory_space<semaphore_mem>>) src(%arg33 : memref<64xi32, #tpu.memory_space<vmem>>) dst(%dma_wait3A_545 : memref<64xi32, #tpu.memory_space<hbm>>)
    return
  }
}

</mosaic_0001>

<sc_bundles>
// kernel: kernel.3.cloned.1.call-start
scs
__scs_entry_jumppad:
0x0: {  	(pc) =	sbr.rel $0x88, $3  }
0x1: {  	(tag) =	ssettag $0x0;
	lr =	simm.s32 $0x1  }
0x2: {  	[smem:$0x3F9E] =	sst lr;
	_ =	strace $0xD0000000  }
0x3: {  	_ = 	snop  }
0x4: {  	_ = 	snop  }
0x5: {  	_ = 	snop  }
0x6: {  	_ = 	snop  }
0x7: {  	_ = 	snop  }
__scs_overlays_trampoline_lowered:
0x8: {  	[smem:$0x3FAD] =	sst s0  }
0x9: {  	[smem:$0x3FAE] =	sst s1  }
0xa: {  	[smem:$0x3FAF] =	sst s2  }
0xb: {  	[smem:$0x3FB0] =	sst s3  }
0xc: {  	[smem:$0x3FB1] =	sst s4  }
0xd: {  	[smem:$0x3FB2] =	sst s5  }
0xe: {  	[smem:$0x3FB3] =	sst s6  }
0xf: {  	[smem:$0x3FB4] =	sst s7  }
0x10: {  	[smem:$0x3FB5] =	sst s8  }
0x11: {  	[smem:$0x3FB6] =	sst s9;
	s0 =	simm.s32 @!p0 $0x0  }
0x12: {  	s1 =	sld [smem:$0x3F9C];
	s0 =	simm.s32 @p0 $0x1  }
0x13: {  	[smem:$0x3FB7] =	sst s0;
	s0 =	simm.s32 @!p1 $0x0  }
0x14: {  	s2 =	sld [smem:$0x3F9B];
	s0 =	simm.s32 @p1 $0x1  }
0x15: {  	[smem:$0x3FB8] =	sst s0;
	s0 =	simm.s32 @!p2 $0x0  }
0x16: {  	s3 =	sld [smem:$0x3FDB];
	s0 =	simm.s32 @p2 $0x1  }
0x17: {  	s4 =	simm.s32 $0x1BF5;
	[smem:$0x3FBA] =	sst s0  }
0x18: {  	s0 =	sld [smem:$0x3F9D];
	_ =	swait.ge [sflag:s4], $0x0  }
0x19: {  	s7 =	sld [smem:$0x3F9E]  }
0x1a: {  	s8 =	sadd.s32 $0xFFFFE003, lr  }
0x1b: {  	s9 =	sadd.s32 $0xFFFFFEF7, lr;
	s5 =	simm.s32 $0xFFFFFFFF;
	p2 =	slt.u32 s8, $0xFFFFF086  }
0x1c: {  	p1 =	slt.u32 s9, $0xF7A;
	s5 =	simm.s32 @!p2 $0x0  }
0x1d: {  	s5 =	simm.s32 @p1 $0x1;
	p0 =	seq.s32 s7, s2  }
0x1e: {  	s7 =	smul.u32 @!p0 $0xF7A, s2;
	p2 =	seq.s32 @!p0 s5, $0x0  }
0x1f: {  	s9 =	smul.u32 $0xF7A, s1;
	s8 =	simm.s32 @!p0 $0x1BF5;
	p2 =	por !p2, p0  }
0x20: {  	[sflag:s8] =	ssyncset.s32 @!p0 $0xFFFFF086;
	s6 =	sadd.s32 @!p0 s3, s7;
	s7 =	simm.s32 @!p0 $0x108  }
0x21: {  	s3 =	sadd.s32 s3, s9;
	s6 =	sadd.s32 @!p0 $0x88, s6;
	s7 =	simm.s32 @p2 $0x1082  }
0x22: {  	[simem:s7], [sflag:s8] =	dma.local @!p0 [hbm:s6], $0xF7A  }
0x23: {  	s9 =	sor.u32 $0xD0000000, s2;
	s6 =	simm.s32 $0x108;
	_ =	swait.ge @!p0 [sflag:s8], $0x0  }
0x24: {  	s3 =	sadd.s32 $0x88, s3;
	s6 =	simm.s32 @!p1 $0x1082;
	[sflag:s4] =	ssyncset.s32 $0xFFFFF086  }
0x25: {  	[simem:s6], [sflag:s4] =	dma.local [hbm:s3], $0xF7A  }
0x26: {  	[smem:$0x3F9E] =	sst s1;
	(tag) =	ssettag s2;
	_ =	strace s9  }
0x27: {  	s1 =	sld [smem:$0x3FAE]  }
0x28: {  	s2 =	sld [smem:$0x3FAF]  }
0x29: {  	s4 =	sld [smem:$0x3FB1]  }
0x2a: {  	p0 =	seq.s32 s5, $0x0;
	s5 =	sld [smem:$0x3FB2]  }
0x2b: {  	s6 =	sld [smem:$0x3FB3]  }
0x2c: {  	s7 =	sld [smem:$0x3FB4]  }
0x2d: {  	s3 =	simm.s32 $0x108;
	s8 =	sld [smem:$0x3FB5]  }
0x2e: {  	s3 =	simm.s32 @!p0 $0x1082;
	s9 =	sld [smem:$0x3FB6]  }
0x2f: {  	lr =	sadd.s32 s0, s3;
	s0 =	sld [smem:$0x3FAD]  }
0x30: {  	s3 =	sld [smem:$0x3FB0]  }
0x31: {  	[smem:$0x3FB9] =	sst s10  }
0x32: {  	s10 =	sld [smem:$0x3FB7];
	_ =	sdelay $0x3  }
0x33: {  	p0 =	seq.s32 s10, $0x1;
	s10 =	sld [smem:$0x3FB9];
	_ =	sdelay $0x3  }
0x34: {  	[smem:$0x3FB9] =	sst s10  }
0x35: {  	s10 =	sld [smem:$0x3FB8];
	_ =	sdelay $0x3  }
0x36: {  	p1 =	seq.s32 s10, $0x1;
	s10 =	sld [smem:$0x3FB9];
	_ =	sdelay $0x3  }
0x37: {  	[smem:$0x3FB9] =	sst s10  }
0x38: {  	s10 =	sld [smem:$0x3FBA]  }
0x39: {  	_ = 	snop;
	(pc) =	sbr.ind lr, $3  }
0x3a: {  	_ = 	snop  }
0x3b: {  	_ = 	snop  }
0x3c: {  	p2 =	seq.s32 s10, $0x1;
	s10 =	sld [smem:$0x3FB9]  }
0x3d: {  	_ =	shalt  }
0x3e: {  	_ =	shalt  }
0x3f: {  	_ =	shalt  }
0x40: {  	_ =	shalt  }
0x41: {  	_ =	shalt  }
0x42: {  	_ =	shalt  }
0x43: {  	_ =	shalt  }
0x44: {  	_ =	shalt  }
0x45: {  	_ =	shalt  }
0x46: {  	_ =	shalt  }
0x47: {  	_ =	shalt  }
0x48: {  	_ =	shalt  }
0x49: {  	_ =	shalt  }
0x4a: {  	_ =	shalt  }
0x4b: {  	_ =	shalt  }
0x4c: {  	_ =	shalt  }
0x4d: {  	_ =	shalt  }
0x4e: {  	_ =	shalt  }
0x4f: {  	_ =	shalt  }
0x50: {  	_ =	shalt  }
0x51: {  	_ =	shalt  }
0x52: {  	_ =	shalt  }
0x53: {  	_ =	shalt  }
0x54: {  	_ =	shalt  }
0x55: {  	_ =	shalt  }
0x56: {  	_ =	shalt  }
0x57: {  	_ =	shalt  }
0x58: {  	_ =	shalt  }
0x59: {  	_ =	shalt  }
0x5a: {  	_ =	shalt  }
0x5b: {  	_ =	shalt  }
0x5c: {  	_ =	shalt  }
0x5d: {  	_ =	shalt  }
0x5e: {  	_ =	shalt  }
0x5f: {  	_ =	shalt  }
0x60: {  	_ =	shalt  }
0x61: {  	_ =	shalt  }
0x62: {  	_ =	shalt  }
0x63: {  	_ =	shalt  }
0x64: {  	_ =	shalt  }
0x65: {  	_ =	shalt  }
0x66: {  	_ =	shalt  }
0x67: {  	_ =	shalt  }
0x68: {  	_ =	shalt  }
0x69: {  	_ =	shalt  }
0x6a: {  	_ =	shalt  }
0x6b: {  	_ =	shalt  }
0x6c: {  	_ =	shalt  }
0x6d: {  	_ =	shalt  }
0x6e: {  	_ =	shalt  }
0x6f: {  	_ =	shalt  }
0x70: {  	_ =	shalt  }
0x71: {  	_ =	shalt  }
0x72: {  	_ =	shalt  }
0x73: {  	_ =	shalt  }
0x74: {  	_ =	shalt  }
0x75: {  	_ =	shalt  }
0x76: {  	_ =	shalt  }
0x77: {  	_ =	shalt  }
0x78: {  	_ =	shalt  }
0x79: {  	_ =	shalt  }
0x7a: {  	_ =	shalt  }
0x7b: {  	_ =	shalt  }
0x7c: {  	_ =	shalt  }
0x7d: {  	_ =	shalt  }
0x7e: {  	_ =	shalt  }
0x7f: {  	_ =	shalt  }
0x80: {  	_ =	shalt  }
0x81: {  	_ =	shalt  }
0x82: {  	_ =	shalt  }
0x83: {  	_ =	shalt  }
0x84: {  	_ =	shalt  }
0x85: {  	_ =	shalt  }
0x86: {  	_ =	shalt  }
0x87: {  	_ =	shalt  }
.Lfunc_end0:
.L_simem_size_0:
called_computation_lowered:
.L_overlay_start_0:
0x88: {  	s2 =	sld [smem:$0x3FD9]  }
0x89: {  	s3 =	sld [smem:$0x3FFE];
	_ =	sdelay $0x1  }
0x8a: {  	s1 =	srdreg.scid  }
0x8b: {  	s0 =	sand.u32 $0x1, s1  }
0x8c: {  	s14 =	sshll.u32 s0, $0xA;
	s2 =	sadd.s32 s3, s2  }
0x8d: {  	s2 =	sadd.s32 s2, s14  }
0x8e: {  	[smem:$0x3FC5] =	sst s2  }
0x8f: {  	_ = 	snop  }
0x90: {  	s2 =	sld [smem:$0x3FD0]  }
0x91: {  	s15 =	sld [smem:$0x3FC9]  }
0x92: {  	s4 =	sld [smem:$0x3FC8]  }
0x93: {  	s6 =	simm.s32 $0xA;
	s7 =	simm.s32 $0x10;
	s5 =	sld [smem:$0x3FC7]  }
0x94: {  	[smem:s7], [sflag:s6] =	dma.local [hbm:s2], $0x1  }
0x95: {  	_ =	swait.eq [sflag:s6], $0x1  }
0x96: {  	[sflag:s6] =	ssyncset.done $0x0  }
0x97: {  	s16 =	sld [smem:$0x10];
	[sflag:s6] =	ssyncadd.s32 $0xFFFFFFFF  }
0x98: {  	s17 =	sld [smem:$0x11];
	(tm) =	ssettm $0x1  }
0x99: {  	s18 =	sld [smem:$0x3FFB];
	_ =	sdelay $0x3  }
0x9a: {  	_ =	strace s18  }
0x9b: {  	s7 =	sld [smem:$0x3FFC];
	_ =	sdelay $0x3  }
0x9c: {  	_ =	strace s7  }
0x9d: {  	s7 =	sld [smem:$0x3FFD];
	_ =	sdelay $0x3  }
0x9e: {  	_ =	strace s7  }
0x9f: {  	_ =	strace $0x8FFFFFFF  }
0xa0: {  	s19 =	sld [smem:$0x3FDB];
	_ =	sdelay $0x1  }
0xa1: {  	s8 =	simm.s32 $_scs_section_size  }
0xa2: {  	s9 =	simm.s32 $_size__tile_overlayer_lowered;
	s10 =	simm.s32 $_tile_overlayer_lowered  }
0xa3: {  	s22 =	simm.s32 $0x1BFF;
	s21 =	sshll.u32 s10, $0x1;
	s7 =	sadd.s32 s8, s19  }
0xa4: {  	s11 =	simm.s32 $0x0;
	s20 =	sshll.u32 s9, $0x1;
	s9 =	sadd.s32 s21, s7  }
0xa5: {  	[timem:s11], [sflag:s22] =	dma.local [hbm:s9], s20  }
0xa6: {  	_ =	swait.ge [sflag:s22], s20  }
0xa7: {  	s8 =	ssub.s32 $0x0, s20;
	[sflag:s22] =	ssyncset.done $0x0  }
0xa8: {  	[sflag:s22] =	ssyncadd.s32 s8;
	_ =	sdelay $0x1  }
0xa9: {  	s23 =	simm.s32 $0x1B8B  }
0xaa: {  	_ =	swait.ge [sflag:s23], $0x1  }
0xab: {  	[sflag:s23] =	ssyncset.done $0x0  }
0xac: {  	s25 =	simm.s32 $0x1B8E;
	s24 =	sld [smem:$0x3FFE];
	[sflag:s23] =	ssyncadd.s32 $0xFFFFFFFF  }
0xad: {  	s26 =	simm.s32 $execute0_lowered;
	[smem:$0x3FD2] =	sst s25  }
0xae: {  	s9 =	sshll.u32 s26, $0x1;
	_ =	strace $0x80000046;
	[dreg:$0x1] =	wrdreg $0xFFFFFFFF  }
0xaf: {  	s28 =	simm.s32 $_size_execute0_lowered;
	s7 =	sadd.s32 s7, s9;
	[dreg:$0x0] =	wrdreg $0x0  }
0xb0: {  	s9 =	sshll.u32 s28, $0x1;
	[dreg:$0x2] =	wrdreg s7  }
0xb1: {  	[dreg:$0x3] =	wrdreg s9  }
0xb2: {  	[dreg:$0x4] =	wrdreg $0xC0  }
0xb3: {  	_ =	task [dreg:s11], $0x5FFFF  }
0xb4: {  	[dreg:$0x1] =	wrdreg $0xFFFFFFFF  }
0xb5: {  	[dreg:$0x0] =	wrdreg $0x60  }
0xb6: {  	[dreg:$0x2] =	wrdreg s15  }
0xb7: {  	[dreg:$0x3] =	wrdreg s4  }
0xb8: {  	[dreg:$0x4] =	wrdreg s5  }
0xb9: {  	[dreg:$0x5] =	wrdreg s17  }
0xba: {  	[dreg:$0x6] =	wrdreg s24  }
0xbb: {  	[dreg:$0x7] =	wrdreg s16  }
0xbc: {  	[dreg:$0x8] =	wrdreg $0x6A800  }
0xbd: {  	[dreg:$0x9] =	wrdreg $0x6B000  }
0xbe: {  	[dreg:$0xa] =	wrdreg $0x6B800  }
0xbf: {  	[dreg:$0xb] =	wrdreg $0x9  }
0xc0: {  	_ =	task.clear_ibuf [dreg:s11], $0xCFFFF;
	_ =	strace $0x90000046  }
0xc1: {  	s29 =	simm.s32 $0x9;
	_ =	strace $0x80000048  }
0xc2: {  	_ =	swait.ge [sflag:s29], $0x1  }
0xc3: {  	[sflag:s29] =	ssyncadd.s32 $0xFFFFFFFF  }
0xc4: {  	_ =	strace $0x90000048  }
0xc5: {  	_ =	sfence  }
0xc6: {  	s30 =	sld [smem:$0x0];
	_ =	sdelay $0x2  }
0xc7: {  	s31 =	sshll.u32 s1, $0xD;
	s1 =	sshrl.u32 s1, $0x2  }
0xc8: {  	s3 =	sand.u32 $0x4000, s31;
	s1 =	sadd.s32 s1, s30  }
0xc9: {  	s0 =	sor.u32 s3, s0;
	s1 =	sshll.u32 s1, $0x11  }
0xca: {  	s0 =	sor.u32 s1, s0  }
0xcb: {  	s0 =	sadd.s32 $0x8F2B, s0  }
0xcc: {  	[sflag:s0] =	ssyncadd.remote.s32 $0x1  }
0xcd: {  	_ =	sfence.sel $0xFFFF  }
0xce: {  	[dreg:$0x0] =	wrdreg $0xFFFFFFFF;
	(pc) =	sbr.abs _section_cstart, $3  }
0xcf: {  	[dreg:$0x1] =	wrdreg $0xFFFFFFFF  }
0xd0: {  	_ =	task.clear_ibuf [dreg:s11], $0x2FFFF;
	_ =	strace $0x9FFFFFFF  }
0xd1: {  	(tm) =	ssettm $0x7FFFFFFF  }
tec
execute0_lowered:
.L_overlay_start_1:
0x0: {  	(tag) =	ssettag $0x1  }
0x1: {  	s0 =	rddreg [dreg:$0x0]  }
0x2: {  	s1 =	rddreg [dreg:$0x1]  }
0x3: {  	s3 =	rddreg [dreg:$0x4]  }
0x4: {  	s4 =	rddreg [dreg:$0x5]  }
0x5: {  	s9 =	rddreg [dreg:$0x6]  }
0x6: {  	s2 =	srdreg.scid;
	s10 =	rddreg [dreg:$0x7]  }
0x7: {  	s19 =	stileid.u32;
	s17 =	rddreg [dreg:$0x8]  }
0x8: {  	s5 =	simm.s32 $0x0;
	s28 =	simm.s32 $0x2200;
	s30 =	simm.s32 $0x2480  }
0x9: {  	s31 =	simm.s32 $0x2500;
	s29 =	simm.s32 $0x2800;
	s8 =	sand.u32 $0x1, s2  }
0xa: {  	s16 =	sshrl.u32 s19, $0x1;
	s15 =	sand.u32 $0x1, s19;
	[smem:$0x7FF] =	sst s5  }
0xb: {  	s7 =	sadd.s32 $0x800, s3;
	s13 =	sshll.u32 s19, $0xA;
	s21 =	sor.u32 $0x1, s19  }
0xc: {  	s2 =	sshll.u32 s8, $0x3;
	_ =	strace $0x80000047;
	s23 =	ssub.s32 $0x2, s8  }
0xd: {  	s14 =	sshll.u32 s15, $0xA;
	s24 =	sand.u32 $0x1800, s13;
	s11 =	sor.u32 s16, s2  }
0xe: {  	s2 =	sshll.u32 s15, $0x6;
	s1 =	sadd.s32 s1, s14;
	s25 =	sshrl.u32 s23, $0x1  }
0xf: {  	s14 =	sshll.u32 s19, $0x7;
	s19 =	sshll.u32 s19, $0x4;
	s6 =	sshll.u32 s11, $0x7  }
0x10: {  	s8 =	sshrl.u32 s11, $0x2;
	s1 =	sadd.s32 s24, s1;
	s22 =	ssub.s32 s23, s25  }
0x11: {  	s20 =	sadd.s32 s14, s9;
	s23 =	sshll.u32 s16, $0x8;
	s24 =	sshll.u32 s21, $0x7  }
0x12: {  	s13 =	sor.u32 $0x30, s2;
	s18 =	sor.u32 s2, s6;
	s6 =	sadd.s32 $0xA00, s3  }
0x13: {  	v0 =	vlaneseq.u32;
	s26 =	sshll.u32 s8, $0xD;
	[dreg:$0xb] =	wrdreg s20;
	s11 =	sadd.s32 s24, s9  }
0x14: {  	s9 =	sadd.s32 s23, s9;
	s25 =	sadd.s32 s23, s10;
	v8 =	vor.u32 s13, v0;
	s13 =	rddreg [dreg:$0x2]  }
0x15: {  	s22 =	smax.u32 s22, $0x1;
	s23 =	simm.s32 $0x2000;
	[dreg:$0xd] =	wrdreg s11  }
0x16: {  	s24 =	simm.s32 $0x2080;
	s12 =	sshrl.u32 s18, $0x3;
	[dreg:$0xe] =	wrdreg s9  }
0x17: {  	s1 =	sadd.s32 s26, s1;
	[dreg:$0xf] =	wrdreg s25;
	s9 =	sshll.u32 s15, $0xB  }
0x18: {  	s26 =	sshll.u32 s16, $0x5;
	s18 =	sshll.u32 s18, $0x5;
	s11 =	sor.u32 $0x10, s2  }
0x19: {  	s25 =	simm.s32 $0x2380;
	s3 =	sadd.s32 s12, s3;
	[dreg:$0xa] =	wrdreg s1  }
0x1a: {  	s1 =	sadd.s32 s14, s10;
	s14 =	sshll.u32 s15, $0x5;
	s15 =	sadd.s32 s19, s17  }
0x1b: {  	s16 =	sadd.s32 s26, s17;
	s18 =	sadd.s32 s4, s18;
	s10 =	sshll.u32 s8, $0xC  }
0x1c: {  	s12 =	sor.u32 $0x20, s2;
	s26 =	simm.s32 $0x2;
	s4 =	simm.s32 $0x2580  }
0x1d: {  	v9 =	vimm.s32 $0x0;
	v2 =	vmov s2;
	v3 =	vor.u32 s2, v0;
	s2 =	simm.s32 $0x0;
	[dreg:$0xc] =	wrdreg s1;
	s1 =	sshll.u32 s21, $0x4  }
0x1e: {  	v10 =	vadd.s32 $0x1, v0;
	v5 =	vmov s8;
	v1 =	vor.u32 s9, v0;
	s19 =	sadd.s32 $0xC00, s3;
	s20 =	sadd.s32 $0xD00, s3;
	s21 =	sadd.s32 $0xE00, s3  }
0x1f: {  	v6 =	vor.u32 s11, v0;
	s3 =	simm.s32 $0x1;
	v4 =	vmov s10;
	v7 =	vor.u32 s12, v0;
	s17 =	sadd.s32 s1, s17;
	s1 =	simm.s32 $0x2300  }
.LBB2_1:
0x20: {  	s8 =	rddreg [dreg:$0xa]  }
0x21: {  	[tilespmem:s5], [sflag:$0x1] =	stream.linear.gather [hbm4b:s8+s5], $0x2000, $0x38;
	[tilespmem:$0x6B90] =	vst v63  }
0x22: {  	s12 =	rddreg [dreg:$0x3]  }
0x23: {  	[tilespmem:s23], [sflag:$0x1] =	stream.linear.gather [hbm4b:s12+s5], $0x80, $0x38;
	[tilespmem:$0x6B90] =	vst v63  }
0x24: {  	_ = 	snop  }
0x25: {  	[tilespmem:s24], [sflag:$0x1] =	stream.linear.gather [hbm4b:s6+s5], $0x80, $0x38;
	[tilespmem:$0x6B90] =	vst v63  }
0x26: {  	s9 =	simm.s32 $0x2100  }
0x27: {  	[tilespmem:s9], [sflag:$0x1] =	stream.linear.gather [hbm4b:s12+s5], $0x80, $0x38;
	[tilespmem:$0x6B90] =	vst v63  }
0x28: {  	s9 =	simm.s32 $0x2180  }
0x29: {  	[tilespmem:s9], [sflag:$0x1] =	stream.linear.gather [hbm4b:s6+s5], $0x80, $0x38;
	[tilespmem:$0x6B90] =	vst v63  }
0x2a: {  	_ = 	snop  }
0x2b: {  	[tilespmem:s28], [sflag:$0x1] =	stream.linear.gather [hbm4b:s7+s5], $0x80, $0x38;
	[tilespmem:$0x6B90] =	vst v63  }
0x2c: {  	s10 =	simm.s32 $0x2280  }
0x2d: {  	[tilespmem:s10], [sflag:$0x1] =	stream.linear.gather [hbm4b:s7+s5], $0x80, $0x38;
	[tilespmem:$0x6B90] =	vst v63  }
0x2e: {  	s11 =	simm.s32 $0x80;
	s12 =	simm.s32 $0x100;
	s10 =	simm.s32 $0x6800  }
0x2f: {  	[tilespmem:s10], [sflag:$0x1] =	stream.strided.gather [hbm4b:s13+s11], $0x100, s12, s11, $0x38;
	[tilespmem:$0x6B90] =	vst v63  }
0x30: {  	_ =	swait.ge [sflag:s3], $0x2000  }
0x31: {  	[sflag:s3] =	ssyncset.done $0x0  }
0x32: {  	[sflag:s3] =	ssyncadd.s32 $0xFFFFE000  }
0x33: {  	_ =	swait.ge [sflag:s3], $0x80  }
0x34: {  	[sflag:s3] =	ssyncset.done $0x0  }
0x35: {  	[sflag:s3] =	ssyncadd.s32 $0xFFFFFF80  }
0x36: {  	_ =	swait.ge [sflag:s3], $0x80  }
0x37: {  	[sflag:s3] =	ssyncset.done $0x0  }
0x38: {  	[sflag:s3] =	ssyncadd.s32 $0xFFFFFF80  }
0x39: {  	_ =	swait.ge [sflag:s3], $0x80  }
0x3a: {  	[sflag:s3] =	ssyncset.done $0x0  }
0x3b: {  	[sflag:s3] =	ssyncadd.s32 $0xFFFFFF80  }
0x3c: {  	_ =	swait.ge [sflag:s3], $0x80  }
0x3d: {  	[sflag:s3] =	ssyncset.done $0x0  }
0x3e: {  	[sflag:s3] =	ssyncadd.s32 $0xFFFFFF80  }
0x3f: {  	_ =	swait.ge [sflag:s3], $0x80  }
0x40: {  	[sflag:s3] =	ssyncset.done $0x0  }
0x41: {  	[sflag:s3] =	ssyncadd.s32 $0xFFFFFF80  }
0x42: {  	_ =	swait.ge [sflag:s3], $0x80  }
0x43: {  	[sflag:s3] =	ssyncset.done $0x0  }
0x44: {  	[sflag:s3] =	ssyncadd.s32 $0xFFFFFF80  }
0x45: {  	_ =	swait.ge [sflag:s3], $0x100  }
0x46: {  	[sflag:s3] =	ssyncset.done $0x0  }
0x47: {  	[sflag:s3] =	ssyncadd.s32 $0xFFFFFF00  }
0x48: {  	v11 =	vld [tilespmem:$0x2100]  }
0x49: {  	v12 =	vld [tilespmem:$0x2110]  }
0x4a: {  	v13 =	vld [tilespmem:$0x2120]  }
0x4b: {  	v14 =	vld [tilespmem:$0x2280]  }
0x4c: {  	v15 =	vld [tilespmem:$0x2290]  }
0x4d: {  	v16 =	vld [tilespmem:$0x22A0]  }
0x4e: {  	v17 =	vld [tilespmem:$0x22B0]  }
0x4f: {  	v18 =	vld [tilespmem:$0x2130]  }
0x50: {  	v19 =	vld [tilespmem:$0x2180]  }
0x51: {  	v20 =	vld [tilespmem:$0x2190]  }
0x52: {  	v21 =	vld [tilespmem:$0x21A0];
	v22 =	vsub.f32 $1.000000000e+00, v14;
	v23 =	vsub.f32 $1.000000000e+00, v15  }
0x53: {  	v31 =	vimm.s32 $0x0;
	s8 =	simm.s32 $0xFFFFFFFC;
	s9 =	simm.s32 $0xF0;
	v24 =	vld [tilespmem:$0x21B0];
	v25 =	vsub.f32 $1.000000000e+00, v16;
	v26 =	vsub.f32 $1.000000000e+00, v17  }
.LBB2_2:
0x54: {  	s10 =	sadd.s32 s8, s14  }
0x55: {  	s11 =	sadd.s32 $0x4, s10  }
0x56: {  	v27 =	vmov s11  }
0x57: {  	v27 =	vand.u32 $0xFFFFFFFC, v27  }
0x58: {  	v27 =	vbroadcast v27, $0x0;
	_ =	sdelay $0x5  }
0x59: {  	v28 =	vld.idx.msk [tilespmem:v27+s23+$0x0], $0xffff;
	_ =	sdelay $0x1  }
0x5a: {  	v29 =	vld.idx.msk [tilespmem:v27+s24+$0x0], $0xffff;
	_ =	sdelay $0x2  }
0x5b: {  	v28 =	vsub.s32 v28, v2  }
0x5c: {  	v30 =	vshll.u32 v28, $0x7  }
0x5d: {  	v28 =	vsub.s32 v29, v2;
	v32 =	vadd.s32 v11, v30  }
0x5e: {  	v29 =	vadd.s32 v19, v30;
	v28 =	vshll.u32 v28, $0x7  }
0x5f: {  	v33 =	vadd.s32 v11, v28;
	_ =	sdelay $0x1  }
0x60: {  	v27 =	vld.idx.msk [tilespmem:v27+s28+$0x0], $0xffff  }
0x61: {  	v34 =	vadd.s32 v19, v28;
	v32 =	vld.idx.msk [tilespmem:v32+s5+$0x0], $0xffff  }
0x62: {  	v35 =	vld.idx.msk [tilespmem:v29+s5+$0x0], $0xffff  }
0x63: {  	v33 =	vld.idx.msk [tilespmem:v33+s5+$0x0], $0xffff;
	_ =	sdelay $0x1  }
0x64: {  	v29 =	vsub.f32 $1.000000000e+00, v27  }
0x65: {  	v34 =	vld.idx.msk [tilespmem:v34+s5+$0x0], $0xffff  }
0x66: {  	v32 =	vmul.f32 v29, v32;
	v35 =	vmul.f32 v35, v29  }
0x67: {  	v33 =	vmul.f32 v33, v27  }
0x68: {  	v32 =	vmul.f32 v32, v22;
	v35 =	vmul.f32 v35, v14;
	_ =	sdelay $0x1  }
0x69: {  	v34 =	vmul.f32 v34, v27;
	v33 =	vmul.f32 v33, v22;
	v32 =	vadd.f32 v35, v32;
	_ =	sdelay $0x1  }
0x6a: {  	v34 =	vmul.f32 v34, v14;
	v32 =	vadd.f32 v33, v32;
	_ =	sdelay $0x1  }
0x6b: {  	v32 =	vadd.f32 v34, v32;
	_ =	sdelay $0x1  }
0x6c: {  	vm1 =	vgt.f32 v32, $5.000000000e-01  }
0x6d: {  	v32 =	vsel vm1, $0x1, v9  }
0x6e: {  	(xrf0) =	vadd.scan.msk.s32 $0xffff, v32;
	_ =	sdelay $0x5  }
0x6f: {  	s12 =	sadd.s32 $0xFFFFFF10, s9;
	v32, _, _ =	vpop (xrf0)  }
0x70: {  	v47 =	vor.u32 s12, v10;
	vm0 =	vmneg vm1;
	v32 =	vadd.s32 v31, v32  }
0x71: {  	v48 =	vadd.s32 $0xFFFFFFFF, v32;
	v33 =	vsub.s32 v47, v32;
	vm7 =	vlt.s32 v32, $0x81  }
0x72: {  	vm2 =	vgt.s32 v48, $0x0;
	v49 =	vadd.s32 $0xFFFFFFFF, v33;
	vm4 =	vlt.s32 v33, $0x81  }
0x73: {  	v34 =	vnsel vm2, $0x0, v48;
	vm3 =	vgt.s32 v49, $0x0;
	vm2 =	vmand vm1, vm7  }
0x74: {  	vm0 =	vmand vm4, vm0;
	v50 =	vmin.u32 v34, $0x7F;
	v51 =	vnsel vm3, $0x0, v49  }
0x75: {  	v33 =	vmin.u32 v51, $0x7F  }
0x76: {  	v52 =	vadd.s32 v12, v30  }
0x77: {  	v53 =	vadd.s32 v20, v30  }
0x78: {  	v36 =	vor.u32 s12, v1;
	v54 =	vadd.s32 v12, v28  }
0x79: {  	[tilespmem:v50+s1+$0x0] =	vst.idx.msk vm2, v36  }
0x7a: {  	[tilespmem:v33+s25+$0x0] =	vst.idx.msk vm0, v36  }
0x7b: {  	v55 =	vadd.s32 v20, v28;
	v33 =	vld.idx.msk [tilespmem:v52+s5+$0x0], $0xffff  }
0x7c: {  	v35 =	vld.idx.msk [tilespmem:v53+s5+$0x0], $0xffff  }
0x7d: {  	v32 =	vld.idx.msk [tilespmem:v54+s5+$0x0], $0xffff;
	_ =	sdelay $0x2  }
0x7e: {  	v34 =	vld.idx.msk [tilespmem:v55+s5+$0x0], $0xffff  }
0x7f: {  	v33 =	vmul.f32 v33, v29;
	v35 =	vmul.f32 v35, v29  }
0x80: {  	v32 =	vmul.f32 v32, v27  }
0x81: {  	v33 =	vmul.f32 v33, v23;
	v35 =	vmul.f32 v35, v15;
	_ =	sdelay $0x1  }
0x82: {  	v34 =	vmul.f32 v34, v27;
	v32 =	vmul.f32 v32, v23;
	v33 =	vadd.f32 v35, v33;
	_ =	sdelay $0x1  }
0x83: {  	v34 =	vmul.f32 v34, v15;
	v32 =	vadd.f32 v32, v33;
	_ =	sdelay $0x1  }
0x84: {  	v32 =	vadd.f32 v34, v32;
	_ =	sdelay $0x1  }
0x85: {  	vm8 =	vgt.f32 v32, $5.000000000e-01  }
0x86: {  	v32 =	vsel vm8, $0x1, v9  }
0x87: {  	(xrf0) =	vadd.scan.msk.s32 $0xffff, v32;
	_ =	sdelay $0x3  }
0x88: {  	v56 =	vmpcnt.ones.xlane vm1;
	_ =	sdelay $0x1  }
0x89: {  	v31 =	vadd.s32 v31, v56;
	v57, _, _ =	vpop (xrf0)  }
0x8a: {  	s12 =	sadd.s32 $0xFFFFFF20, s9;
	v32 =	vadd.s32 v31, v57  }
0x8b: {  	vm9 =	vmneg vm8;
	v58 =	vsub.s32 s12, v32  }
0x8c: {  	v59 =	vadd.s32 $0xFFFFFFFF, v32;
	vm11 =	vlt.s32 v32, $0x81;
	v60 =	vadd.s32 v10, v58  }
0x8d: {  	vm10 =	vgt.s32 v59, $0x0;
	v33 =	vadd.s32 v0, v58;
	vm2 =	vmand vm8, vm11  }
0x8e: {  	v34 =	vnsel vm10, $0x0, v59;
	vm12 =	vgt.s32 v33, $0x0;
	vm13 =	vlt.s32 v60, $0x81  }
0x8f: {  	v61 =	vmin.u32 v34, $0x7F;
	v33 =	vnsel vm12, $0x0, v33;
	vm1 =	vmand vm13, vm9  }
0x90: {  	v33 =	vmin.u32 v33, $0x7F  }
0x91: {  	v62 =	vadd.s32 v13, v30  }
0x92: {  	v63 =	vadd.s32 v21, v30  }
0x93: {  	v40 =	vor.u32 s12, v1;
	v41 =	vadd.s32 v13, v28  }
0x94: {  	[tilespmem:v61+s1+$0x0] =	vst.idx.msk vm2, v40  }
0x95: {  	[tilespmem:v33+s25+$0x0] =	vst.idx.msk vm1, v40  }
0x96: {  	v42 =	vadd.s32 v21, v28;
	v33 =	vld.idx.msk [tilespmem:v62+s5+$0x0], $0xffff  }
0x97: {  	v35 =	vld.idx.msk [tilespmem:v63+s5+$0x0], $0xffff  }
0x98: {  	v32 =	vld.idx.msk [tilespmem:v41+s5+$0x0], $0xffff;
	_ =	sdelay $0x2  }
0x99: {  	v34 =	vld.idx.msk [tilespmem:v42+s5+$0x0], $0xffff  }
0x9a: {  	v33 =	vmul.f32 v33, v29;
	v35 =	vmul.f32 v35, v29  }
0x9b: {  	v32 =	vmul.f32 v32, v27  }
0x9c: {  	v33 =	vmul.f32 v33, v25;
	v35 =	vmul.f32 v35, v16;
	_ =	sdelay $0x1  }
0x9d: {  	v34 =	vmul.f32 v34, v27;
	v32 =	vmul.f32 v32, v25;
	v33 =	vadd.f32 v35, v33;
	_ =	sdelay $0x1  }
0x9e: {  	v34 =	vmul.f32 v34, v16;
	v32 =	vadd.f32 v32, v33;
	_ =	sdelay $0x1  }
0x9f: {  	v32 =	vadd.f32 v34, v32;
	_ =	sdelay $0x1  }
0xa0: {  	vm14 =	vgt.f32 v32, $5.000000000e-01  }
0xa1: {  	v32 =	vsel vm14, $0x1, v9  }
0xa2: {  	(xrf0) =	vadd.scan.msk.s32 $0xffff, v32;
	_ =	sdelay $0x3  }
0xa3: {  	v43 =	vmpcnt.ones.xlane vm8;
	_ =	sdelay $0x1  }
0xa4: {  	v31 =	vadd.s32 v31, v43;
	s12 =	sadd.s32 $0xFFFFFF30, s9;
	v44, _, _ =	vpop (xrf0)  }
0xa5: {  	v45 =	vor.u32 s12, v10;
	vm15 =	vmneg vm14;
	v32 =	vadd.s32 v31, v44  }
0xa6: {  	v46 =	vadd.s32 $0xFFFFFFFF, v32;
	v33 =	vsub.s32 v45, v32;
	vm7 =	vlt.s32 v32, $0x81  }
0xa7: {  	vm6 =	vgt.s32 v46, $0x0;
	v47 =	vadd.s32 $0xFFFFFFFF, v33;
	vm2 =	vmand vm14, vm7  }
0xa8: {  	vm9 =	vlt.s32 v33, $0x81;
	v34 =	vnsel vm6, $0x0, v46;
	vm8 =	vgt.s32 v47, $0x0  }
0xa9: {  	vm0 =	vmand vm9, vm15;
	v48 =	vmin.u32 v34, $0x7F;
	v49 =	vnsel vm8, $0x0, v47  }
0xaa: {  	v33 =	vmin.u32 v49, $0x7F  }
0xab: {  	v50 =	vadd.s32 v18, v30  }
0xac: {  	v30 =	vadd.s32 v24, v30  }
0xad: {  	v52 =	vadd.s32 v18, v28;
	v51 =	vor.u32 s12, v1  }
0xae: {  	[tilespmem:v48+s1+$0x0] =	vst.idx.msk vm2, v51  }
0xaf: {  	[tilespmem:v33+s25+$0x0] =	vst.idx.msk vm0, v51  }
0xb0: {  	v28 =	vadd.s32 v24, v28;
	v33 =	vld.idx.msk [tilespmem:v50+s5+$0x0], $0xffff  }
0xb1: {  	v30 =	vld.idx.msk [tilespmem:v30+s5+$0x0], $0xffff  }
0xb2: {  	v32 =	vld.idx.msk [tilespmem:v52+s5+$0x0], $0xffff;
	_ =	sdelay $0x2  }
0xb3: {  	v28 =	vld.idx.msk [tilespmem:v28+s5+$0x0], $0xffff  }
0xb4: {  	v33 =	vmul.f32 v33, v29;
	v29 =	vmul.f32 v30, v29  }
0xb5: {  	v32 =	vmul.f32 v32, v27  }
0xb6: {  	v30 =	vmul.f32 v33, v26;
	v29 =	vmul.f32 v29, v17;
	_ =	sdelay $0x1  }
0xb7: {  	v27 =	vmul.f32 v28, v27;
	v32 =	vmul.f32 v32, v26;
	v28 =	vadd.f32 v29, v30;
	_ =	sdelay $0x1  }
0xb8: {  	v27 =	vmul.f32 v27, v17;
	v28 =	vadd.f32 v32, v28;
	_ =	sdelay $0x1  }
0xb9: {  	v27 =	vadd.f32 v27, v28;
	_ =	sdelay $0x1  }
0xba: {  	vm10 =	vgt.f32 v27, $5.000000000e-01  }
0xbb: {  	v27 =	vsel vm10, $0x1, v9  }
0xbc: {  	(xrf0) =	vadd.scan.msk.s32 $0xffff, v27;
	_ =	sdelay $0x1  }
0xbd: {  	v27 =	vmpcnt.ones.xlane vm14;
	_ =	sdelay $0x3  }
0xbe: {  	v31 =	vadd.s32 v31, v27;
	v27, _, _ =	vpop (xrf0)  }
0xbf: {  	s11 =	sadd.s32 $0xFFFFFF40, s9;
	vm11 =	vmneg vm10;
	v27 =	vadd.s32 v31, v27  }
0xc0: {  	s12 =	sadd.s32 $0x5, s10;
	v28 =	vadd.s32 $0xFFFFFFFF, v27;
	v29 =	vsub.s32 s11, v27;
	vm14 =	vlt.s32 v27, $0x81  }
0xc1: {  	v27 =	vmov s12;
	vm12 =	vgt.s32 v28, $0x0;
	v30 =	vadd.s32 v10, v29  }
0xc2: {  	v29 =	vadd.s32 v0, v29;
	vm3 =	vmand vm10, vm14;
	v27 =	vand.u32 $0xFFFFFFFD, v27  }
0xc3: {  	v28 =	vnsel vm12, $0x0, v28;
	vm13 =	vgt.s32 v29, $0x0;
	vm15 =	vlt.s32 v30, $0x81  }
0xc4: {  	v28 =	vmin.u32 v28, $0x7F;
	v29 =	vnsel vm13, $0x0, v29;
	vm1 =	vmand vm15, vm11  }
0xc5: {  	v27 =	vbroadcast v27, $0x0;
	v29 =	vmin.u32 v29, $0x7F;
	_ =	sdelay $0x2  }
0xc6: {  	v30 =	vor.u32 s11, v1  }
0xc7: {  	[tilespmem:v28+s1+$0x0] =	vst.idx.msk vm3, v30  }
0xc8: {  	[tilespmem:v29+s25+$0x0] =	vst.idx.msk vm1, v30  }
0xc9: {  	v28 =	vld.idx.msk [tilespmem:v27+s23+$0x0], $0xffff;
	_ =	sdelay $0x1  }
0xca: {  	v29 =	vld.idx.msk [tilespmem:v27+s24+$0x0], $0xffff;
	_ =	sdelay $0x2  }
0xcb: {  	v28 =	vsub.s32 v28, v2  }
0xcc: {  	v30 =	vshll.u32 v28, $0x7  }
0xcd: {  	v28 =	vsub.s32 v29, v2;
	v53 =	vadd.s32 v11, v30  }
0xce: {  	v29 =	vadd.s32 v19, v30;
	v28 =	vshll.u32 v28, $0x7  }
0xcf: {  	v54 =	vadd.s32 v11, v28;
	_ =	sdelay $0x1  }
0xd0: {  	v27 =	vld.idx.msk [tilespmem:v27+s28+$0x0], $0xffff  }
0xd1: {  	v55 =	vadd.s32 v19, v28;
	v32 =	vld.idx.msk [tilespmem:v53+s5+$0x0], $0xffff  }
0xd2: {  	v35 =	vld.idx.msk [tilespmem:v29+s5+$0x0], $0xffff  }
0xd3: {  	v33 =	vld.idx.msk [tilespmem:v54+s5+$0x0], $0xffff;
	_ =	sdelay $0x1  }
0xd4: {  	v29 =	vsub.f32 $1.000000000e+00, v27  }
0xd5: {  	v34 =	vld.idx.msk [tilespmem:v55+s5+$0x0], $0xffff  }
0xd6: {  	v32 =	vmul.f32 v29, v32;
	v35 =	vmul.f32 v35, v29  }
0xd7: {  	v33 =	vmul.f32 v33, v27  }
0xd8: {  	v32 =	vmul.f32 v32, v22;
	v35 =	vmul.f32 v35, v14;
	_ =	sdelay $0x1  }
0xd9: {  	v34 =	vmul.f32 v34, v27;
	v33 =	vmul.f32 v33, v22;
	v32 =	vadd.f32 v35, v32;
	_ =	sdelay $0x1  }
0xda: {  	v34 =	vmul.f32 v34, v14;
	v32 =	vadd.f32 v33, v32;
	_ =	sdelay $0x1  }
0xdb: {  	v32 =	vadd.f32 v34, v32;
	_ =	sdelay $0x1  }
0xdc: {  	vm8 =	vgt.f32 v32, $5.000000000e-01  }
0xdd: {  	v32 =	vsel vm8, $0x1, v9  }
0xde: {  	(xrf0) =	vadd.scan.msk.s32 $0xffff, v32;
	_ =	sdelay $0x3  }
0xdf: {  	v56 =	vmpcnt.ones.xlane vm10;
	_ =	sdelay $0x1  }
0xe0: {  	v31 =	vadd.s32 v31, v56;
	s12 =	sadd.s32 $0xFFFFFF50, s9;
	v57, _, _ =	vpop (xrf0)  }
0xe1: {  	v58 =	vor.u32 s12, v10;
	vm9 =	vmneg vm8;
	v32 =	vadd.s32 v31, v57  }
0xe2: {  	v59 =	vadd.s32 $0xFFFFFFFF, v32;
	v33 =	vsub.s32 v58, v32;
	vm11 =	vlt.s32 v32, $0x81  }
0xe3: {  	vm10 =	vgt.s32 v59, $0x0;
	v60 =	vadd.s32 $0xFFFFFFFF, v33;
	vm2 =	vmand vm8, vm11  }
0xe4: {  	vm13 =	vlt.s32 v33, $0x81;
	v34 =	vnsel vm10, $0x0, v59;
	vm12 =	vgt.s32 v60, $0x0  }
0xe5: {  	vm0 =	vmand vm13, vm9;
	v61 =	vmin.u32 v34, $0x7F;
	v62 =	vnsel vm12, $0x0, v60  }
0xe6: {  	v33 =	vmin.u32 v62, $0x7F  }
0xe7: {  	v63 =	vadd.s32 v12, v30  }
0xe8: {  	v40 =	vadd.s32 v20, v30  }
0xe9: {  	v41 =	vor.u32 s12, v1;
	v42 =	vadd.s32 v12, v28  }
0xea: {  	[tilespmem:v61+s1+$0x0] =	vst.idx.msk vm2, v41  }
0xeb: {  	[tilespmem:v33+s25+$0x0] =	vst.idx.msk vm0, v41  }
0xec: {  	v43 =	vadd.s32 v20, v28;
	v33 =	vld.idx.msk [tilespmem:v63+s5+$0x0], $0xffff  }
0xed: {  	v35 =	vld.idx.msk [tilespmem:v40+s5+$0x0], $0xffff  }
0xee: {  	v32 =	vld.idx.msk [tilespmem:v42+s5+$0x0], $0xffff;
	_ =	sdelay $0x2  }
0xef: {  	v34 =	vld.idx.msk [tilespmem:v43+s5+$0x0], $0xffff  }
0xf0: {  	v33 =	vmul.f32 v33, v29;
	v35 =	vmul.f32 v35, v29  }
0xf1: {  	v32 =	vmul.f32 v32, v27  }
0xf2: {  	v33 =	vmul.f32 v33, v23;
	v35 =	vmul.f32 v35, v15;
	_ =	sdelay $0x1  }
0xf3: {  	v34 =	vmul.f32 v34, v27;
	v32 =	vmul.f32 v32, v23;
	v33 =	vadd.f32 v35, v33;
	_ =	sdelay $0x1  }
0xf4: {  	v34 =	vmul.f32 v34, v15;
	v32 =	vadd.f32 v32, v33;
	_ =	sdelay $0x1  }
0xf5: {  	v32 =	vadd.f32 v34, v32;
	_ =	sdelay $0x1  }
0xf6: {  	vm14 =	vgt.f32 v32, $5.000000000e-01  }
0xf7: {  	v32 =	vsel vm14, $0x1, v9  }
0xf8: {  	(xrf0) =	vadd.scan.msk.s32 $0xffff, v32;
	_ =	sdelay $0x3  }
0xf9: {  	v44 =	vmpcnt.ones.xlane vm8;
	_ =	sdelay $0x1  }
0xfa: {  	v31 =	vadd.s32 v31, v44;
	v45, _, _ =	vpop (xrf0)  }
0xfb: {  	s12 =	sadd.s32 $0xFFFFFF60, s9;
	v32 =	vadd.s32 v31, v45  }
0xfc: {  	vm15 =	vmneg vm14;
	v46 =	vsub.s32 s12, v32  }
0xfd: {  	v47 =	vadd.s32 $0xFFFFFFFF, v32;
	vm7 =	vlt.s32 v32, $0x81;
	v48 =	vadd.s32 v10, v46  }
0xfe: {  	vm6 =	vgt.s32 v47, $0x0;
	v33 =	vadd.s32 v0, v46;
	vm2 =	vmand vm14, vm7  }
0xff: {  	v34 =	vnsel vm6, $0x0, v47;
	vm8 =	vgt.s32 v33, $0x0;
	vm9 =	vlt.s32 v48, $0x81  }
0x100: {  	v49 =	vmin.u32 v34, $0x7F;
	v33 =	vnsel vm8, $0x0, v33;
	vm1 =	vmand vm9, vm15  }
0x101: {  	v33 =	vmin.u32 v33, $0x7F  }
0x102: {  	v50 =	vadd.s32 v13, v30  }
0x103: {  	v51 =	vadd.s32 v21, v30  }
0x104: {  	v52 =	vor.u32 s12, v1;
	v53 =	vadd.s32 v13, v28  }
0x105: {  	[tilespmem:v49+s1+$0x0] =	vst.idx.msk vm2, v52  }
0x106: {  	[tilespmem:v33+s25+$0x0] =	vst.idx.msk vm1, v52  }
0x107: {  	v54 =	vadd.s32 v21, v28;
	v33 =	vld.idx.msk [tilespmem:v50+s5+$0x0], $0xffff  }
0x108: {  	v35 =	vld.idx.msk [tilespmem:v51+s5+$0x0], $0xffff  }
0x109: {  	v32 =	vld.idx.msk [tilespmem:v53+s5+$0x0], $0xffff;
	_ =	sdelay $0x2  }
0x10a: {  	v34 =	vld.idx.msk [tilespmem:v54+s5+$0x0], $0xffff  }
0x10b: {  	v33 =	vmul.f32 v33, v29;
	v35 =	vmul.f32 v35, v29  }
0x10c: {  	v32 =	vmul.f32 v32, v27  }
0x10d: {  	v33 =	vmul.f32 v33, v25;
	v35 =	vmul.f32 v35, v16;
	_ =	sdelay $0x1  }
0x10e: {  	v34 =	vmul.f32 v34, v27;
	v32 =	vmul.f32 v32, v25;
	v33 =	vadd.f32 v35, v33;
	_ =	sdelay $0x1  }
0x10f: {  	v34 =	vmul.f32 v34, v16;
	v32 =	vadd.f32 v32, v33;
	_ =	sdelay $0x1  }
0x110: {  	v32 =	vadd.f32 v34, v32;
	_ =	sdelay $0x1  }
0x111: {  	vm10 =	vgt.f32 v32, $5.000000000e-01  }
0x112: {  	v32 =	vsel vm10, $0x1, v9  }
0x113: {  	(xrf0) =	vadd.scan.msk.s32 $0xffff, v32;
	_ =	sdelay $0x3  }
0x114: {  	v55 =	vmpcnt.ones.xlane vm14;
	_ =	sdelay $0x1  }
0x115: {  	v31 =	vadd.s32 v31, v55;
	s12 =	sadd.s32 $0xFFFFFF70, s9;
	v56, _, _ =	vpop (xrf0)  }
0x116: {  	v57 =	vor.u32 s12, v10;
	vm11 =	vmneg vm10;
	v32 =	vadd.s32 v31, v56  }
0x117: {  	v58 =	vadd.s32 $0xFFFFFFFF, v32;
	v33 =	vsub.s32 v57, v32;
	vm13 =	vlt.s32 v32, $0x81  }
0x118: {  	vm12 =	vgt.s32 v58, $0x0;
	v59 =	vadd.s32 $0xFFFFFFFF, v33;
	vm2 =	vmand vm10, vm13  }
0x119: {  	vm15 =	vlt.s32 v33, $0x81;
	v34 =	vnsel vm12, $0x0, v58;
	vm14 =	vgt.s32 v59, $0x0  }
0x11a: {  	vm0 =	vmand vm15, vm11;
	v60 =	vmin.u32 v34, $0x7F;
	v61 =	vnsel vm14, $0x0, v59  }
0x11b: {  	v33 =	vmin.u32 v61, $0x7F  }
0x11c: {  	v62 =	vadd.s32 v18, v30  }
0x11d: {  	v30 =	vadd.s32 v24, v30  }
0x11e: {  	v36 =	vadd.s32 v18, v28;
	v63 =	vor.u32 s12, v1  }
0x11f: {  	[tilespmem:v60+s1+$0x0] =	vst.idx.msk vm2, v63  }
0x120: {  	[tilespmem:v33+s25+$0x0] =	vst.idx.msk vm0, v63  }
0x121: {  	v28 =	vadd.s32 v24, v28;
	v33 =	vld.idx.msk [tilespmem:v62+s5+$0x0], $0xffff  }
0x122: {  	v30 =	vld.idx.msk [tilespmem:v30+s5+$0x0], $0xffff  }
0x123: {  	v32 =	vld.idx.msk [tilespmem:v36+s5+$0x0], $0xffff;
	_ =	sdelay $0x2  }
0x124: {  	v28 =	vld.idx.msk [tilespmem:v28+s5+$0x0], $0xffff  }
0x125: {  	v33 =	vmul.f32 v33, v29;
	v29 =	vmul.f32 v30, v29  }
0x126: {  	v32 =	vmul.f32 v32, v27  }
0x127: {  	v30 =	vmul.f32 v33, v26;
	v29 =	vmul.f32 v29, v17;
	_ =	sdelay $0x1  }
0x128: {  	v27 =	vmul.f32 v28, v27;
	v32 =	vmul.f32 v32, v26;
	v28 =	vadd.f32 v29, v30;
	_ =	sdelay $0x1  }
0x129: {  	v27 =	vmul.f32 v27, v17;
	v28 =	vadd.f32 v32, v28;
	_ =	sdelay $0x1  }
0x12a: {  	v27 =	vadd.f32 v27, v28;
	_ =	sdelay $0x1  }
0x12b: {  	vm8 =	vgt.f32 v27, $5.000000000e-01  }
0x12c: {  	v27 =	vsel vm8, $0x1, v9  }
0x12d: {  	(xrf0) =	vadd.scan.msk.s32 $0xffff, v27;
	_ =	sdelay $0x1  }
0x12e: {  	v27 =	vmpcnt.ones.xlane vm10;
	_ =	sdelay $0x3  }
0x12f: {  	s12 =	sadd.s32 $0x6, s10;
	v31 =	vadd.s32 v31, v27;
	v27, _, _ =	vpop (xrf0)  }
0x130: {  	v29 =	vmov s12;
	v27 =	vadd.s32 v31, v27  }
0x131: {  	s11 =	sadd.s32 $0xFFFFFF80, s9;
	v29 =	vand.u32 $0xFFFFFFFE, v29;
	vm10 =	vmneg vm8;
	v28 =	vadd.s32 $0xFFFFFFFF, v27  }
0x132: {  	v30 =	vsub.s32 s11, v27;
	vm11 =	vlt.s32 v27, $0x81;
	vm9 =	vgt.s32 v28, $0x0  }
0x133: {  	v37 =	vadd.s32 v10, v30;
	v30 =	vadd.s32 v0, v30;
	vm1 =	vmand vm8, vm11  }
0x134: {  	v28 =	vnsel vm9, $0x0, v28;
	vm12 =	vgt.s32 v30, $0x0;
	vm13 =	vlt.s32 v37, $0x81  }
0x135: {  	v28 =	vmin.u32 v28, $0x7F;
	v27 =	vnsel vm12, $0x0, v30;
	vm2 =	vmand vm13, vm10  }
0x136: {  	v29 =	vbroadcast v29, $0x0;
	v27 =	vmin.u32 v27, $0x7F;
	_ =	sdelay $0x2  }
0x137: {  	v30 =	vor.u32 s11, v1  }
0x138: {  	[tilespmem:v28+s1+$0x0] =	vst.idx.msk vm1, v30  }
0x139: {  	[tilespmem:v27+s25+$0x0] =	vst.idx.msk vm2, v30  }
0x13a: {  	v27 =	vld.idx.msk [tilespmem:v29+s23+$0x0], $0xffff;
	_ =	sdelay $0x1  }
0x13b: {  	v28 =	vld.idx.msk [tilespmem:v29+s24+$0x0], $0xffff;
	_ =	sdelay $0x2  }
0x13c: {  	v27 =	vsub.s32 v27, v2  }
0x13d: {  	v30 =	vshll.u32 v27, $0x7  }
0x13e: {  	v27 =	vsub.s32 v28, v2;
	v38 =	vadd.s32 v11, v30  }
0x13f: {  	v39 =	vadd.s32 v19, v30;
	v28 =	vshll.u32 v27, $0x7  }
0x140: {  	v40 =	vadd.s32 v11, v28;
	_ =	sdelay $0x1  }
0x141: {  	v27 =	vld.idx.msk [tilespmem:v29+s28+$0x0], $0xffff  }
0x142: {  	v41 =	vadd.s32 v19, v28;
	v32 =	vld.idx.msk [tilespmem:v38+s5+$0x0], $0xffff  }
0x143: {  	v33 =	vld.idx.msk [tilespmem:v39+s5+$0x0], $0xffff  }
0x144: {  	v34 =	vld.idx.msk [tilespmem:v40+s5+$0x0], $0xffff;
	_ =	sdelay $0x1  }
0x145: {  	v29 =	vsub.f32 $1.000000000e+00, v27  }
0x146: {  	v35 =	vld.idx.msk [tilespmem:v41+s5+$0x0], $0xffff  }
0x147: {  	v32 =	vmul.f32 v29, v32;
	v33 =	vmul.f32 v33, v29  }
0x148: {  	v34 =	vmul.f32 v34, v27  }
0x149: {  	v32 =	vmul.f32 v32, v22;
	v33 =	vmul.f32 v33, v14;
	_ =	sdelay $0x1  }
0x14a: {  	v35 =	vmul.f32 v35, v27;
	v34 =	vmul.f32 v34, v22;
	v32 =	vadd.f32 v33, v32;
	_ =	sdelay $0x1  }
0x14b: {  	v42 =	vmul.f32 v35, v14;
	v32 =	vadd.f32 v34, v32;
	_ =	sdelay $0x1  }
0x14c: {  	v32 =	vadd.f32 v42, v32;
	_ =	sdelay $0x1  }
0x14d: {  	vm14 =	vgt.f32 v32, $5.000000000e-01  }
0x14e: {  	v32 =	vsel vm14, $0x1, v9  }
0x14f: {  	(xrf0) =	vadd.scan.msk.s32 $0xffff, v32;
	_ =	sdelay $0x3  }
0x150: {  	v43 =	vmpcnt.ones.xlane vm8;
	_ =	sdelay $0x1  }
0x151: {  	s12 =	sadd.s32 $0xFFFFFF90, s9;
	v31 =	vadd.s32 v31, v43;
	v44, _, _ =	vpop (xrf0)  }
0x152: {  	v45 =	vor.u32 s12, v10;
	vm15 =	vmneg vm14;
	v32 =	vadd.s32 v31, v44  }
0x153: {  	v46 =	vadd.s32 $0xFFFFFFFF, v32;
	v33 =	vsub.s32 v45, v32;
	vm7 =	vlt.s32 v32, $0x81  }
0x154: {  	vm6 =	vgt.s32 v46, $0x0;
	v47 =	vadd.s32 $0xFFFFFFFF, v33;
	vm2 =	vmand vm14, vm7  }
0x155: {  	vm9 =	vlt.s32 v33, $0x81;
	v34 =	vnsel vm6, $0x0, v46;
	vm8 =	vgt.s32 v47, $0x0  }
0x156: {  	vm0 =	vmand vm9, vm15;
	v48 =	vmin.u32 v34, $0x7F;
	v49 =	vnsel vm8, $0x0, v47  }
0x157: {  	v33 =	vmin.u32 v49, $0x7F  }
0x158: {  	v50 =	vadd.s32 v12, v30  }
0x159: {  	v51 =	vadd.s32 v20, v30  }
0x15a: {  	v52 =	vor.u32 s12, v1;
	v53 =	vadd.s32 v12, v28  }
0x15b: {  	[tilespmem:v48+s1+$0x0] =	vst.idx.msk vm2, v52  }
0x15c: {  	[tilespmem:v33+s25+$0x0] =	vst.idx.msk vm0, v52  }
0x15d: {  	v54 =	vadd.s32 v20, v28;
	v33 =	vld.idx.msk [tilespmem:v50+s5+$0x0], $0xffff  }
0x15e: {  	v35 =	vld.idx.msk [tilespmem:v51+s5+$0x0], $0xffff  }
0x15f: {  	v32 =	vld.idx.msk [tilespmem:v53+s5+$0x0], $0xffff;
	_ =	sdelay $0x2  }
0x160: {  	v34 =	vld.idx.msk [tilespmem:v54+s5+$0x0], $0xffff  }
0x161: {  	v33 =	vmul.f32 v33, v29;
	v35 =	vmul.f32 v35, v29  }
0x162: {  	v32 =	vmul.f32 v32, v27  }
0x163: {  	v33 =	vmul.f32 v33, v23;
	v35 =	vmul.f32 v35, v15;
	_ =	sdelay $0x1  }
0x164: {  	v34 =	vmul.f32 v34, v27;
	v32 =	vmul.f32 v32, v23;
	v33 =	vadd.f32 v35, v33;
	_ =	sdelay $0x1  }
0x165: {  	v34 =	vmul.f32 v34, v15;
	v32 =	vadd.f32 v32, v33;
	_ =	sdelay $0x1  }
0x166: {  	v32 =	vadd.f32 v34, v32;
	_ =	sdelay $0x1  }
0x167: {  	vm10 =	vgt.f32 v32, $5.000000000e-01  }
0x168: {  	v32 =	vsel vm10, $0x1, v9  }
0x169: {  	(xrf0) =	vadd.scan.msk.s32 $0xffff, v32;
	_ =	sdelay $0x3  }
0x16a: {  	v55 =	vmpcnt.ones.xlane vm14;
	_ =	sdelay $0x1  }
0x16b: {  	v31 =	vadd.s32 v31, v55;
	v56, _, _ =	vpop (xrf0)  }
0x16c: {  	s12 =	sadd.s32 $0xFFFFFFA0, s9;
	v32 =	vadd.s32 v31, v56  }
0x16d: {  	vm11 =	vmneg vm10;
	v57 =	vsub.s32 s12, v32  }
0x16e: {  	v58 =	vadd.s32 $0xFFFFFFFF, v32;
	vm13 =	vlt.s32 v32, $0x81;
	v59 =	vadd.s32 v10, v57  }
0x16f: {  	vm12 =	vgt.s32 v58, $0x0;
	v33 =	vadd.s32 v0, v57;
	vm2 =	vmand vm10, vm13  }
0x170: {  	v34 =	vnsel vm12, $0x0, v58;
	vm14 =	vgt.s32 v33, $0x0;
	vm15 =	vlt.s32 v59, $0x81  }
0x171: {  	v60 =	vmin.u32 v34, $0x7F;
	v33 =	vnsel vm14, $0x0, v33;
	vm1 =	vmand vm15, vm11  }
0x172: {  	v33 =	vmin.u32 v33, $0x7F  }
0x173: {  	v61 =	vadd.s32 v13, v30  }
0x174: {  	v62 =	vadd.s32 v21, v30  }
0x175: {  	v63 =	vor.u32 s12, v1;
	v38 =	vadd.s32 v13, v28  }
0x176: {  	[tilespmem:v60+s1+$0x0] =	vst.idx.msk vm2, v63  }
0x177: {  	[tilespmem:v33+s25+$0x0] =	vst.idx.msk vm1, v63  }
0x178: {  	v39 =	vadd.s32 v21, v28;
	v33 =	vld.idx.msk [tilespmem:v61+s5+$0x0], $0xffff  }
0x179: {  	v35 =	vld.idx.msk [tilespmem:v62+s5+$0x0], $0xffff  }
0x17a: {  	v32 =	vld.idx.msk [tilespmem:v38+s5+$0x0], $0xffff;
	_ =	sdelay $0x2  }
0x17b: {  	v34 =	vld.idx.msk [tilespmem:v39+s5+$0x0], $0xffff  }
0x17c: {  	v33 =	vmul.f32 v33, v29;
	v35 =	vmul.f32 v35, v29  }
0x17d: {  	v32 =	vmul.f32 v32, v27  }
0x17e: {  	v33 =	vmul.f32 v33, v25;
	v35 =	vmul.f32 v35, v16;
	_ =	sdelay $0x1  }
0x17f: {  	v34 =	vmul.f32 v34, v27;
	v32 =	vmul.f32 v32, v25;
	v33 =	vadd.f32 v35, v33;
	_ =	sdelay $0x1  }
0x180: {  	v34 =	vmul.f32 v34, v16;
	v32 =	vadd.f32 v32, v33;
	_ =	sdelay $0x1  }
0x181: {  	v32 =	vadd.f32 v34, v32;
	_ =	sdelay $0x1  }
0x182: {  	vm8 =	vgt.f32 v32, $5.000000000e-01  }
0x183: {  	v32 =	vsel vm8, $0x1, v9  }
0x184: {  	(xrf0) =	vadd.scan.msk.s32 $0xffff, v32;
	_ =	sdelay $0x3  }
0x185: {  	v40 =	vmpcnt.ones.xlane vm10;
	_ =	sdelay $0x1  }
0x186: {  	v31 =	vadd.s32 v31, v40;
	s12 =	sadd.s32 $0xFFFFFFB0, s9;
	v41, _, _ =	vpop (xrf0)  }
0x187: {  	v42 =	vor.u32 s12, v10;
	vm9 =	vmneg vm8;
	v32 =	vadd.s32 v31, v41  }
0x188: {  	v43 =	vadd.s32 $0xFFFFFFFF, v32;
	v33 =	vsub.s32 v42, v32;
	vm11 =	vlt.s32 v32, $0x81  }
0x189: {  	vm10 =	vgt.s32 v43, $0x0;
	v44 =	vadd.s32 $0xFFFFFFFF, v33;
	vm2 =	vmand vm8, vm11  }
0x18a: {  	vm13 =	vlt.s32 v33, $0x81;
	v34 =	vnsel vm10, $0x0, v43;
	vm12 =	vgt.s32 v44, $0x0  }
0x18b: {  	vm0 =	vmand vm13, vm9;
	v45 =	vmin.u32 v34, $0x7F;
	v46 =	vnsel vm12, $0x0, v44  }
0x18c: {  	v33 =	vmin.u32 v46, $0x7F  }
0x18d: {  	v47 =	vadd.s32 v18, v30  }
0x18e: {  	v30 =	vadd.s32 v24, v30  }
0x18f: {  	v49 =	vadd.s32 v18, v28;
	v48 =	vor.u32 s12, v1  }
0x190: {  	[tilespmem:v45+s1+$0x0] =	vst.idx.msk vm2, v48  }
0x191: {  	[tilespmem:v33+s25+$0x0] =	vst.idx.msk vm0, v48  }
0x192: {  	v28 =	vadd.s32 v24, v28;
	v33 =	vld.idx.msk [tilespmem:v47+s5+$0x0], $0xffff  }
0x193: {  	v30 =	vld.idx.msk [tilespmem:v30+s5+$0x0], $0xffff  }
0x194: {  	v32 =	vld.idx.msk [tilespmem:v49+s5+$0x0], $0xffff;
	_ =	sdelay $0x2  }
0x195: {  	v28 =	vld.idx.msk [tilespmem:v28+s5+$0x0], $0xffff  }
0x196: {  	v33 =	vmul.f32 v33, v29;
	v29 =	vmul.f32 v30, v29  }
0x197: {  	v32 =	vmul.f32 v32, v27  }
0x198: {  	v30 =	vmul.f32 v33, v26;
	v29 =	vmul.f32 v29, v17;
	_ =	sdelay $0x1  }
0x199: {  	v27 =	vmul.f32 v28, v27;
	v32 =	vmul.f32 v32, v26;
	v28 =	vadd.f32 v29, v30;
	_ =	sdelay $0x1  }
0x19a: {  	v27 =	vmul.f32 v27, v17;
	v28 =	vadd.f32 v32, v28;
	_ =	sdelay $0x1  }
0x19b: {  	v27 =	vadd.f32 v27, v28;
	_ =	sdelay $0x1  }
0x19c: {  	vm14 =	vgt.f32 v27, $5.000000000e-01  }
0x19d: {  	v27 =	vsel vm14, $0x1, v9  }
0x19e: {  	(xrf0) =	vadd.scan.msk.s32 $0xffff, v27;
	_ =	sdelay $0x1  }
0x19f: {  	v27 =	vmpcnt.ones.xlane vm8;
	_ =	sdelay $0x3  }
0x1a0: {  	v31 =	vadd.s32 v31, v27;
	v27, _, _ =	vpop (xrf0)  }
0x1a1: {  	s12 =	sadd.s32 $0xFFFFFFC0, s9;
	v27 =	vadd.s32 v31, v27  }
0x1a2: {  	vm15 =	vmneg vm14;
	v28 =	vsub.s32 s12, v27  }
0x1a3: {  	v29 =	vadd.s32 $0xFFFFFFFF, v27;
	vm7 =	vlt.s32 v27, $0x81;
	v30 =	vadd.s32 v10, v28  }
0x1a4: {  	vm6 =	vgt.s32 v29, $0x0;
	v28 =	vadd.s32 v0, v28;
	vm2 =	vmand vm14, vm7  }
0x1a5: {  	v29 =	vnsel vm6, $0x0, v29;
	vm8 =	vgt.s32 v28, $0x0;
	vm9 =	vlt.s32 v30, $0x81  }
0x1a6: {  	v27 =	vmin.u32 v29, $0x7F;
	v28 =	vnsel vm8, $0x0, v28;
	vm1 =	vmand vm9, vm15  }
0x1a7: {  	s10 =	sadd.s32 $0x7, s10;
	v28 =	vmin.u32 v28, $0x7F  }
0x1a8: {  	v29 =	vmov s10;
	_ =	sdelay $0x1  }
0x1a9: {  	v30 =	vor.u32 s12, v1  }
0x1aa: {  	[tilespmem:v27+s1+$0x0] =	vst.idx.msk vm2, v30  }
0x1ab: {  	[tilespmem:v28+s25+$0x0] =	vst.idx.msk vm1, v30  }
0x1ac: {  	v27 =	vld.idx.msk [tilespmem:v29+s23+$0x0], $0xffff;
	_ =	sdelay $0x1  }
0x1ad: {  	v28 =	vld.idx.msk [tilespmem:v29+s24+$0x0], $0xffff;
	_ =	sdelay $0x2  }
0x1ae: {  	v27 =	vsub.s32 v27, v2  }
0x1af: {  	v30 =	vshll.u32 v27, $0x7  }
0x1b0: {  	v27 =	vsub.s32 v28, v2;
	v50 =	vadd.s32 v11, v30  }
0x1b1: {  	v51 =	vadd.s32 v19, v30;
	v28 =	vshll.u32 v27, $0x7  }
0x1b2: {  	v52 =	vadd.s32 v11, v28;
	_ =	sdelay $0x1  }
0x1b3: {  	v27 =	vld.idx.msk [tilespmem:v29+s28+$0x0], $0xffff  }
0x1b4: {  	v53 =	vadd.s32 v19, v28;
	v32 =	vld.idx.msk [tilespmem:v50+s5+$0x0], $0xffff  }
0x1b5: {  	v33 =	vld.idx.msk [tilespmem:v51+s5+$0x0], $0xffff  }
0x1b6: {  	v34 =	vld.idx.msk [tilespmem:v52+s5+$0x0], $0xffff;
	_ =	sdelay $0x1  }
0x1b7: {  	v29 =	vsub.f32 $1.000000000e+00, v27  }
0x1b8: {  	v35 =	vld.idx.msk [tilespmem:v53+s5+$0x0], $0xffff  }
0x1b9: {  	v32 =	vmul.f32 v29, v32;
	v33 =	vmul.f32 v33, v29  }
0x1ba: {  	v34 =	vmul.f32 v34, v27  }
0x1bb: {  	v32 =	vmul.f32 v32, v22;
	v33 =	vmul.f32 v33, v14;
	_ =	sdelay $0x1  }
0x1bc: {  	v35 =	vmul.f32 v35, v27;
	v34 =	vmul.f32 v34, v22;
	v32 =	vadd.f32 v33, v32;
	_ =	sdelay $0x1  }
0x1bd: {  	v54 =	vmul.f32 v35, v14;
	v32 =	vadd.f32 v34, v32;
	_ =	sdelay $0x1  }
0x1be: {  	v32 =	vadd.f32 v54, v32;
	_ =	sdelay $0x1  }
0x1bf: {  	vm10 =	vgt.f32 v32, $5.000000000e-01  }
0x1c0: {  	v32 =	vsel vm10, $0x1, v9  }
0x1c1: {  	(xrf0) =	vadd.scan.msk.s32 $0xffff, v32;
	_ =	sdelay $0x3  }
0x1c2: {  	v55 =	vmpcnt.ones.xlane vm14;
	_ =	sdelay $0x1  }
0x1c3: {  	v31 =	vadd.s32 v31, v55;
	s12 =	sadd.s32 $0xFFFFFFD0, s9;
	v56, _, _ =	vpop (xrf0)  }
0x1c4: {  	v57 =	vor.u32 s12, v10;
	vm11 =	vmneg vm10;
	v32 =	vadd.s32 v31, v56  }
0x1c5: {  	v58 =	vadd.s32 $0xFFFFFFFF, v32;
	v33 =	vsub.s32 v57, v32;
	vm13 =	vlt.s32 v32, $0x81  }
0x1c6: {  	vm12 =	vgt.s32 v58, $0x0;
	v59 =	vadd.s32 $0xFFFFFFFF, v33;
	vm2 =	vmand vm10, vm13  }
0x1c7: {  	vm15 =	vlt.s32 v33, $0x81;
	v34 =	vnsel vm12, $0x0, v58;
	vm14 =	vgt.s32 v59, $0x0  }
0x1c8: {  	vm0 =	vmand vm15, vm11;
	v60 =	vmin.u32 v34, $0x7F;
	v61 =	vnsel vm14, $0x0, v59  }
0x1c9: {  	v33 =	vmin.u32 v61, $0x7F  }
0x1ca: {  	v62 =	vadd.s32 v12, v30  }
0x1cb: {  	v63 =	vadd.s32 v20, v30  }
0x1cc: {  	v40 =	vor.u32 s12, v1;
	v41 =	vadd.s32 v12, v28  }
0x1cd: {  	[tilespmem:v60+s1+$0x0] =	vst.idx.msk vm2, v40  }
0x1ce: {  	[tilespmem:v33+s25+$0x0] =	vst.idx.msk vm0, v40  }
0x1cf: {  	v42 =	vadd.s32 v20, v28;
	v33 =	vld.idx.msk [tilespmem:v62+s5+$0x0], $0xffff  }
0x1d0: {  	v35 =	vld.idx.msk [tilespmem:v63+s5+$0x0], $0xffff  }
0x1d1: {  	v32 =	vld.idx.msk [tilespmem:v41+s5+$0x0], $0xffff;
	_ =	sdelay $0x2  }
0x1d2: {  	v34 =	vld.idx.msk [tilespmem:v42+s5+$0x0], $0xffff  }
0x1d3: {  	v33 =	vmul.f32 v33, v29;
	v35 =	vmul.f32 v35, v29  }
0x1d4: {  	v32 =	vmul.f32 v32, v27  }
0x1d5: {  	v33 =	vmul.f32 v33, v23;
	v35 =	vmul.f32 v35, v15;
	_ =	sdelay $0x1  }
0x1d6: {  	v34 =	vmul.f32 v34, v27;
	v32 =	vmul.f32 v32, v23;
	v33 =	vadd.f32 v35, v33;
	_ =	sdelay $0x1  }
0x1d7: {  	v34 =	vmul.f32 v34, v15;
	v32 =	vadd.f32 v32, v33;
	_ =	sdelay $0x1  }
0x1d8: {  	v32 =	vadd.f32 v34, v32;
	_ =	sdelay $0x1  }
0x1d9: {  	vm8 =	vgt.f32 v32, $5.000000000e-01  }
0x1da: {  	v32 =	vsel vm8, $0x1, v9  }
0x1db: {  	(xrf0) =	vadd.scan.msk.s32 $0xffff, v32;
	_ =	sdelay $0x3  }
0x1dc: {  	v43 =	vmpcnt.ones.xlane vm10;
	_ =	sdelay $0x1  }
0x1dd: {  	v31 =	vadd.s32 v31, v43;
	v44, _, _ =	vpop (xrf0)  }
0x1de: {  	s11 =	sadd.s32 $0xFFFFFFE0, s9;
	v32 =	vadd.s32 v31, v44  }
0x1df: {  	vm9 =	vmneg vm8;
	v45 =	vsub.s32 s11, v32  }
0x1e0: {  	v46 =	vadd.s32 $0xFFFFFFFF, v32;
	vm11 =	vlt.s32 v32, $0x81;
	v47 =	vadd.s32 v10, v45  }
0x1e1: {  	vm10 =	vgt.s32 v46, $0x0;
	v33 =	vadd.s32 v0, v45;
	vm2 =	vmand vm8, vm11  }
0x1e2: {  	v34 =	vnsel vm10, $0x0, v46;
	vm12 =	vgt.s32 v33, $0x0;
	vm13 =	vlt.s32 v47, $0x81  }
0x1e3: {  	v48 =	vmin.u32 v34, $0x7F;
	v33 =	vnsel vm12, $0x0, v33;
	vm1 =	vmand vm13, vm9  }
0x1e4: {  	v33 =	vmin.u32 v33, $0x7F  }
0x1e5: {  	v49 =	vadd.s32 v13, v30  }
0x1e6: {  	v50 =	vadd.s32 v21, v30  }
0x1e7: {  	v51 =	vor.u32 s11, v1;
	v52 =	vadd.s32 v13, v28  }
0x1e8: {  	[tilespmem:v48+s1+$0x0] =	vst.idx.msk vm2, v51  }
0x1e9: {  	[tilespmem:v33+s25+$0x0] =	vst.idx.msk vm1, v51  }
0x1ea: {  	v53 =	vadd.s32 v21, v28;
	v33 =	vld.idx.msk [tilespmem:v49+s5+$0x0], $0xffff  }
0x1eb: {  	v35 =	vld.idx.msk [tilespmem:v50+s5+$0x0], $0xffff  }
0x1ec: {  	v32 =	vld.idx.msk [tilespmem:v52+s5+$0x0], $0xffff;
	_ =	sdelay $0x2  }
0x1ed: {  	v34 =	vld.idx.msk [tilespmem:v53+s5+$0x0], $0xffff  }
0x1ee: {  	v33 =	vmul.f32 v33, v29;
	v35 =	vmul.f32 v35, v29  }
0x1ef: {  	v32 =	vmul.f32 v32, v27  }
0x1f0: {  	v33 =	vmul.f32 v33, v25;
	v35 =	vmul.f32 v35, v16;
	_ =	sdelay $0x1  }
0x1f1: {  	v34 =	vmul.f32 v34, v27;
	v32 =	vmul.f32 v32, v25;
	v33 =	vadd.f32 v35, v33;
	_ =	sdelay $0x1  }
0x1f2: {  	v34 =	vmul.f32 v34, v16;
	v32 =	vadd.f32 v32, v33;
	_ =	sdelay $0x1  }
0x1f3: {  	v32 =	vadd.f32 v34, v32;
	_ =	sdelay $0x1  }
0x1f4: {  	vm14 =	vgt.f32 v32, $5.000000000e-01  }
0x1f5: {  	v32 =	vsel vm14, $0x1, v9  }
0x1f6: {  	(xrf0) =	vadd.scan.msk.s32 $0xffff, v32;
	_ =	sdelay $0x3  }
0x1f7: {  	v54 =	vmpcnt.ones.xlane vm8;
	_ =	sdelay $0x1  }
0x1f8: {  	s12 =	sadd.s32 $0xFFFFFFF0, s9;
	v31 =	vadd.s32 v31, v54;
	v55, _, _ =	vpop (xrf0)  }
0x1f9: {  	v56 =	vor.u32 s12, v10;
	vm15 =	vmneg vm14;
	v32 =	vadd.s32 v31, v55  }
0x1fa: {  	v57 =	vadd.s32 $0xFFFFFFFF, v32;
	v33 =	vsub.s32 v56, v32;
	vm7 =	vlt.s32 v32, $0x81  }
0x1fb: {  	vm6 =	vgt.s32 v57, $0x0;
	v58 =	vadd.s32 $0xFFFFFFFF, v33;
	vm2 =	vmand vm14, vm7  }
0x1fc: {  	vm9 =	vlt.s32 v33, $0x81;
	v34 =	vnsel vm6, $0x0, v57;
	vm8 =	vgt.s32 v58, $0x0  }
0x1fd: {  	vm0 =	vmand vm9, vm15;
	v59 =	vmin.u32 v34, $0x7F;
	v60 =	vnsel vm8, $0x0, v58  }
0x1fe: {  	v33 =	vmin.u32 v60, $0x7F  }
0x1ff: {  	v61 =	vadd.s32 v18, v30  }
0x200: {  	v30 =	vadd.s32 v24, v30  }
0x201: {  	v62 =	vor.u32 s12, v1;
	v63 =	vadd.s32 v18, v28  }
0x202: {  	[tilespmem:v59+s1+$0x0] =	vst.idx.msk vm2, v62  }
0x203: {  	[tilespmem:v33+s25+$0x0] =	vst.idx.msk vm0, v62  }
0x204: {  	v28 =	vadd.s32 v24, v28;
	v33 =	vld.idx.msk [tilespmem:v61+s5+$0x0], $0xffff  }
0x205: {  	v30 =	vld.idx.msk [tilespmem:v30+s5+$0x0], $0xffff  }
0x206: {  	v32 =	vld.idx.msk [tilespmem:v63+s5+$0x0], $0xffff;
	_ =	sdelay $0x2  }
0x207: {  	v28 =	vld.idx.msk [tilespmem:v28+s5+$0x0], $0xffff  }
0x208: {  	v33 =	vmul.f32 v33, v29;
	v29 =	vmul.f32 v30, v29  }
0x209: {  	v32 =	vmul.f32 v32, v27  }
0x20a: {  	v30 =	vmul.f32 v33, v26;
	v29 =	vmul.f32 v29, v17;
	_ =	sdelay $0x1  }
0x20b: {  	v27 =	vmul.f32 v28, v27;
	v32 =	vmul.f32 v32, v26;
	v28 =	vadd.f32 v29, v30;
	_ =	sdelay $0x1  }
0x20c: {  	v27 =	vmul.f32 v27, v17;
	v28 =	vadd.f32 v32, v28;
	_ =	sdelay $0x1  }
0x20d: {  	v27 =	vadd.f32 v27, v28;
	_ =	sdelay $0x1  }
0x20e: {  	vm10 =	vgt.f32 v27, $5.000000000e-01  }
0x20f: {  	v27 =	vsel vm10, $0x1, v9  }
0x210: {  	(xrf0) =	vadd.scan.msk.s32 $0xffff, v27;
	_ =	sdelay $0x3  }
0x211: {  	v27 =	vmpcnt.ones.xlane vm14;
	_ =	sdelay $0x1  }
0x212: {  	v27 =	vadd.s32 v31, v27;
	v28, _, _ =	vpop (xrf0)  }
0x213: {  	v28 =	vadd.s32 v27, v28  }
0x214: {  	vm11 =	vmneg vm10;
	v29 =	vsub.s32 s9, v28  }
0x215: {  	v30 =	vadd.s32 $0xFFFFFFFF, v28;
	vm13 =	vlt.s32 v28, $0x81;
	v31 =	vadd.s32 v10, v29  }
0x216: {  	vm12 =	vgt.s32 v30, $0x0;
	v29 =	vadd.s32 v0, v29;
	vm2 =	vmand vm10, vm13  }
0x217: {  	v30 =	vnsel vm12, $0x0, v30;
	vm14 =	vgt.s32 v29, $0x0;
	vm15 =	vlt.s32 v31, $0x81  }
0x218: {  	s8 =	sadd.s32 $0x4, s8;
	v28 =	vnsel vm14, $0x0, v29;
	vm1 =	vmand vm15, vm11;
	v29 =	vmin.u32 v30, $0x7F  }
0x219: {  	p0 =	slt.u32 s8, $0x1C;
	v28 =	vmin.u32 v28, $0x7F  }
.Ltmp0:
0x21a: {  	_ = 	snop;
	(pc) =	sbr.rel @p0 .LBB2_2-.Ltmp0, $4  }
0x21b: {  	_ = 	snop  }
0x21c: {  	v31 =	vmpcnt.ones.xlane vm10;
	v30 =	vor.u32 s9, v1  }
0x21d: {  	[tilespmem:v29+s1+$0x0] =	vst.idx.msk vm2, v30  }
0x21e: {  	s9 =	sadd.s32 $0x100, s9;
	v31 =	vadd.s32 v27, v31;
	[tilespmem:v28+s25+$0x0] =	vst.idx.msk vm1, v30  }
0x21f: {  	[tilespmem:$0x2400] =	vst v31;
	s8 =	rddreg [dreg:$0xb]  }
0x220: {  	[spmem:s8] =	stream.linear.scatter [tilespmem:s1], [sflag:$0x2], $0x80, $0x38;
	[tilespmem:$0x6B90] =	vst v63  }
0x221: {  	_ =	swait.ge [sflag:s26], $0x80  }
0x222: {  	[sflag:s26] =	ssyncset.done $0x0  }
0x223: {  	s9 =	rddreg [dreg:$0xc];
	[sflag:s26] =	ssyncadd.s32 $0xFFFFFF80  }
0x224: {  	[spmem:s9] =	stream.linear.scatter [tilespmem:s25], [sflag:$0x2], $0x80, $0x38;
	[tilespmem:$0x6B90] =	vst v63  }
0x225: {  	_ =	swait.ge [sflag:s26], $0x80  }
0x226: {  	[sflag:s26] =	ssyncset.done $0x0  }
0x227: {  	s10 =	simm.s32 $0x2400;
	[sflag:s26] =	ssyncadd.s32 $0xFFFFFF80  }
0x228: {  	[spmem:s15] =	stream.linear.scatter [tilespmem:s10], [sflag:$0x2], $0x10, $0x38;
	[tilespmem:$0x6B90] =	vst v63  }
0x229: {  	_ =	swait.ge [sflag:s26], $0x10  }
0x22a: {  	[sflag:s26] =	ssyncset.done $0x0  }
0x22b: {  	[sflag:s26] =	ssyncadd.s32 $0xFFFFFFF0  }
0x22c: {  	[bflag:$0x0] =	sbarrier.arrive $0xFFFF  }
0x22d: {  	s11 =	rddreg [dreg:$0xe]  }
0x22e: {  	[tilespmem:s30], [sflag:$0x1] =	stream.linear.gather [spmem:s11], $0x80, $0x38;
	[tilespmem:$0x6B90] =	vst v63  }
0x22f: {  	s12 =	rddreg [dreg:$0xd]  }
0x230: {  	[tilespmem:s31], [sflag:$0x1] =	stream.linear.gather [spmem:s12], $0x80, $0x38;
	[tilespmem:$0x6B90] =	vst v63  }
0x231: {  	s9 =	rddreg [dreg:$0xf]  }
0x232: {  	[tilespmem:s4], [sflag:$0x1] =	stream.linear.gather [spmem:s9], $0x80, $0x38;
	[tilespmem:$0x6B90] =	vst v63  }
0x233: {  	s10 =	simm.s32 $0x2600  }
0x234: {  	[tilespmem:s10], [sflag:$0x1] =	stream.linear.gather [spmem:s16], $0x10, $0x38;
	[tilespmem:$0x6B90] =	vst v63  }
0x235: {  	s11 =	simm.s32 $0x2680  }
0x236: {  	[tilespmem:s11], [sflag:$0x1] =	stream.linear.gather [spmem:s17], $0x10, $0x38;
	[tilespmem:$0x6B90] =	vst v63  }
0x237: {  	_ =	swait.ge [sflag:s3], $0x80  }
0x238: {  	[sflag:s3] =	ssyncset.done $0x0  }
0x239: {  	[sflag:s3] =	ssyncadd.s32 $0xFFFFFF80  }
0x23a: {  	_ =	swait.ge [sflag:s3], $0x80  }
0x23b: {  	[sflag:s3] =	ssyncset.done $0x0  }
0x23c: {  	[sflag:s3] =	ssyncadd.s32 $0xFFFFFF80  }
0x23d: {  	_ =	swait.ge [sflag:s3], $0x80  }
0x23e: {  	[sflag:s3] =	ssyncset.done $0x0  }
0x23f: {  	[sflag:s3] =	ssyncadd.s32 $0xFFFFFF80  }
0x240: {  	_ =	swait.ge [sflag:s3], $0x10  }
0x241: {  	[sflag:s3] =	ssyncset.done $0x0  }
0x242: {  	[sflag:s3] =	ssyncadd.s32 $0xFFFFFFF0  }
0x243: {  	_ =	swait.ge [sflag:s3], $0x10  }
0x244: {  	[sflag:s3] =	ssyncset.done $0x0  }
0x245: {  	[sflag:s3] =	ssyncadd.s32 $0xFFFFFFF0  }
0x246: {  	v11 =	vld [tilespmem:$0x2600]  }
0x247: {  	v12 =	vld [tilespmem:$0x2680];
	_ =	sdelay $0x4  }
0x248: {  	v12 =	vadd.s32 v11, v12;
	vm0 =	vge.s32 v3, v11;
	v13 =	vsub.s32 v3, v11  }
0x249: {  	vm1 =	vlt.s32 v3, v12;
	vm2 =	vgt.s32 v13, $0x0;
	v14 =	vsub.s32 v3, v12  }
0x24a: {  	vm0 =	vmand vm1, vm0;
	v13 =	vnsel vm2, $0x0, v13;
	vm6 =	vgt.s32 v14, $0x0  }
0x24b: {  	vm7 =	vge.s32 v3, v12;
	v13 =	vmin.u32 v13, $0x7F;
	v14 =	vnsel vm6, $0x0, v14  }
0x24c: {  	vm8 =	vlt.s32 v3, v11;
	v14 =	vmin.u32 v14, $0x7F;
	_ =	sdelay $0x3  }
0x24d: {  	v13 =	vld.idx.msk [tilespmem:v13+s31+$0x0], vm0  }
0x24e: {  	v14 =	vld.idx.msk [tilespmem:v14+s4+$0x0], vm7  }
0x24f: {  	v15 =	vld.idx.msk [tilespmem:v3+s30+$0x0], vm8;
	_ =	sdelay $0x2  }
0x250: {  	vm9 =	vge.s32 v6, v11  }
0x251: {  	vm10 =	vlt.s32 v6, v12;
	v16 =	vsub.s32 v6, v12;
	v13 =	vsel vm0, v13, v14  }
0x252: {  	vm12 =	vgt.s32 v16, $0x0;
	v13 =	vsel vm8, v15, v13;
	v15 =	vsub.s32 v6, v11  }
0x253: {  	vm13 =	vge.s32 v6, v12;
	v16 =	vnsel vm12, $0x0, v16;
	vm11 =	vgt.s32 v15, $0x0  }
0x254: {  	v16 =	vmin.u32 v16, $0x7F;
	[tilespmem:$0x6A00] =	vst v5;
	vm0 =	vmand vm10, vm9;
	v15 =	vnsel vm11, $0x0, v15  }
0x255: {  	vm14 =	vlt.s32 v6, v11;
	v14 =	vadd.s32 v4, v13;
	[tilespmem:$0x2700] =	vst v13;
	v15 =	vmin.u32 v15, $0x7F  }
0x256: {  	[tilespmem:$0x2780] =	vst v14;
	v14 =	vshrl.u32 v13, $0x6  }
0x257: {  	v13 =	vand.u32 $0x3F, v13;
	[tilespmem:$0x6900] =	vst v14  }
0x258: {  	[tilespmem:$0x6980] =	vst v13  }
0x259: {  	v14 =	vld.idx.msk [tilespmem:v16+s4+$0x0], vm13  }
0x25a: {  	v13 =	vld.idx.msk [tilespmem:v15+s31+$0x0], vm0  }
0x25b: {  	v15 =	vld.idx.msk [tilespmem:v6+s30+$0x0], vm14;
	_ =	sdelay $0x2  }
0x25c: {  	vm15 =	vge.s32 v7, v11  }
0x25d: {  	vm4 =	vlt.s32 v7, v12;
	v16 =	vsub.s32 v7, v12;
	v13 =	vsel vm0, v13, v14  }
0x25e: {  	vm6 =	vgt.s32 v16, $0x0;
	v13 =	vsel vm14, v15, v13;
	v15 =	vsub.s32 v7, v11  }
0x25f: {  	vm7 =	vge.s32 v7, v12;
	v16 =	vnsel vm6, $0x0, v16;
	vm5 =	vgt.s32 v15, $0x0  }
0x260: {  	v16 =	vmin.u32 v16, $0x7F;
	[tilespmem:$0x6A10] =	vst v5;
	vm0 =	vmand vm4, vm15;
	v15 =	vnsel vm5, $0x0, v15  }
0x261: {  	vm8 =	vlt.s32 v7, v11;
	v14 =	vadd.s32 v4, v13;
	[tilespmem:$0x2710] =	vst v13;
	v15 =	vmin.u32 v15, $0x7F  }
0x262: {  	[tilespmem:$0x2790] =	vst v14;
	v14 =	vshrl.u32 v13, $0x6  }
0x263: {  	v13 =	vand.u32 $0x3F, v13;
	[tilespmem:$0x6910] =	vst v14  }
0x264: {  	[tilespmem:$0x6990] =	vst v13  }
0x265: {  	v14 =	vld.idx.msk [tilespmem:v16+s4+$0x0], vm7  }
0x266: {  	v13 =	vld.idx.msk [tilespmem:v15+s31+$0x0], vm0  }
0x267: {  	v15 =	vld.idx.msk [tilespmem:v7+s30+$0x0], vm8;
	_ =	sdelay $0x3  }
0x268: {  	v13 =	vsel vm0, v13, v14  }
0x269: {  	vm9 =	vge.s32 v8, v11;
	v13 =	vsel vm8, v15, v13;
	v15 =	vsub.s32 v8, v11  }
0x26a: {  	vm10 =	vlt.s32 v8, v12;
	v16 =	vsub.s32 v8, v12;
	vm11 =	vgt.s32 v15, $0x0  }
0x26b: {  	vm12 =	vgt.s32 v16, $0x0;
	vm0 =	vmand vm10, vm9;
	v15 =	vnsel vm11, $0x0, v15  }
0x26c: {  	vm13 =	vge.s32 v8, v12;
	[tilespmem:$0x6A20] =	vst v5;
	v12 =	vmin.u32 v15, $0x7F;
	v15 =	vnsel vm12, $0x0, v16  }
0x26d: {  	vm14 =	vlt.s32 v8, v11;
	v14 =	vadd.s32 v4, v13;
	[tilespmem:$0x2720] =	vst v13;
	v11 =	vmin.u32 v15, $0x7F  }
0x26e: {  	[tilespmem:$0x27A0] =	vst v14;
	v14 =	vshrl.u32 v13, $0x6;
	v13 =	vand.u32 $0x3F, v13  }
0x26f: {  	[tilespmem:$0x69A0] =	vst v13;
	v13 =	vld [tilespmem:$0x2780]  }
0x270: {  	[tilespmem:$0x6920] =	vst v14  }
0x271: {  	v12 =	vld.idx.msk [tilespmem:v12+s31+$0x0], vm0  }
0x272: {  	v11 =	vld.idx.msk [tilespmem:v11+s4+$0x0], vm13  }
0x273: {  	v14 =	vld.idx.msk [tilespmem:v8+s30+$0x0], vm14  }
0x274: {  	v15 =	vshll.u32 v13, $0x1  }
0x275: {  	v13 =	vand.u32 $0x7, v13;
	v15 =	vand.u32 $0xFFFFFFF0, v15  }
0x276: {  	v16 =	vshrl.u32 v0, $0x3;
	v13 =	vor.u32 v13, v15;
	v15 =	vand.u32 $0x7, v0  }
0x277: {  	v16 =	vmul.u32 $0x8, v16;
	v11 =	vsel vm0, v12, v11;
	v12 =	vperm.xlane v13, v15  }
0x278: {  	v11 =	vsel vm14, v14, v11;
	v14 =	vor.u32 $0x8, v0  }
0x279: {  	[tilespmem:$0x6A30] =	vst v5;
	v12 =	vadd.s32 v16, v12;
	v13 =	vperm.xlane v13, v14  }
0x27a: {  	[tilespmem:$0x2730] =	vst v11;
	v17 =	vadd.s32 v4, v11  }
0x27b: {  	[tilespmem:$0x27B0] =	vst v17;
	v17 =	vshrl.u32 v11, $0x6;
	v13 =	vadd.s32 v16, v13  }
0x27c: {  	v11 =	vand.u32 $0x3F, v11;
	[tilespmem:$0x6930] =	vst v17  }
0x27d: {  	s8 =	simm.s32 $0x0;
	vm15 =	vmmov $0xffff;
	[tilespmem:$0x69B0] =	vst v11  }
0x27e: {  	[tilespmem:s29], [sflag:$0x1] =	stream.indirect_vreg.gather [hbm4b:s0+s8], $0x80, v12, vm15, $0xb8;
	[tilespmem:$0x6B90] =	vst v63  }
0x27f: {  	s9 =	simm.s32 $0x3000  }
0x280: {  	[tilespmem:s9], [sflag:$0x1] =	stream.indirect_vreg.gather [hbm4b:s0+s8], $0x80, v13, vm15, $0xb8;
	[tilespmem:$0x6B90] =	vst v63  }
0x281: {  	v11 =	vld [tilespmem:$0x2790];
	_ =	sdelay $0x4  }
0x282: {  	v12 =	vshll.u32 v11, $0x1  }
0x283: {  	v11 =	vand.u32 $0x7, v11;
	v12 =	vand.u32 $0xFFFFFFF0, v12  }
0x284: {  	v11 =	vor.u32 v11, v12  }
0x285: {  	v12 =	vperm.xlane v11, v15;
	_ =	sdelay $0x1  }
0x286: {  	v11 =	vperm.xlane v11, v14;
	v12 =	vadd.s32 v16, v12;
	_ =	sdelay $0x1  }
0x287: {  	v11 =	vadd.s32 v16, v11;
	_ =	sdelay $0x1  }
0x288: {  	s12 =	simm.s32 $0x3800  }
0x289: {  	[tilespmem:s12], [sflag:$0x1] =	stream.indirect_vreg.gather [hbm4b:s0+s8], $0x80, v12, vm15, $0xb8;
	[tilespmem:$0x6B90] =	vst v63  }
0x28a: {  	s10 =	simm.s32 $0x4000  }
0x28b: {  	[tilespmem:s10], [sflag:$0x1] =	stream.indirect_vreg.gather [hbm4b:s0+s8], $0x80, v11, vm15, $0xb8;
	[tilespmem:$0x6B90] =	vst v63  }
0x28c: {  	v11 =	vld [tilespmem:$0x27A0];
	_ =	sdelay $0x4  }
0x28d: {  	v12 =	vshll.u32 v11, $0x1  }
0x28e: {  	v11 =	vand.u32 $0x7, v11;
	v12 =	vand.u32 $0xFFFFFFF0, v12  }
0x28f: {  	v11 =	vor.u32 v11, v12  }
0x290: {  	v12 =	vperm.xlane v11, v15;
	_ =	sdelay $0x1  }
0x291: {  	v11 =	vperm.xlane v11, v14;
	v12 =	vadd.s32 v16, v12;
	_ =	sdelay $0x1  }
0x292: {  	v11 =	vadd.s32 v16, v11;
	_ =	sdelay $0x1  }
0x293: {  	s11 =	simm.s32 $0x4800  }
0x294: {  	[tilespmem:s11], [sflag:$0x1] =	stream.indirect_vreg.gather [hbm4b:s0+s8], $0x80, v12, vm15, $0xb8;
	[tilespmem:$0x6B90] =	vst v63  }
0x295: {  	s12 =	simm.s32 $0x5000  }
0x296: {  	[tilespmem:s12], [sflag:$0x1] =	stream.indirect_vreg.gather [hbm4b:s0+s8], $0x80, v11, vm15, $0xb8;
	[tilespmem:$0x6B90] =	vst v63  }
0x297: {  	v11 =	vld [tilespmem:$0x27B0];
	_ =	sdelay $0x4  }
0x298: {  	v12 =	vshll.u32 v11, $0x1  }
0x299: {  	v11 =	vand.u32 $0x7, v11;
	v12 =	vand.u32 $0xFFFFFFF0, v12  }
0x29a: {  	v11 =	vor.u32 v11, v12  }
0x29b: {  	v12 =	vperm.xlane v11, v15;
	_ =	sdelay $0x1  }
0x29c: {  	v11 =	vperm.xlane v11, v14;
	v12 =	vadd.s32 v16, v12;
	_ =	sdelay $0x1  }
0x29d: {  	v11 =	vadd.s32 v16, v11;
	_ =	sdelay $0x1  }
0x29e: {  	s10 =	simm.s32 $0x5800  }
0x29f: {  	[tilespmem:s10], [sflag:$0x1] =	stream.indirect_vreg.gather [hbm4b:s0+s8], $0x80, v12, vm15, $0xb8;
	[tilespmem:$0x6B90] =	vst v63  }
0x2a0: {  	s11 =	simm.s32 $0x6000  }
0x2a1: {  	[tilespmem:s11], [sflag:$0x1] =	stream.indirect_vreg.gather [hbm4b:s0+s8], $0x80, v11, vm15, $0xb8;
	[tilespmem:$0x6B90] =	vst v63  }
0x2a2: {  	_ =	swait.ge [sflag:s3], $0x4000  }
0x2a3: {  	[sflag:s3] =	ssyncset.done $0x0  }
0x2a4: {  	[sflag:s3] =	ssyncadd.s32 $0xFFFFC000  }
0x2a5: {  	v12 =	vld [tilespmem:$0x6800]  }
0x2a6: {  	v15 =	vld [tilespmem:$0x6810]  }
0x2a7: {  	v17 =	vld [tilespmem:$0x6820]  }
0x2a8: {  	v19 =	vld [tilespmem:$0x6830]  }
0x2a9: {  	v20 =	vld [tilespmem:$0x6840]  }
0x2aa: {  	v22 =	vld [tilespmem:$0x6850]  }
0x2ab: {  	v23 =	vld [tilespmem:$0x6860]  }
0x2ac: {  	v25 =	vld [tilespmem:$0x6870]  }
0x2ad: {  	v26 =	vld [tilespmem:$0x6880]  }
0x2ae: {  	v24 =	vld [tilespmem:$0x6890]  }
0x2af: {  	v21 =	vld [tilespmem:$0x68A0]  }
0x2b0: {  	v18 =	vld [tilespmem:$0x68B0]  }
0x2b1: {  	v16 =	vld [tilespmem:$0x68C0]  }
0x2b2: {  	v13 =	vld [tilespmem:$0x68D0]  }
0x2b3: {  	s12 =	sand.u32 $0x3800, s8;
	s8 =	sand.u32 $0x380, s8;
	v11 =	vld [tilespmem:$0x68E0]  }
0x2b4: {  	s8 =	sor.u32 s8, s12;
	v14 =	vld [tilespmem:$0x68F0]  }
0x2b5: {  	v27 =	vld [tilespmem:s8+$0x2800]  }
0x2b6: {  	v28 =	vld [tilespmem:s8+$0x2810]  }
0x2b7: {  	v29 =	vld [tilespmem:s8+$0x2820]  }
0x2b8: {  	v30 =	vld [tilespmem:s8+$0x2830]  }
0x2b9: {  	v31 =	vld [tilespmem:s8+$0x2840]  }
0x2ba: {  	v32 =	vld [tilespmem:s8+$0x2850];
	v27 =	vadd.f32 v27, v12  }
0x2bb: {  	v33 =	vld [tilespmem:s8+$0x2860];
	v28 =	vadd.f32 v28, v15  }
0x2bc: {  	v34 =	vld [tilespmem:s8+$0x2870];
	[tilespmem:s8+$0x2800] =	vst v27;
	v27 =	vadd.f32 v29, v17  }
0x2bd: {  	v35 =	vld [tilespmem:s8+$0x2C00];
	[tilespmem:s8+$0x2810] =	vst v28;
	v28 =	vadd.f32 v30, v19  }
0x2be: {  	v30 =	vld [tilespmem:s8+$0x2C10];
	[tilespmem:s8+$0x2820] =	vst v27;
	v27 =	vadd.f32 v31, v20  }
0x2bf: {  	v29 =	vld [tilespmem:s8+$0x2C20];
	[tilespmem:s8+$0x2830] =	vst v28;
	v28 =	vadd.f32 v32, v22  }
0x2c0: {  	v31 =	vadd.f32 v33, v23;
	[tilespmem:s8+$0x2840] =	vst v27;
	v27 =	vld [tilespmem:s8+$0x2C30]  }
0x2c1: {  	v33 =	vadd.f32 v34, v25;
	[tilespmem:s8+$0x2850] =	vst v28;
	v28 =	vld [tilespmem:s8+$0x2C40]  }
0x2c2: {  	s9 =	simm.s32 $0x80;
	s10 =	simm.s32 $0x100;
	v32 =	vadd.f32 v35, v26;
	[tilespmem:s8+$0x2860] =	vst v31;
	v31 =	vld [tilespmem:s8+$0x2C50]  }
.LBB2_4:
0x2c3: {  	s11 =	sand.u32 $0x3800, s10;
	s12 =	sand.u32 $0x380, s9;
	p0 =	sne.s32 s10, $0x3F00;
	[tilespmem:s8+$0x2870] =	vst v33;
	v30 =	vadd.f32 v30, v24;
	v33 =	vld [tilespmem:s8+$0x2C60]  }
0x2c4: {  	s11 =	sor.u32 s12, s11;
	[tilespmem:s8+$0x2C00] =	vst v32;
	v29 =	vadd.f32 v29, v21;
	v32 =	vld [tilespmem:s8+$0x2C70]  }
0x2c5: {  	v34 =	vld [tilespmem:s11+$0x2800];
	[tilespmem:s8+$0x2C10] =	vst v30;
	v27 =	vadd.f32 v27, v18  }
0x2c6: {  	v30 =	vld [tilespmem:s11+$0x2810];
	[tilespmem:s8+$0x2C20] =	vst v29;
	v28 =	vadd.f32 v28, v16  }
0x2c7: {  	v29 =	vld [tilespmem:s11+$0x2820];
	[tilespmem:s8+$0x2C30] =	vst v27;
	v27 =	vadd.f32 v31, v13  }
0x2c8: {  	v31 =	vld [tilespmem:s11+$0x2830];
	[tilespmem:s8+$0x2C40] =	vst v28;
	v28 =	vadd.f32 v33, v11  }
0x2c9: {  	v33 =	vld [tilespmem:s11+$0x2840];
	[tilespmem:s8+$0x2C50] =	vst v27;
	v27 =	vadd.f32 v32, v14  }
0x2ca: {  	v32 =	vadd.f32 v34, v12;
	v34 =	vld [tilespmem:s11+$0x2850];
	[tilespmem:s8+$0x2C60] =	vst v28  }
0x2cb: {  	v28 =	vadd.f32 v30, v15;
	v35 =	vld [tilespmem:s11+$0x2860];
	[tilespmem:s8+$0x2C70] =	vst v27;
	s8 =	smov.u32 s11  }
0x2cc: {  	[tilespmem:s8+$0x2800] =	vst v32;
	v27 =	vadd.f32 v29, v17;
	v32 =	vld [tilespmem:s8+$0x2870]  }
0x2cd: {  	[tilespmem:s8+$0x2810] =	vst v28;
	v28 =	vadd.f32 v31, v19;
	v31 =	vld [tilespmem:s8+$0x2C00]  }
.Ltmp1:
0x2ce: {  	[tilespmem:s8+$0x2820] =	vst v27;
	v27 =	vadd.f32 v33, v20;
	v30 =	vld [tilespmem:s8+$0x2C10];
	(pc) =	sbr.rel @p0 .LBB2_4-.Ltmp1, $4  }
0x2cf: {  	[tilespmem:s8+$0x2830] =	vst v28;
	v28 =	vadd.f32 v34, v22;
	v29 =	vld [tilespmem:s8+$0x2C20]  }
0x2d0: {  	[tilespmem:s8+$0x2840] =	vst v27;
	v34 =	vadd.f32 v35, v23;
	v27 =	vld [tilespmem:s8+$0x2C30]  }
0x2d1: {  	[tilespmem:s8+$0x2850] =	vst v28;
	v33 =	vadd.f32 v32, v25;
	v28 =	vld [tilespmem:s8+$0x2C40]  }
0x2d2: {  	s9 =	sadd.s32 $0x80, s9;
	s10 =	sadd.s32 $0x100, s10;
	[tilespmem:s8+$0x2860] =	vst v34;
	v32 =	vadd.f32 v31, v26;
	v31 =	vld [tilespmem:s8+$0x2C50]  }
0x2d3: {  	[tilespmem:s8+$0x2870] =	vst v33;
	v12 =	vadd.f32 v30, v24;
	v15 =	vld [tilespmem:s8+$0x2C60]  }
0x2d4: {  	v19 =	vld [tilespmem:s8+$0x2C70];
	[tilespmem:s8+$0x2C00] =	vst v32;
	v17 =	vadd.f32 v29, v21  }
0x2d5: {  	[tilespmem:s8+$0x2C10] =	vst v12;
	v61 =	vadd.f32 v27, v18  }
0x2d6: {  	[tilespmem:s8+$0x2C20] =	vst v17;
	v16 =	vadd.f32 v28, v16  }
0x2d7: {  	[tilespmem:s8+$0x2C30] =	vst v61;
	v62 =	vadd.f32 v31, v13  }
0x2d8: {  	[tilespmem:s8+$0x2C40] =	vst v16;
	v11 =	vadd.f32 v15, v11  }
0x2d9: {  	v63 =	vadd.f32 v19, v14;
	[tilespmem:s8+$0x2C50] =	vst v62  }
0x2da: {  	[tilespmem:s8+$0x2C60] =	vst v11  }
0x2db: {  	[tilespmem:s8+$0x2C70] =	vst v63  }
0x2dc: {  	[hbm4b:s18+s5] =	stream.linear.scatter [tilespmem:s29], [sflag:$0x1], $0x4000, $0x38;
	[tilespmem:$0x6B90] =	vst v63  }
0x2dd: {  	s10 =	simm.s32 $0x6A00  }
0x2de: {  	[hbm4b:s19+s5] =	stream.linear.scatter [tilespmem:s10], [sflag:$0x1], $0x40, $0x38;
	[tilespmem:$0x6B90] =	vst v63  }
0x2df: {  	s11 =	simm.s32 $0x6900  }
0x2e0: {  	[hbm4b:s20+s5] =	stream.linear.scatter [tilespmem:s11], [sflag:$0x1], $0x40, $0x38;
	[tilespmem:$0x6B90] =	vst v63  }
0x2e1: {  	s12 =	simm.s32 $0x6980  }
0x2e2: {  	[hbm4b:s21+s5] =	stream.linear.scatter [tilespmem:s12], [sflag:$0x1], $0x40, $0x38;
	[tilespmem:$0x6B90] =	vst v63  }
0x2e3: {  	_ =	swait.ge [sflag:s3], $0x4000  }
0x2e4: {  	[sflag:s3] =	ssyncset.done $0x0  }
0x2e5: {  	[sflag:s3] =	ssyncadd.s32 $0xFFFFC000  }
0x2e6: {  	_ =	swait.ge [sflag:s3], $0x40  }
0x2e7: {  	[sflag:s3] =	ssyncset.done $0x0  }
0x2e8: {  	s2 =	sadd.s32 $0x1, s2;
	[sflag:s3] =	ssyncadd.s32 $0xFFFFFFC0  }
0x2e9: {  	p0 =	sne.s32 s2, s22;
	_ =	swait.ge [sflag:s3], $0x40  }
.Ltmp2:
0x2ea: {  	[sflag:s3] =	ssyncset.done $0x0;
	(pc) =	sbr.rel @p0 .LBB2_1-.Ltmp2, $4  }
0x2eb: {  	[sflag:s3] =	ssyncadd.s32 $0xFFFFFFC0  }
0x2ec: {  	_ =	swait.ge [sflag:s3], $0x40  }
0x2ed: {  	[sflag:s3] =	ssyncset.done $0x0  }
0x2ee: {  	[sflag:s3] =	ssyncadd.s32 $0xFFFFFFC0  }
0x2ef: {  	_ =	sfence.sel $0x180000  }
0x2f0: {  	[bflag:$0x0] =	sbarrier.arrive $0xFFFF  }
0x2f1: {  	_ =	strace $0x90000047  }
0x2f2: {  	s0 =	stileid.u32;
	[bflag:$0x2] =	sbarrier.arrive $0xFFFF  }
0x2f3: {  	p0 =	sne.s32 s0, $0x0;
	s0 =	rddreg [dreg:$0x9]  }
0x2f4: {  	s0 =	sadd.s32 @!p0 $0x100000, s0  }
0x2f5: {  	[sflag:s0] =	ssyncadd.tile.s32 @!p0 $0x1;
	_ =	shalt  }
.Lfunc_end2:
_tile_overlayer_lowered:
.L_overlay_start_2:
0x2f6: {  	(tag) =	ssettag $0x2  }
0x2f7: {  	s0 =	rddreg [dreg:$0x0];
	s2 =	stileid.u32  }
0x2f8: {  	s1 =	rddreg [dreg:$0x1];
	p0 =	sne.s32 s2, $0x0  }
0x2f9: {  	s3 =	rddreg [dreg:$0x2];
	[bflag:$0x3] =	sbarrier.arrive $0xFFFF;
	s2 =	simm.s32 @!p0 $0x1C02  }
0x2fa: {  	[timem:s3], [sflag:s2] =	dma.local @!p0 [hbm:s0], s1  }
0x2fb: {  	s0 =	simm.s32 @!p0 $0x2  }
0x2fc: {  	_ =	swait.ge @!p0 [sflag:s0], s1  }
0x2fd: {  	s1 =	ssub.s32 @!p0 $0x0, s1;
	[sflag:s0] =	ssyncset.done @!p0 $0x0  }
0x2fe: {  	[sflag:s0] =	ssyncadd.s32 @!p0 s1  }
0x2ff: {  	[bflag:$0x3] =	sbarrier.arrive $0xFFFF  }
0x300: {  	_ =	shalt  }

</sc_bundles>
